<compile_context>
chip_gen: v7x
topology: tpu7x:2x2x1
jax: 0.10.2.dev20260603
libtpu: 0.0.44.dev20260713+nightly
codegen_flags: <defaults>
</compile_context>

<pallas_src>
import functools

import jax
import jax.numpy as jnp
from jax import lax
from jax.experimental import pallas as pl
from jax.experimental.pallas import tpu as pltpu
from jax.experimental.pallas import tpu_sc as plsc

N = 10000
E = 320000
D = 128
L = 3
XH = 128
CH1 = 128
CH2 = 64

NC = 2
NS = 16
NW = NC * NS
KC = 128
NCH = 79
EPTP = NCH * KC
EPAD = NW * EPTP
HC = KC // 2
RPT = N // NS
NPAD = 10240
RZT = NPAD // NS
DW = 128


@functools.cache
def _sc_kernels():
    mesh = plsc.VectorSubcoreMesh(core_axis_name="c", subcore_axis_name="s",
                                  num_cores=NC, num_subcores=NS)

    @functools.partial(
        pl.kernel,
        out_type=jax.ShapeDtypeStruct((NC * NPAD, DW), jnp.float32),
        mesh=mesh,
        scratch_types=[
            pltpu.VMEM((NCH, KC), jnp.int32),
            pltpu.VMEM((KC, DW), jnp.float32),
            pltpu.VMEM_SHARED((NPAD, DW), jnp.float32),
        ],
    )
    def deg_kernel(dst_hbm, zeros_hbm, ones_hbm, out_hbm, dst_v, ones_v,
                   deg_sh):
        c = lax.axis_index("c")
        s = lax.axis_index("s")
        wid = c * NS + s
        pltpu.sync_copy(zeros_hbm, deg_sh.at[pl.ds(s * RZT, RZT)])
        pltpu.sync_copy(dst_hbm.at[wid], dst_v)
        pltpu.sync_copy(ones_hbm, ones_v)
        plsc.subcore_barrier()

        def body(j, carry):
            pltpu.sync_copy(ones_v, deg_sh.at[dst_v.at[j]], add=True)
            return carry

        lax.fori_loop(0, NCH, body, 0)
        plsc.subcore_barrier()
        pltpu.sync_copy(deg_sh.at[pl.ds(s * RZT, RZT)],
                        out_hbm.at[pl.ds(c * NPAD + s * RZT, RZT)])

    @functools.partial(
        pl.kernel,
        out_type=jax.ShapeDtypeStruct((NC * NPAD, D), jnp.float32),
        mesh=mesh,
        scratch_types=[
            pltpu.VMEM((NCH, KC), jnp.int32),
            pltpu.VMEM((NCH, KC), jnp.int32),
            pltpu.VMEM((KC, D), jnp.float32),
            pltpu.VMEM_SHARED((NPAD, D), jnp.float32),
            pltpu.SemaphoreType.DMA,
        ],
    )
    def agg_kernel(x_hbm, src_hbm, dst_hbm, zrows_hbm, out_hbm,
                   src_v, dst_v, rows_v, acc_sh, sem):
        c = lax.axis_index("c")
        s = lax.axis_index("s")
        wid = c * NS + s
        pltpu.sync_copy(zrows_hbm, acc_sh.at[pl.ds(s * RZT, RZT)])
        pltpu.sync_copy(src_hbm.at[wid], src_v)
        pltpu.sync_copy(dst_hbm.at[wid], dst_v)
        plsc.subcore_barrier()

        def gather(j, h):
            pltpu.async_copy(x_hbm.at[src_v.at[j, pl.ds(h * HC, HC)]],
                             rows_v.at[pl.ds(h * HC, HC)], sem)

        def gwait(j, h):
            pltpu.make_async_copy(x_hbm.at[src_v.at[j, pl.ds(h * HC, HC)]],
                                  rows_v.at[pl.ds(h * HC, HC)], sem).wait()

        def scat(j, h):
            pltpu.sync_copy(rows_v.at[pl.ds(h * HC, HC)],
                            acc_sh.at[dst_v.at[j, pl.ds(h * HC, HC)]],
                            add=True)

        gather(0, 0)

        def body(j, carry):
            gwait(j, 0)
            gather(j, 1)
            scat(j, 0)
            gwait(j, 1)
            jn = lax.select(j + 1 < NCH, j + 1, 0)
            pltpu.async_copy(x_hbm.at[src_v.at[jn, pl.ds(0, HC)]],
                             rows_v.at[pl.ds(0, HC)], sem)
            scat(j, 1)
            return carry

        lax.fori_loop(0, NCH, body, 0)
        gwait(0, 0)
        plsc.subcore_barrier()
        pltpu.sync_copy(acc_sh.at[pl.ds(s * RZT, RZT)],
                        out_hbm.at[pl.ds(c * NPAD + s * RZT, RZT)])

    @functools.partial(
        pl.kernel,
        out_type=jax.ShapeDtypeStruct((EPAD, D), jnp.float32),
        mesh=mesh,
        scratch_types=[
            pltpu.VMEM((NCH, KC), jnp.int32),
            pltpu.VMEM((NCH, KC), jnp.int32),
            pltpu.VMEM((2, KC, D), jnp.float32),
            pltpu.SemaphoreType.DMA,
            pltpu.SemaphoreType.DMA,
        ],
    )
    def pairs_kernel(a_hbm, b_hbm, i0_hbm, i1_hbm, g_hbm,
                     i0_v, i1_v, r_v, g_sem, w_sem):
        c = lax.axis_index("c")
        s = lax.axis_index("s")
        wid = c * NS + s
        pltpu.sync_copy(i0_hbm.at[wid], i0_v)
        pltpu.sync_copy(i1_hbm.at[wid], i1_v)
        base = wid * EPTP

        def gather_a(j, p):
            pltpu.async_copy(a_hbm.at[i0_v.at[j]], r_v.at[p], g_sem)

        def gwait_a(j, p):
            pltpu.make_async_copy(a_hbm.at[i0_v.at[j]], r_v.at[p],
                                  g_sem).wait()

        def add_b(j, p):
            pltpu.sync_copy(b_hbm.at[i1_v.at[j]], r_v.at[p], add=True)

        def write(j, p):
            pltpu.async_copy(r_v.at[p], g_hbm.at[pl.ds(base + j * KC, KC)],
                             w_sem)

        def wwait(j, p):
            pltpu.make_async_copy(r_v.at[p],
                                  g_hbm.at[pl.ds(base + j * KC, KC)],
                                  w_sem).wait()

        gather_a(0, 0)

        def body(t, carry):
            j0 = 2 * t
            gwait_a(j0, 0)
            gather_a(j0 + 1, 1)
            add_b(j0, 0)
            write(j0, 0)
            wwait(j0, 0)
            j1 = j0 + 1
            gwait_a(j1, 1)
            j2 = lax.select(j1 + 1 < NCH, j1 + 1, 0)
            pltpu.async_copy(a_hbm.at[i0_v.at[j2]], r_v.at[0], g_sem)
            add_b(j1, 1)
            write(j1, 1)
            wwait(j1, 1)
            return carry

        lax.fori_loop(0, NCH // 2, body, 0)
        gwait_a(NCH - 1, 0)
        if NCH % 2 == 1:
            add_b(NCH - 1, 0)
            write(NCH - 1, 0)
            wwait(NCH - 1, 0)

    return deg_kernel, agg_kernel, pairs_kernel



def _layer_body(with_res, parts_ref, degp_ref, x_ref, wl_ref, wr_ref, bl_ref,
                g_ref, b_ref, a_ref, out_ref):
    deg = degp_ref[0:N, 0:1] + degp_ref[NPAD:NPAD + N, 0:1]
    rd = 1.0 / jnp.clip(deg, 1.0, None)
    agg = (parts_ref[0:N, :] + parts_ref[NPAD:NPAD + N, :]) * rd
    x = x_ref[...]
    y = (jnp.dot(agg, wl_ref[...], preferred_element_type=jnp.float32)
         + bl_ref[...]
         + jnp.dot(x, wr_ref[...], preferred_element_type=jnp.float32))
    y = jax.nn.gelu(y)
    mean = jnp.mean(y, axis=0, keepdims=True)
    out = y - a_ref[...] * mean
    var = jnp.mean(out * out, axis=0, keepdims=True)
    out = out / jnp.sqrt(var + 1e-5) * g_ref[...] + b_ref[...]
    if with_res:
        out = out + x
    out_ref[...] = out


def _layer_tc(parts, degp, x, wl, wr, bl, g, b, a, with_res):
    return pl.pallas_call(
        functools.partial(_layer_body, with_res),
        out_shape=jax.ShapeDtypeStruct((N, D), jnp.float32),
    )(parts, degp, x, wl, wr, bl, g, b, a)


def _decoder_body(x1_ref, x2_ref, x3_ref, xres_ref, al_ref, w_ref, bvec_ref,
                  w1_ref, b1_ref, w2_ref, b2_ref, w3_ref, b3_ref,
                  c1_ref, cb1_ref, z_ref, a_out_ref, b_out_ref):
    al = al_ref[0, 0]
    acc = b1_ref[...]
    for k, xr in enumerate((x1_ref, x2_ref, x3_ref)):
        u = (jnp.tanh(al * xr[...]) * w_ref[:, k * D:(k + 1) * D]
             + bvec_ref[:, k * D:(k + 1) * D])
        acc = acc + jnp.dot(u, w1_ref[k * D:(k + 1) * D, :],
                            preferred_element_type=jnp.float32)
    h = jax.nn.gelu(acc)
    h = jax.nn.gelu(jnp.dot(h, w2_ref[...],
                            preferred_element_type=jnp.float32) + b2_ref[...])
    z = (jnp.dot(h, w3_ref[...], preferred_element_type=jnp.float32)
         + b3_ref[...] + xres_ref[...])
    z = z / (jnp.sqrt(jnp.sum(z * z, axis=1, keepdims=True)) + 1e-10)
    z_ref[...] = z
    a_out_ref[...] = jnp.dot(z, c1_ref[0:D, :],
                             preferred_element_type=jnp.float32)
    b_out_ref[...] = (jnp.dot(z, c1_ref[D:2 * D, :],
                              preferred_element_type=jnp.float32)
                      + cb1_ref[...])


def _decoder_tc(x1, x2, x3, xres, dyt_alpha, dyt_w, dyt_b,
                w1, b1, w2, b2, w3, b3, c1, cb1):
    return pl.pallas_call(
        _decoder_body,
        out_shape=(jax.ShapeDtypeStruct((N, D), jnp.float32),
                   jax.ShapeDtypeStruct((N, CH1), jnp.float32),
                   jax.ShapeDtypeStruct((N, CH1), jnp.float32)),
    )(x1, x2, x3, xres, dyt_alpha, dyt_w, dyt_b,
      w1, b1, w2, b2, w3, b3, c1, cb1)


BE = 4000


def _contact_body(g_ref, c2_ref, cb2_ref, c3_ref, cb3_ref, out_ref):
    h = jax.nn.gelu(g_ref[...])
    h = jax.nn.gelu(jnp.dot(h, c2_ref[...],
                            preferred_element_type=jnp.float32) + cb2_ref[...])
    logit = jnp.sum(h * c3_ref[...], axis=1, keepdims=True) + cb3_ref[...]
    out_ref[...] = jax.nn.sigmoid(logit)


def _contact_tc(g, c2, cb2, c3row, cb3):
    return pl.pallas_call(
        _contact_body,
        grid=(E // BE,),
        in_specs=[
            pl.BlockSpec((BE, D), lambda i: (i, 0)),
            pl.BlockSpec((D, CH2), lambda i: (0, 0)),
            pl.BlockSpec((1, CH2), lambda i: (0, 0)),
            pl.BlockSpec((1, CH2), lambda i: (0, 0)),
            pl.BlockSpec((1, 1), lambda i: (0, 0)),
        ],
        out_specs=pl.BlockSpec((BE, 1), lambda i: (i, 0)),
        out_shape=jax.ShapeDtypeStruct((E, 1), jnp.float32),
    )(g, c2, cb2, c3row, cb3)



def kernel(x_res, edge_index, contact_pred_index, Wl, Wr, bl, gn_gamma,
           gn_beta, gn_alpha, dyt_alpha, dyt_w, dyt_b, W1, b1, W2, b2, W3,
           b3, C1, cb1, C2, cb2, C3, cb3):
    def _pad(ix, ext):
        return jnp.concatenate([ix.astype(jnp.int32), ext]
                               ).reshape(NW, NCH, KC)

    spread = jnp.arange(EPAD - E, dtype=jnp.int32)
    src = _pad(edge_index[0], spread % N)
    dst = _pad(edge_index[1], N + spread % (NPAD - N))
    i0 = _pad(contact_pred_index[0], spread % N)
    i1 = _pad(contact_pred_index[1], (spread * 7 + 3) % N)

    zrows = jnp.zeros((RZT, D), jnp.float32)

    deg_kernel, agg_kernel, pairs_kernel = _sc_kernels()
    ones_kc = jnp.ones((KC, DW), jnp.float32)
    degp = deg_kernel(dst, zrows, ones_kc)

    x = x_res
    feats = []
    for i in range(L):
        parts = agg_kernel(x, src, dst, zrows)
        x = _layer_tc(parts, degp, x, Wl[i], Wr[i],
                      bl[i].reshape(1, D), gn_gamma[i].reshape(1, D),
                      gn_beta[i].reshape(1, D), gn_alpha[i].reshape(1, D),
                      with_res=(i > 0))
        feats.append(x)

    z, a_tab, b_tab = _decoder_tc(
        feats[0], feats[1], feats[2], x_res,
        dyt_alpha.reshape(1, 1), dyt_w.reshape(1, L * D),
        dyt_b.reshape(1, L * D), W1, b1.reshape(1, XH), W2,
        b2.reshape(1, XH), W3, b3.reshape(1, D), C1, cb1.reshape(1, CH1))

    g = pairs_kernel(a_tab, b_tab, i0, i1)

    contact = _contact_tc(g, C2, cb2.reshape(1, CH2),
                          C3.reshape(1, CH2), cb3.reshape(1, 1))
    return z, contact

# --- scband reference (transcript-rebuilt; emitter-appended) ---
"""Pipeline reference for scband-hetero-gae-geo-decoder-42734924595815 (READ-ONLY COPY).

The authoritative reference and input builder live on the scoring server;
editing this copy changes nothing except your own understanding.
"""

import jax, jax.numpy as jnp
import numpy as np

N = 10000
E = 320000
D = 128
L = 3
XH = 128
CH1 = 128
CH2 = 64

def _w(key, shape, fan_in):
    return (jax.random.normal(key, shape, dtype=jnp.float32) / np.sqrt(fan_in)).astype(jnp.float32)

def setup_inputs(seed: int = 0) -> dict:
    key = jax.random.key(seed)
    ks = jax.random.split(key, 32)
    inp = {}
    inp['x_res'] = jax.random.normal(ks[0], (N, D), dtype=jnp.float32)
    inp['edge_index'] = jax.random.randint(ks[1], (2, E), 0, N)
    inp['contact_pred_index'] = jax.random.randint(ks[2], (2, E), 0, N)
    # per-layer SAGEConv params: lin_l (aggregated neighbors, with bias), lin_r (root, no bias)
    inp['Wl'] = _w(ks[3], (L, D, D), D)
    inp['Wr'] = _w(ks[4], (L, D, D), D)
    inp['bl'] = jnp.zeros((L, D), dtype=jnp.float32)
    # GraphNorm params per layer
    inp['gn_gamma'] = jnp.ones((L, D), dtype=jnp.float32)
    inp['gn_beta'] = jnp.zeros((L, D), dtype=jnp.float32)
    inp['gn_alpha'] = jnp.ones((L, D), dtype=jnp.float32)
    # DynamicTanh on JK-concat features (L*D)
    inp['dyt_alpha'] = jnp.asarray(0.5, dtype=jnp.float32)
    inp['dyt_w'] = jnp.ones((L * D,), dtype=jnp.float32)
    inp['dyt_b'] = jnp.zeros((L * D,), dtype=jnp.float32)
    # lin decoder: (L*D) -> XH -> XH -> D
    inp['W1'] = _w(ks[5], (L * D, XH), L * D)
    inp['b1'] = jnp.zeros((XH,), dtype=jnp.float32)
    inp['W2'] = _w(ks[6], (XH, XH), XH)
    inp['b2'] = jnp.zeros((XH,), dtype=jnp.float32)
    inp['W3'] = _w(ks[7], (XH, D), XH)
    inp['b3'] = jnp.zeros((D,), dtype=jnp.float32)
    # contact MLP: 2*D -> CH1 -> CH2 -> 1
    inp['C1'] = _w(ks[8], (2 * D, CH1), 2 * D)
    inp['cb1'] = jnp.zeros((CH1,), dtype=jnp.float32)
    inp['C2'] = _w(ks[9], (CH1, CH2), CH1)
    inp['cb2'] = jnp.zeros((CH2,), dtype=jnp.float32)
    inp['C3'] = _w(ks[10], (CH2, 1), CH2)
    inp['cb3'] = jnp.zeros((1,), dtype=jnp.float32)
    return inp

def _sage(x, src, dst, Wl_i, Wr_i, bl_i):
    # mean aggregation of neighbor messages (scatter-add + degree normalize), then lin_l(agg) + lin_r(root)
    deg = jnp.zeros((x.shape[0],), dtype=x.dtype).at[dst].add(1.0)
    agg = jnp.zeros_like(x).at[dst].add(jnp.take(x, src, axis=0))
    agg = agg / jnp.clip(deg, 1.0)[:, None]
    return agg @ Wl_i + bl_i + x @ Wr_i

def _gnorm(x, g, b, a):
    mean = jnp.mean(x, axis=0, keepdims=True)
    out = x - a * mean
    var = jnp.mean(out * out, axis=0, keepdims=True)
    return out / jnp.sqrt(var + 1e-5) * g + b

def reference(x_res, edge_index, contact_pred_index, Wl, Wr, bl, gn_gamma, gn_beta, gn_alpha, dyt_alpha, dyt_w, dyt_b, W1, b1, W2, b2, W3, b3, C1, cb1, C2, cb2, C3, cb3):
    src = edge_index[0]
    dst = edge_index[1]
    inz = x_res
    x = x_res
    feats = []
    for i in range(L):
        prev = x
        x = _sage(x, src, dst, Wl[i], Wr[i], bl[i])
        x = jax.nn.gelu(x)
        x = _gnorm(x, gn_gamma[i], gn_beta[i], gn_alpha[i])
        if i > 0:
            x = x + prev
        feats.append(x)
    z = jnp.concatenate(feats, axis=1)  # JumpingKnowledge cat
    z = jnp.tanh(dyt_alpha * z) * dyt_w + dyt_b  # DynamicTanh
    z = jax.nn.gelu(z @ W1 + b1)
    z = jax.nn.gelu(z @ W2 + b2)
    z = z @ W3 + b3
    z = z + inz  # residual
    z = z / (jnp.linalg.norm(z, axis=1, keepdims=True) + 1e-10)  # normalize
    # contact prediction on node pairs
    zc = jnp.concatenate([jnp.take(z, contact_pred_index[0], axis=0), jnp.take(z, contact_pred_index[1], axis=0)], axis=1)
    h = jax.nn.gelu(zc @ C1 + cb1)
    h = jax.nn.gelu(h @ C2 + cb2)
    contact = jax.nn.sigmoid(h @ C3 + cb3)
    return z, contact

if __name__ == "__main__":
    import jax
    _d = setup_inputs()
    print(jax.jit(kernel)(*tuple(_d.values())))

</pallas_src>

<mosaic_0001>
#map = affine_map<(d0, d1) -> (0, 0, 0)>
#map1 = affine_map<(d0, d1) -> (0, 0)>
module attributes {stable_mosaic.version = 14 : i64} {
  func.func @deg_kernel(%arg0: i32, %arg1: i32, %arg2: memref<32x79x128xi32, #tpu.memory_space<hbm>>, %arg3: memref<640x128xf32, #tpu.memory_space<hbm>>, %arg4: memref<128x128xf32, #tpu.memory_space<hbm>>, %arg5: memref<20480x128xf32, #tpu.memory_space<hbm>>, %arg6: memref<79x128xi32, #tpu.memory_space<vmem>>, %arg7: memref<128x128xf32, #tpu.memory_space<vmem>>, %arg8: memref<10240x128xf32, #tpu.memory_space<vmem_shared>>) attributes {dimension_semantics = [#tpu.dimension_semantics<core_parallel>, #tpu.dimension_semantics<subcore_parallel>], iteration_bounds = array<i64: 2, 16>, scalar_prefetch = 0 : i64, scratch_operands = 3 : i64, tpu.core_type = #tpu.core_type<sc_vector_subcore>, window_params = [{transform_indices = #map}, {transform_indices = #map1}, {transform_indices = #map1}, {transform_indices = #map1}]} {
    %mul3A = arith.constant 16 : i32
    %mul3A_0 = arith.muli %arg0, %mul3A : i32
    %add3A = arith.addi %mul3A_0, %arg1 : i32
    %mul3A_1 = arith.constant 640 : i32
    %mul3A_2 = arith.muli %arg1, %mul3A_1 : i32
    "tpu.region"() ({
      %run_scoped3A = tpu.sem_alloc : memref<!tpu.dma_semaphore, #tpu.memory_space<semaphore_mem>>
      %dma_start3A = arith.constant 0 : i32
      %dma_start3A_16 = tpu.memref_slice %arg8[%mul3A_2, %dma_start3A] : memref<10240x128xf32, #tpu.memory_space<vmem_shared>> -> memref<640x128xf32, #tpu.memory_space<vmem_shared>>
      tpu.enqueue_dma source(%arg3 : memref<640x128xf32, #tpu.memory_space<hbm>>) target(%dma_start3A_16 : memref<640x128xf32, #tpu.memory_space<vmem_shared>>) target_semaphore(%run_scoped3A : memref<!tpu.dma_semaphore, #tpu.memory_space<semaphore_mem>>)
      %dma_wait3A = arith.constant 0 : i32
      %dma_wait3A_17 = tpu.memref_slice %arg8[%mul3A_2, %dma_wait3A] : memref<10240x128xf32, #tpu.memory_space<vmem_shared>> -> memref<640x128xf32, #tpu.memory_space<vmem_shared>>
      tpu.wait_dma2 semaphore(%run_scoped3A : memref<!tpu.dma_semaphore, #tpu.memory_space<semaphore_mem>>) src(%arg3 : memref<640x128xf32, #tpu.memory_space<hbm>>) dst(%dma_wait3A_17 : memref<640x128xf32, #tpu.memory_space<vmem_shared>>)
      tpu.yield
    }) : () -> ()
    "tpu.region"() ({
      %run_scoped3A = tpu.sem_alloc : memref<!tpu.dma_semaphore, #tpu.memory_space<semaphore_mem>>
      %dma_start3A = arith.constant 0 : i32
      %dma_start3A_16 = arith.constant 0 : i32
      %dma_start3A_17 = tpu.memref_slice %arg2[%add3A, %dma_start3A, %dma_start3A_16] : memref<32x79x128xi32, #tpu.memory_space<hbm>> -> memref<1x79x128xi32, #tpu.memory_space<hbm>>
      %dma_start3A_18 = tpu.memref_squeeze %dma_start3A_17 : memref<1x79x128xi32, #tpu.memory_space<hbm>> -> memref<79x128xi32, #tpu.memory_space<hbm>>
      %dma_start3A_19 = arith.constant 0 : i32
      %dma_start3A_20 = arith.constant 0 : i32
      %dma_start3A_21 = tpu.memref_slice %arg2[%add3A, %dma_start3A_19, %dma_start3A_20] : memref<32x79x128xi32, #tpu.memory_space<hbm>> -> memref<1x79x128xi32, #tpu.memory_space<hbm>>
      %dma_start3A_22 = tpu.memref_squeeze %dma_start3A_21 : memref<1x79x128xi32, #tpu.memory_space<hbm>> -> memref<79x128xi32, #tpu.memory_space<hbm>>
      tpu.enqueue_dma source(%dma_start3A_22 : memref<79x128xi32, #tpu.memory_space<hbm>>) target(%arg6 : memref<79x128xi32, #tpu.memory_space<vmem>>) target_semaphore(%run_scoped3A : memref<!tpu.dma_semaphore, #tpu.memory_space<semaphore_mem>>)
      %dma_wait3A = arith.constant 0 : i32
      %dma_wait3A_23 = arith.constant 0 : i32
      %dma_wait3A_24 = tpu.memref_slice %arg2[%add3A, %dma_wait3A, %dma_wait3A_23] : memref<32x79x128xi32, #tpu.memory_space<hbm>> -> memref<1x79x128xi32, #tpu.memory_space<hbm>>
      %dma_wait3A_25 = tpu.memref_squeeze %dma_wait3A_24 : memref<1x79x128xi32, #tpu.memory_space<hbm>> -> memref<79x128xi32, #tpu.memory_space<hbm>>
      %dma_wait3A_26 = arith.constant 0 : i32
      %dma_wait3A_27 = arith.constant 0 : i32
      %dma_wait3A_28 = tpu.memref_slice %arg2[%add3A, %dma_wait3A_26, %dma_wait3A_27] : memref<32x79x128xi32, #tpu.memory_space<hbm>> -> memref<1x79x128xi32, #tpu.memory_space<hbm>>
      %dma_wait3A_29 = tpu.memref_squeeze %dma_wait3A_28 : memref<1x79x128xi32, #tpu.memory_space<hbm>> -> memref<79x128xi32, #tpu.memory_space<hbm>>
      tpu.wait_dma2 semaphore(%run_scoped3A : memref<!tpu.dma_semaphore, #tpu.memory_space<semaphore_mem>>) src(%dma_wait3A_29 : memref<79x128xi32, #tpu.memory_space<hbm>>) dst(%arg6 : memref<79x128xi32, #tpu.memory_space<vmem>>)
      tpu.yield
    }) : () -> ()
    "tpu.region"() ({
      %run_scoped3A = tpu.sem_alloc : memref<!tpu.dma_semaphore, #tpu.memory_space<semaphore_mem>>
      tpu.enqueue_dma source(%arg4 : memref<128x128xf32, #tpu.memory_space<hbm>>) target(%arg7 : memref<128x128xf32, #tpu.memory_space<vmem>>) target_semaphore(%run_scoped3A : memref<!tpu.dma_semaphore, #tpu.memory_space<semaphore_mem>>)
      tpu.wait_dma2 semaphore(%run_scoped3A : memref<!tpu.dma_semaphore, #tpu.memory_space<semaphore_mem>>) src(%arg4 : memref<128x128xf32, #tpu.memory_space<hbm>>) dst(%arg7 : memref<128x128xf32, #tpu.memory_space<vmem>>)
      tpu.yield
    }) : () -> ()
    %barrier3A = arith.constant 0 : index
    tpu.barrier barrier_id(%barrier3A)
    %scan3A = arith.constant 0 : i32
    %scan3A_3 = arith.constant 0 : i32
    %scan3A_4 = arith.constant 79 : i32
    %scan3A_5 = arith.addi %scan3A_3, %scan3A_4 : i32
    %scan3A_6 = arith.constant 1 : i32
    scf.for %scan3A_16 = %scan3A_3 to %scan3A_5 step %scan3A_6  : i32 {
      "tpu.region"() ({
        %run_scoped3A = tpu.sem_alloc : memref<!tpu.dma_semaphore, #tpu.memory_space<semaphore_mem>>
        %dma_start3A = arith.constant 0 : i32
        %dma_start3A_17 = tpu.memref_slice %arg6[%scan3A_16, %dma_start3A] : memref<79x128xi32, #tpu.memory_space<vmem>> -> memref<1x128xi32, #tpu.memory_space<vmem>>
        %dma_start3A_18 = tpu.memref_squeeze %dma_start3A_17 : memref<1x128xi32, #tpu.memory_space<vmem>> -> memref<128xi32, #tpu.memory_space<vmem>>
        %dma_start3A_19 = arith.constant 0 : i32
        %dma_start3A_20 = arith.constant 0 : i32
        %dma_start3A_21 = tpu.memref_slice %arg8[%dma_start3A_19, %dma_start3A_20] : memref<10240x128xf32, #tpu.memory_space<vmem_shared>> -> memref<10240x128xf32, #tpu.memory_space<vmem_shared>>
        tpu.enqueue_indirect_dma source(%arg7 : memref<128x128xf32, #tpu.memory_space<vmem>>) target(%dma_start3A_21 : memref<10240x128xf32, #tpu.memory_space<vmem_shared>>) offsets(%dma_start3A_18 : memref<128xi32, #tpu.memory_space<vmem>>) semaphore(%run_scoped3A : memref<!tpu.dma_semaphore, #tpu.memory_space<semaphore_mem>>) {add = true}
        %dma_wait3A = arith.constant 0 : i32
        %dma_wait3A_22 = tpu.memref_slice %arg6[%scan3A_16, %dma_wait3A] : memref<79x128xi32, #tpu.memory_space<vmem>> -> memref<1x128xi32, #tpu.memory_space<vmem>>
        %dma_wait3A_23 = tpu.memref_squeeze %dma_wait3A_22 : memref<1x128xi32, #tpu.memory_space<vmem>> -> memref<128xi32, #tpu.memory_space<vmem>>
        %dma_wait3A_24 = arith.constant 0 : i32
        %dma_wait3A_25 = arith.constant 0 : i32
        %dma_wait3A_26 = tpu.memref_slice %arg8[%dma_wait3A_24, %dma_wait3A_25] : memref<10240x128xf32, #tpu.memory_space<vmem_shared>> -> memref<10240x128xf32, #tpu.memory_space<vmem_shared>>
        tpu.wait_indirect_dma semaphore(%run_scoped3A : memref<!tpu.dma_semaphore, #tpu.memory_space<semaphore_mem>>) src(%arg7 : memref<128x128xf32, #tpu.memory_space<vmem>>) dst(%dma_wait3A_26 : memref<10240x128xf32, #tpu.memory_space<vmem_shared>>)
        tpu.yield
      }) : () -> ()
    }
    %scan3A_7 = arith.constant 79 : i32
    %barrier3A_8 = arith.constant 0 : index
    tpu.barrier barrier_id(%barrier3A_8)
    %mul3A_9 = arith.constant 640 : i32
    %mul3A_10 = arith.muli %arg1, %mul3A_9 : i32
    %mul3A_11 = arith.constant 10240 : i32
    %mul3A_12 = arith.muli %arg0, %mul3A_11 : i32
    %mul3A_13 = arith.constant 640 : i32
    %mul3A_14 = arith.muli %arg1, %mul3A_13 : i32
    %add3A_15 = arith.addi %mul3A_12, %mul3A_14 : i32
    "tpu.region"() ({
      %run_scoped3A = tpu.sem_alloc : memref<!tpu.dma_semaphore, #tpu.memory_space<semaphore_mem>>
      %dma_start3A = arith.constant 0 : i32
      %dma_start3A_16 = tpu.memref_slice %arg5[%add3A_15, %dma_start3A] : memref<20480x128xf32, #tpu.memory_space<hbm>> -> memref<640x128xf32, #tpu.memory_space<hbm>>
      %dma_start3A_17 = arith.constant 0 : i32
      %dma_start3A_18 = tpu.memref_slice %arg8[%mul3A_10, %dma_start3A_17] : memref<10240x128xf32, #tpu.memory_space<vmem_shared>> -> memref<640x128xf32, #tpu.memory_space<vmem_shared>>
      tpu.enqueue_dma source(%dma_start3A_18 : memref<640x128xf32, #tpu.memory_space<vmem_shared>>) target(%dma_start3A_16 : memref<640x128xf32, #tpu.memory_space<hbm>>) target_semaphore(%run_scoped3A : memref<!tpu.dma_semaphore, #tpu.memory_space<semaphore_mem>>)
      %dma_wait3A = arith.constant 0 : i32
      %dma_wait3A_19 = tpu.memref_slice %arg5[%add3A_15, %dma_wait3A] : memref<20480x128xf32, #tpu.memory_space<hbm>> -> memref<640x128xf32, #tpu.memory_space<hbm>>
      %dma_wait3A_20 = arith.constant 0 : i32
      %dma_wait3A_21 = tpu.memref_slice %arg8[%mul3A_10, %dma_wait3A_20] : memref<10240x128xf32, #tpu.memory_space<vmem_shared>> -> memref<640x128xf32, #tpu.memory_space<vmem_shared>>
      tpu.wait_dma2 semaphore(%run_scoped3A : memref<!tpu.dma_semaphore, #tpu.memory_space<semaphore_mem>>) src(%dma_wait3A_21 : memref<640x128xf32, #tpu.memory_space<vmem_shared>>) dst(%dma_wait3A_19 : memref<640x128xf32, #tpu.memory_space<hbm>>)
      tpu.yield
    }) : () -> ()
    return
  }
}

#map = affine_map<(d0, d1) -> (0, 0)>
#map1 = affine_map<(d0, d1) -> (0, 0, 0)>
module attributes {stable_mosaic.version = 14 : i64} {
  func.func @agg_kernel(%arg0: i32, %arg1: i32, %arg2: memref<10000x128xf32, #tpu.memory_space<hbm>>, %arg3: memref<32x79x128xi32, #tpu.memory_space<hbm>>, %arg4: memref<32x79x128xi32, #tpu.memory_space<hbm>>, %arg5: memref<640x128xf32, #tpu.memory_space<hbm>>, %arg6: memref<20480x128xf32, #tpu.memory_space<hbm>>, %arg7: memref<79x128xi32, #tpu.memory_space<vmem>>, %arg8: memref<79x128xi32, #tpu.memory_space<vmem>>, %arg9: memref<128x128xf32, #tpu.memory_space<vmem>>, %arg10: memref<10240x128xf32, #tpu.memory_space<vmem_shared>>, %arg11: memref<!tpu.dma_semaphore, #tpu.memory_space<semaphore_mem>>) attributes {dimension_semantics = [#tpu.dimension_semantics<core_parallel>, #tpu.dimension_semantics<subcore_parallel>], iteration_bounds = array<i64: 2, 16>, scalar_prefetch = 0 : i64, scratch_operands = 5 : i64, tpu.core_type = #tpu.core_type<sc_vector_subcore>, window_params = [{transform_indices = #map}, {transform_indices = #map1}, {transform_indices = #map1}, {transform_indices = #map}, {transform_indices = #map}]} {
    %mul3A = arith.constant 16 : i32
    %mul3A_0 = arith.muli %arg0, %mul3A : i32
    %add3A = arith.addi %mul3A_0, %arg1 : i32
    %mul3A_1 = arith.constant 640 : i32
    %mul3A_2 = arith.muli %arg1, %mul3A_1 : i32
    "tpu.region"() ({
      %run_scoped3A = tpu.sem_alloc : memref<!tpu.dma_semaphore, #tpu.memory_space<semaphore_mem>>
      %dma_start3A_34 = arith.constant 0 : i32
      %dma_start3A_35 = tpu.memref_slice %arg10[%mul3A_2, %dma_start3A_34] : memref<10240x128xf32, #tpu.memory_space<vmem_shared>> -> memref<640x128xf32, #tpu.memory_space<vmem_shared>>
      tpu.enqueue_dma source(%arg5 : memref<640x128xf32, #tpu.memory_space<hbm>>) target(%dma_start3A_35 : memref<640x128xf32, #tpu.memory_space<vmem_shared>>) target_semaphore(%run_scoped3A : memref<!tpu.dma_semaphore, #tpu.memory_space<semaphore_mem>>)
      %dma_wait3A_36 = arith.constant 0 : i32
      %dma_wait3A_37 = tpu.memref_slice %arg10[%mul3A_2, %dma_wait3A_36] : memref<10240x128xf32, #tpu.memory_space<vmem_shared>> -> memref<640x128xf32, #tpu.memory_space<vmem_shared>>
      tpu.wait_dma2 semaphore(%run_scoped3A : memref<!tpu.dma_semaphore, #tpu.memory_space<semaphore_mem>>) src(%arg5 : memref<640x128xf32, #tpu.memory_space<hbm>>) dst(%dma_wait3A_37 : memref<640x128xf32, #tpu.memory_space<vmem_shared>>)
      tpu.yield
    }) : () -> ()
    "tpu.region"() ({
      %run_scoped3A = tpu.sem_alloc : memref<!tpu.dma_semaphore, #tpu.memory_space<semaphore_mem>>
      %dma_start3A_34 = arith.constant 0 : i32
      %dma_start3A_35 = arith.constant 0 : i32
      %dma_start3A_36 = tpu.memref_slice %arg3[%add3A, %dma_start3A_34, %dma_start3A_35] : memref<32x79x128xi32, #tpu.memory_space<hbm>> -> memref<1x79x128xi32, #tpu.memory_space<hbm>>
      %dma_start3A_37 = tpu.memref_squeeze %dma_start3A_36 : memref<1x79x128xi32, #tpu.memory_space<hbm>> -> memref<79x128xi32, #tpu.memory_space<hbm>>
      %dma_start3A_38 = arith.constant 0 : i32
      %dma_start3A_39 = arith.constant 0 : i32
      %dma_start3A_40 = tpu.memref_slice %arg3[%add3A, %dma_start3A_38, %dma_start3A_39] : memref<32x79x128xi32, #tpu.memory_space<hbm>> -> memref<1x79x128xi32, #tpu.memory_space<hbm>>
      %dma_start3A_41 = tpu.memref_squeeze %dma_start3A_40 : memref<1x79x128xi32, #tpu.memory_space<hbm>> -> memref<79x128xi32, #tpu.memory_space<hbm>>
      tpu.enqueue_dma source(%dma_start3A_41 : memref<79x128xi32, #tpu.memory_space<hbm>>) target(%arg7 : memref<79x128xi32, #tpu.memory_space<vmem>>) target_semaphore(%run_scoped3A : memref<!tpu.dma_semaphore, #tpu.memory_space<semaphore_mem>>)
      %dma_wait3A_42 = arith.constant 0 : i32
      %dma_wait3A_43 = arith.constant 0 : i32
      %dma_wait3A_44 = tpu.memref_slice %arg3[%add3A, %dma_wait3A_42, %dma_wait3A_43] : memref<32x79x128xi32, #tpu.memory_space<hbm>> -> memref<1x79x128xi32, #tpu.memory_space<hbm>>
      %dma_wait3A_45 = tpu.memref_squeeze %dma_wait3A_44 : memref<1x79x128xi32, #tpu.memory_space<hbm>> -> memref<79x128xi32, #tpu.memory_space<hbm>>
      %dma_wait3A_46 = arith.constant 0 : i32
      %dma_wait3A_47 = arith.constant 0 : i32
      %dma_wait3A_48 = tpu.memref_slice %arg3[%add3A, %dma_wait3A_46, %dma_wait3A_47] : memref<32x79x128xi32, #tpu.memory_space<hbm>> -> memref<1x79x128xi32, #tpu.memory_space<hbm>>
      %dma_wait3A_49 = tpu.memref_squeeze %dma_wait3A_48 : memref<1x79x128xi32, #tpu.memory_space<hbm>> -> memref<79x128xi32, #tpu.memory_space<hbm>>
      tpu.wait_dma2 semaphore(%run_scoped3A : memref<!tpu.dma_semaphore, #tpu.memory_space<semaphore_mem>>) src(%dma_wait3A_49 : memref<79x128xi32, #tpu.memory_space<hbm>>) dst(%arg7 : memref<79x128xi32, #tpu.memory_space<vmem>>)
      tpu.yield
    }) : () -> ()
    "tpu.region"() ({
      %run_scoped3A = tpu.sem_alloc : memref<!tpu.dma_semaphore, #tpu.memory_space<semaphore_mem>>
      %dma_start3A_34 = arith.constant 0 : i32
      %dma_start3A_35 = arith.constant 0 : i32
      %dma_start3A_36 = tpu.memref_slice %arg4[%add3A, %dma_start3A_34, %dma_start3A_35] : memref<32x79x128xi32, #tpu.memory_space<hbm>> -> memref<1x79x128xi32, #tpu.memory_space<hbm>>
      %dma_start3A_37 = tpu.memref_squeeze %dma_start3A_36 : memref<1x79x128xi32, #tpu.memory_space<hbm>> -> memref<79x128xi32, #tpu.memory_space<hbm>>
      %dma_start3A_38 = arith.constant 0 : i32
      %dma_start3A_39 = arith.constant 0 : i32
      %dma_start3A_40 = tpu.memref_slice %arg4[%add3A, %dma_start3A_38, %dma_start3A_39] : memref<32x79x128xi32, #tpu.memory_space<hbm>> -> memref<1x79x128xi32, #tpu.memory_space<hbm>>
      %dma_start3A_41 = tpu.memref_squeeze %dma_start3A_40 : memref<1x79x128xi32, #tpu.memory_space<hbm>> -> memref<79x128xi32, #tpu.memory_space<hbm>>
      tpu.enqueue_dma source(%dma_start3A_41 : memref<79x128xi32, #tpu.memory_space<hbm>>) target(%arg8 : memref<79x128xi32, #tpu.memory_space<vmem>>) target_semaphore(%run_scoped3A : memref<!tpu.dma_semaphore, #tpu.memory_space<semaphore_mem>>)
      %dma_wait3A_42 = arith.constant 0 : i32
      %dma_wait3A_43 = arith.constant 0 : i32
      %dma_wait3A_44 = tpu.memref_slice %arg4[%add3A, %dma_wait3A_42, %dma_wait3A_43] : memref<32x79x128xi32, #tpu.memory_space<hbm>> -> memref<1x79x128xi32, #tpu.memory_space<hbm>>
      %dma_wait3A_45 = tpu.memref_squeeze %dma_wait3A_44 : memref<1x79x128xi32, #tpu.memory_space<hbm>> -> memref<79x128xi32, #tpu.memory_space<hbm>>
      %dma_wait3A_46 = arith.constant 0 : i32
      %dma_wait3A_47 = arith.constant 0 : i32
      %dma_wait3A_48 = tpu.memref_slice %arg4[%add3A, %dma_wait3A_46, %dma_wait3A_47] : memref<32x79x128xi32, #tpu.memory_space<hbm>> -> memref<1x79x128xi32, #tpu.memory_space<hbm>>
      %dma_wait3A_49 = tpu.memref_squeeze %dma_wait3A_48 : memref<1x79x128xi32, #tpu.memory_space<hbm>> -> memref<79x128xi32, #tpu.memory_space<hbm>>
      tpu.wait_dma2 semaphore(%run_scoped3A : memref<!tpu.dma_semaphore, #tpu.memory_space<semaphore_mem>>) src(%dma_wait3A_49 : memref<79x128xi32, #tpu.memory_space<hbm>>) dst(%arg8 : memref<79x128xi32, #tpu.memory_space<vmem>>)
      tpu.yield
    }) : () -> ()
    %barrier3A = arith.constant 0 : index
    tpu.barrier barrier_id(%barrier3A)
    %dma_start3A = arith.constant 0 : i32
    %dma_start3A_3 = arith.constant 0 : i32
    %dma_start3A_4 = arith.constant 0 : i32
    %dma_start3A_5 = tpu.memref_slice %arg9[%dma_start3A_3, %dma_start3A_4] : memref<128x128xf32, #tpu.memory_space<vmem>> -> memref<64x128xf32, #tpu.memory_space<vmem>>
    %dma_start3A_6 = arith.constant 0 : i32
    %dma_start3A_7 = tpu.memref_slice %arg7[%dma_start3A, %dma_start3A_6] : memref<79x128xi32, #tpu.memory_space<vmem>> -> memref<1x64xi32, #tpu.memory_space<vmem>>
    %dma_start3A_8 = tpu.memref_squeeze %dma_start3A_7 : memref<1x64xi32, #tpu.memory_space<vmem>> -> memref<64xi32, #tpu.memory_space<vmem>>
    %dma_start3A_9 = arith.constant 0 : i32
    %dma_start3A_10 = arith.constant 0 : i32
    %dma_start3A_11 = tpu.memref_slice %arg2[%dma_start3A_9, %dma_start3A_10] : memref<10000x128xf32, #tpu.memory_space<hbm>> -> memref<10000x128xf32, #tpu.memory_space<hbm>>
    tpu.enqueue_indirect_dma source(%dma_start3A_11 : memref<10000x128xf32, #tpu.memory_space<hbm>>) target(%dma_start3A_5 : memref<64x128xf32, #tpu.memory_space<vmem>>) offsets(%dma_start3A_8 : memref<64xi32, #tpu.memory_space<vmem>>) semaphore(%arg11 : memref<!tpu.dma_semaphore, #tpu.memory_space<semaphore_mem>>)
    %scan3A = arith.constant 0 : i32
    %scan3A_12 = arith.constant 0 : i32
    %scan3A_13 = arith.constant 79 : i32
    %scan3A_14 = arith.addi %scan3A_12, %scan3A_13 : i32
    %scan3A_15 = arith.constant 1 : i32
    scf.for %scan3A_34 = %scan3A_12 to %scan3A_14 step %scan3A_15  : i32 {
      %dma_wait3A_35 = arith.constant 0 : i32
      %dma_wait3A_36 = arith.constant 0 : i32
      %dma_wait3A_37 = tpu.memref_slice %arg9[%dma_wait3A_35, %dma_wait3A_36] : memref<128x128xf32, #tpu.memory_space<vmem>> -> memref<64x128xf32, #tpu.memory_space<vmem>>
      %dma_wait3A_38 = arith.constant 0 : i32
      %dma_wait3A_39 = tpu.memref_slice %arg7[%scan3A_34, %dma_wait3A_38] : memref<79x128xi32, #tpu.memory_space<vmem>> -> memref<1x64xi32, #tpu.memory_space<vmem>>
      %dma_wait3A_40 = tpu.memref_squeeze %dma_wait3A_39 : memref<1x64xi32, #tpu.memory_space<vmem>> -> memref<64xi32, #tpu.memory_space<vmem>>
      %dma_wait3A_41 = arith.constant 0 : i32
      %dma_wait3A_42 = arith.constant 0 : i32
      %dma_wait3A_43 = tpu.memref_slice %arg2[%dma_wait3A_41, %dma_wait3A_42] : memref<10000x128xf32, #tpu.memory_space<hbm>> -> memref<10000x128xf32, #tpu.memory_space<hbm>>
      tpu.wait_indirect_dma semaphore(%arg11 : memref<!tpu.dma_semaphore, #tpu.memory_space<semaphore_mem>>) src(%dma_wait3A_43 : memref<10000x128xf32, #tpu.memory_space<hbm>>) dst(%dma_wait3A_37 : memref<64x128xf32, #tpu.memory_space<vmem>>)
      %dma_start3A_44 = arith.constant 64 : i32
      %dma_start3A_45 = arith.constant 0 : i32
      %dma_start3A_46 = tpu.memref_slice %arg9[%dma_start3A_44, %dma_start3A_45] : memref<128x128xf32, #tpu.memory_space<vmem>> -> memref<64x128xf32, #tpu.memory_space<vmem>>
      %dma_start3A_47 = arith.constant 64 : i32
      %dma_start3A_48 = tpu.memref_slice %arg7[%scan3A_34, %dma_start3A_47] : memref<79x128xi32, #tpu.memory_space<vmem>> -> memref<1x64xi32, #tpu.memory_space<vmem>>
      %dma_start3A_49 = tpu.memref_squeeze %dma_start3A_48 : memref<1x64xi32, #tpu.memory_space<vmem>> -> memref<64xi32, #tpu.memory_space<vmem>>
      %dma_start3A_50 = arith.constant 0 : i32
      %dma_start3A_51 = arith.constant 0 : i32
      %dma_start3A_52 = tpu.memref_slice %arg2[%dma_start3A_50, %dma_start3A_51] : memref<10000x128xf32, #tpu.memory_space<hbm>> -> memref<10000x128xf32, #tpu.memory_space<hbm>>
      tpu.enqueue_indirect_dma source(%dma_start3A_52 : memref<10000x128xf32, #tpu.memory_space<hbm>>) target(%dma_start3A_46 : memref<64x128xf32, #tpu.memory_space<vmem>>) offsets(%dma_start3A_49 : memref<64xi32, #tpu.memory_space<vmem>>) semaphore(%arg11 : memref<!tpu.dma_semaphore, #tpu.memory_space<semaphore_mem>>)
      "tpu.region"() ({
        %run_scoped3A = tpu.sem_alloc : memref<!tpu.dma_semaphore, #tpu.memory_space<semaphore_mem>>
        %dma_start3A_77 = arith.constant 0 : i32
        %dma_start3A_78 = arith.constant 0 : i32
        %dma_start3A_79 = tpu.memref_slice %arg9[%dma_start3A_77, %dma_start3A_78] : memref<128x128xf32, #tpu.memory_space<vmem>> -> memref<64x128xf32, #tpu.memory_space<vmem>>
        %dma_start3A_80 = arith.constant 0 : i32
        %dma_start3A_81 = tpu.memref_slice %arg8[%scan3A_34, %dma_start3A_80] : memref<79x128xi32, #tpu.memory_space<vmem>> -> memref<1x64xi32, #tpu.memory_space<vmem>>
        %dma_start3A_82 = tpu.memref_squeeze %dma_start3A_81 : memref<1x64xi32, #tpu.memory_space<vmem>> -> memref<64xi32, #tpu.memory_space<vmem>>
        %dma_start3A_83 = arith.constant 0 : i32
        %dma_start3A_84 = arith.constant 0 : i32
        %dma_start3A_85 = tpu.memref_slice %arg10[%dma_start3A_83, %dma_start3A_84] : memref<10240x128xf32, #tpu.memory_space<vmem_shared>> -> memref<10240x128xf32, #tpu.memory_space<vmem_shared>>
        tpu.enqueue_indirect_dma source(%dma_start3A_79 : memref<64x128xf32, #tpu.memory_space<vmem>>) target(%dma_start3A_85 : memref<10240x128xf32, #tpu.memory_space<vmem_shared>>) offsets(%dma_start3A_82 : memref<64xi32, #tpu.memory_space<vmem>>) semaphore(%run_scoped3A : memref<!tpu.dma_semaphore, #tpu.memory_space<semaphore_mem>>) {add = true}
        %dma_wait3A_86 = arith.constant 0 : i32
        %dma_wait3A_87 = arith.constant 0 : i32
        %dma_wait3A_88 = tpu.memref_slice %arg9[%dma_wait3A_86, %dma_wait3A_87] : memref<128x128xf32, #tpu.memory_space<vmem>> -> memref<64x128xf32, #tpu.memory_space<vmem>>
        %dma_wait3A_89 = arith.constant 0 : i32
        %dma_wait3A_90 = tpu.memref_slice %arg8[%scan3A_34, %dma_wait3A_89] : memref<79x128xi32, #tpu.memory_space<vmem>> -> memref<1x64xi32, #tpu.memory_space<vmem>>
        %dma_wait3A_91 = tpu.memref_squeeze %dma_wait3A_90 : memref<1x64xi32, #tpu.memory_space<vmem>> -> memref<64xi32, #tpu.memory_space<vmem>>
        %dma_wait3A_92 = arith.constant 0 : i32
        %dma_wait3A_93 = arith.constant 0 : i32
        %dma_wait3A_94 = tpu.memref_slice %arg10[%dma_wait3A_92, %dma_wait3A_93] : memref<10240x128xf32, #tpu.memory_space<vmem_shared>> -> memref<10240x128xf32, #tpu.memory_space<vmem_shared>>
        tpu.wait_indirect_dma semaphore(%run_scoped3A : memref<!tpu.dma_semaphore, #tpu.memory_space<semaphore_mem>>) src(%dma_wait3A_88 : memref<64x128xf32, #tpu.memory_space<vmem>>) dst(%dma_wait3A_94 : memref<10240x128xf32, #tpu.memory_space<vmem_shared>>)
        tpu.yield
      }) : () -> ()
      %dma_wait3A_53 = arith.constant 64 : i32
      %dma_wait3A_54 = arith.constant 0 : i32
      %dma_wait3A_55 = tpu.memref_slice %arg9[%dma_wait3A_53, %dma_wait3A_54] : memref<128x128xf32, #tpu.memory_space<vmem>> -> memref<64x128xf32, #tpu.memory_space<vmem>>
      %dma_wait3A_56 = arith.constant 64 : i32
      %dma_wait3A_57 = tpu.memref_slice %arg7[%scan3A_34, %dma_wait3A_56] : memref<79x128xi32, #tpu.memory_space<vmem>> -> memref<1x64xi32, #tpu.memory_space<vmem>>
      %dma_wait3A_58 = tpu.memref_squeeze %dma_wait3A_57 : memref<1x64xi32, #tpu.memory_space<vmem>> -> memref<64xi32, #tpu.memory_space<vmem>>
      %dma_wait3A_59 = arith.constant 0 : i32
      %dma_wait3A_60 = arith.constant 0 : i32
      %dma_wait3A_61 = tpu.memref_slice %arg2[%dma_wait3A_59, %dma_wait3A_60] : memref<10000x128xf32, #tpu.memory_space<hbm>> -> memref<10000x128xf32, #tpu.memory_space<hbm>>
      tpu.wait_indirect_dma semaphore(%arg11 : memref<!tpu.dma_semaphore, #tpu.memory_space<semaphore_mem>>) src(%dma_wait3A_61 : memref<10000x128xf32, #tpu.memory_space<hbm>>) dst(%dma_wait3A_55 : memref<64x128xf32, #tpu.memory_space<vmem>>)
      %add3A_62 = arith.constant 1 : i32
      %add3A_63 = arith.addi %scan3A_34, %add3A_62 : i32
      %lt3A = arith.constant 79 : i32
      %lt3A_64 = arith.cmpi slt, %add3A_63, %lt3A : i32
      %add3A_65 = arith.constant 1 : i32
      %add3A_66 = arith.addi %scan3A_34, %add3A_65 : i32
      %select_n3A = arith.constant 0 : i32
      %select_n3A_67 = arith.select %lt3A_64, %add3A_66, %select_n3A : i32
      %dma_start3A_68 = arith.constant 0 : i32
      %dma_start3A_69 = arith.constant 0 : i32
      %dma_start3A_70 = tpu.memref_slice %arg9[%dma_start3A_68, %dma_start3A_69] : memref<128x128xf32, #tpu.memory_space<vmem>> -> memref<64x128xf32, #tpu.memory_space<vmem>>
      %dma_start3A_71 = arith.constant 0 : i32
      %dma_start3A_72 = tpu.memref_slice %arg7[%select_n3A_67, %dma_start3A_71] : memref<79x128xi32, #tpu.memory_space<vmem>> -> memref<1x64xi32, #tpu.memory_space<vmem>>
      %dma_start3A_73 = tpu.memref_squeeze %dma_start3A_72 : memref<1x64xi32, #tpu.memory_space<vmem>> -> memref<64xi32, #tpu.memory_space<vmem>>
      %dma_start3A_74 = arith.constant 0 : i32
      %dma_start3A_75 = arith.constant 0 : i32
      %dma_start3A_76 = tpu.memref_slice %arg2[%dma_start3A_74, %dma_start3A_75] : memref<10000x128xf32, #tpu.memory_space<hbm>> -> memref<10000x128xf32, #tpu.memory_space<hbm>>
      tpu.enqueue_indirect_dma source(%dma_start3A_76 : memref<10000x128xf32, #tpu.memory_space<hbm>>) target(%dma_start3A_70 : memref<64x128xf32, #tpu.memory_space<vmem>>) offsets(%dma_start3A_73 : memref<64xi32, #tpu.memory_space<vmem>>) semaphore(%arg11 : memref<!tpu.dma_semaphore, #tpu.memory_space<semaphore_mem>>)
      "tpu.region"() ({
        %run_scoped3A = tpu.sem_alloc : memref<!tpu.dma_semaphore, #tpu.memory_space<semaphore_mem>>
        %dma_start3A_77 = arith.constant 64 : i32
        %dma_start3A_78 = arith.constant 0 : i32
        %dma_start3A_79 = tpu.memref_slice %arg9[%dma_start3A_77, %dma_start3A_78] : memref<128x128xf32, #tpu.memory_space<vmem>> -> memref<64x128xf32, #tpu.memory_space<vmem>>
        %dma_start3A_80 = arith.constant 64 : i32
        %dma_start3A_81 = tpu.memref_slice %arg8[%scan3A_34, %dma_start3A_80] : memref<79x128xi32, #tpu.memory_space<vmem>> -> memref<1x64xi32, #tpu.memory_space<vmem>>
        %dma_start3A_82 = tpu.memref_squeeze %dma_start3A_81 : memref<1x64xi32, #tpu.memory_space<vmem>> -> memref<64xi32, #tpu.memory_space<vmem>>
        %dma_start3A_83 = arith.constant 0 : i32
        %dma_start3A_84 = arith.constant 0 : i32
        %dma_start3A_85 = tpu.memref_slice %arg10[%dma_start3A_83, %dma_start3A_84] : memref<10240x128xf32, #tpu.memory_space<vmem_shared>> -> memref<10240x128xf32, #tpu.memory_space<vmem_shared>>
        tpu.enqueue_indirect_dma source(%dma_start3A_79 : memref<64x128xf32, #tpu.memory_space<vmem>>) target(%dma_start3A_85 : memref<10240x128xf32, #tpu.memory_space<vmem_shared>>) offsets(%dma_start3A_82 : memref<64xi32, #tpu.memory_space<vmem>>) semaphore(%run_scoped3A : memref<!tpu.dma_semaphore, #tpu.memory_space<semaphore_mem>>) {add = true}
        %dma_wait3A_86 = arith.constant 64 : i32
        %dma_wait3A_87 = arith.constant 0 : i32
        %dma_wait3A_88 = tpu.memref_slice %arg9[%dma_wait3A_86, %dma_wait3A_87] : memref<128x128xf32, #tpu.memory_space<vmem>> -> memref<64x128xf32, #tpu.memory_space<vmem>>
        %dma_wait3A_89 = arith.constant 64 : i32
        %dma_wait3A_90 = tpu.memref_slice %arg8[%scan3A_34, %dma_wait3A_89] : memref<79x128xi32, #tpu.memory_space<vmem>> -> memref<1x64xi32, #tpu.memory_space<vmem>>
        %dma_wait3A_91 = tpu.memref_squeeze %dma_wait3A_90 : memref<1x64xi32, #tpu.memory_space<vmem>> -> memref<64xi32, #tpu.memory_space<vmem>>
        %dma_wait3A_92 = arith.constant 0 : i32
        %dma_wait3A_93 = arith.constant 0 : i32
        %dma_wait3A_94 = tpu.memref_slice %arg10[%dma_wait3A_92, %dma_wait3A_93] : memref<10240x128xf32, #tpu.memory_space<vmem_shared>> -> memref<10240x128xf32, #tpu.memory_space<vmem_shared>>
        tpu.wait_indirect_dma semaphore(%run_scoped3A : memref<!tpu.dma_semaphore, #tpu.memory_space<semaphore_mem>>) src(%dma_wait3A_88 : memref<64x128xf32, #tpu.memory_space<vmem>>) dst(%dma_wait3A_94 : memref<10240x128xf32, #tpu.memory_space<vmem_shared>>)
        tpu.yield
      }) : () -> ()
    }
    %scan3A_16 = arith.constant 79 : i32
    %dma_wait3A = arith.constant 0 : i32
    %dma_wait3A_17 = arith.constant 0 : i32
    %dma_wait3A_18 = arith.constant 0 : i32
    %dma_wait3A_19 = tpu.memref_slice %arg9[%dma_wait3A_17, %dma_wait3A_18] : memref<128x128xf32, #tpu.memory_space<vmem>> -> memref<64x128xf32, #tpu.memory_space<vmem>>
    %dma_wait3A_20 = arith.constant 0 : i32
    %dma_wait3A_21 = tpu.memref_slice %arg7[%dma_wait3A, %dma_wait3A_20] : memref<79x128xi32, #tpu.memory_space<vmem>> -> memref<1x64xi32, #tpu.memory_space<vmem>>
    %dma_wait3A_22 = tpu.memref_squeeze %dma_wait3A_21 : memref<1x64xi32, #tpu.memory_space<vmem>> -> memref<64xi32, #tpu.memory_space<vmem>>
    %dma_wait3A_23 = arith.constant 0 : i32
    %dma_wait3A_24 = arith.constant 0 : i32
    %dma_wait3A_25 = tpu.memref_slice %arg2[%dma_wait3A_23, %dma_wait3A_24] : memref<10000x128xf32, #tpu.memory_space<hbm>> -> memref<10000x128xf32, #tpu.memory_space<hbm>>
    tpu.wait_indirect_dma semaphore(%arg11 : memref<!tpu.dma_semaphore, #tpu.memory_space<semaphore_mem>>) src(%dma_wait3A_25 : memref<10000x128xf32, #tpu.memory_space<hbm>>) dst(%dma_wait3A_19 : memref<64x128xf32, #tpu.memory_space<vmem>>)
    %barrier3A_26 = arith.constant 0 : index
    tpu.barrier barrier_id(%barrier3A_26)
    %mul3A_27 = arith.constant 640 : i32
    %mul3A_28 = arith.muli %arg1, %mul3A_27 : i32
    %mul3A_29 = arith.constant 10240 : i32
    %mul3A_30 = arith.muli %arg0, %mul3A_29 : i32
    %mul3A_31 = arith.constant 640 : i32
    %mul3A_32 = arith.muli %arg1, %mul3A_31 : i32
    %add3A_33 = arith.addi %mul3A_30, %mul3A_32 : i32
    "tpu.region"() ({
      %run_scoped3A = tpu.sem_alloc : memref<!tpu.dma_semaphore, #tpu.memory_space<semaphore_mem>>
      %dma_start3A_34 = arith.constant 0 : i32
      %dma_start3A_35 = tpu.memref_slice %arg6[%add3A_33, %dma_start3A_34] : memref<20480x128xf32, #tpu.memory_space<hbm>> -> memref<640x128xf32, #tpu.memory_space<hbm>>
      %dma_start3A_36 = arith.constant 0 : i32
      %dma_start3A_37 = tpu.memref_slice %arg10[%mul3A_28, %dma_start3A_36] : memref<10240x128xf32, #tpu.memory_space<vmem_shared>> -> memref<640x128xf32, #tpu.memory_space<vmem_shared>>
      tpu.enqueue_dma source(%dma_start3A_37 : memref<640x128xf32, #tpu.memory_space<vmem_shared>>) target(%dma_start3A_35 : memref<640x128xf32, #tpu.memory_space<hbm>>) target_semaphore(%run_scoped3A : memref<!tpu.dma_semaphore, #tpu.memory_space<semaphore_mem>>)
      %dma_wait3A_38 = arith.constant 0 : i32
      %dma_wait3A_39 = tpu.memref_slice %arg6[%add3A_33, %dma_wait3A_38] : memref<20480x128xf32, #tpu.memory_space<hbm>> -> memref<640x128xf32, #tpu.memory_space<hbm>>
      %dma_wait3A_40 = arith.constant 0 : i32
      %dma_wait3A_41 = tpu.memref_slice %arg10[%mul3A_28, %dma_wait3A_40] : memref<10240x128xf32, #tpu.memory_space<vmem_shared>> -> memref<640x128xf32, #tpu.memory_space<vmem_shared>>
      tpu.wait_dma2 semaphore(%run_scoped3A : memref<!tpu.dma_semaphore, #tpu.memory_space<semaphore_mem>>) src(%dma_wait3A_41 : memref<640x128xf32, #tpu.memory_space<vmem_shared>>) dst(%dma_wait3A_39 : memref<640x128xf32, #tpu.memory_space<hbm>>)
      tpu.yield
    }) : () -> ()
    return
  }
}

#map = affine_map<(d0, d1) -> (0, 0)>
#map1 = affine_map<(d0, d1) -> (0, 0, 0)>
module attributes {stable_mosaic.version = 14 : i64} {
  func.func @agg_kernel(%arg0: i32, %arg1: i32, %arg2: memref<10000x128xf32, #tpu.memory_space<hbm>>, %arg3: memref<32x79x128xi32, #tpu.memory_space<hbm>>, %arg4: memref<32x79x128xi32, #tpu.memory_space<hbm>>, %arg5: memref<640x128xf32, #tpu.memory_space<hbm>>, %arg6: memref<20480x128xf32, #tpu.memory_space<hbm>>, %arg7: memref<79x128xi32, #tpu.memory_space<vmem>>, %arg8: memref<79x128xi32, #tpu.memory_space<vmem>>, %arg9: memref<128x128xf32, #tpu.memory_space<vmem>>, %arg10: memref<10240x128xf32, #tpu.memory_space<vmem_shared>>, %arg11: memref<!tpu.dma_semaphore, #tpu.memory_space<semaphore_mem>>) attributes {dimension_semantics = [#tpu.dimension_semantics<core_parallel>, #tpu.dimension_semantics<subcore_parallel>], iteration_bounds = array<i64: 2, 16>, scalar_prefetch = 0 : i64, scratch_operands = 5 : i64, tpu.core_type = #tpu.core_type<sc_vector_subcore>, window_params = [{transform_indices = #map}, {transform_indices = #map1}, {transform_indices = #map1}, {transform_indices = #map}, {transform_indices = #map}]} {
    %mul3A = arith.constant 16 : i32
    %mul3A_0 = arith.muli %arg0, %mul3A : i32
    %add3A = arith.addi %mul3A_0, %arg1 : i32
    %mul3A_1 = arith.constant 640 : i32
    %mul3A_2 = arith.muli %arg1, %mul3A_1 : i32
    "tpu.region"() ({
      %run_scoped3A = tpu.sem_alloc : memref<!tpu.dma_semaphore, #tpu.memory_space<semaphore_mem>>
      %dma_start3A_34 = arith.constant 0 : i32
      %dma_start3A_35 = tpu.memref_slice %arg10[%mul3A_2, %dma_start3A_34] : memref<10240x128xf32, #tpu.memory_space<vmem_shared>> -> memref<640x128xf32, #tpu.memory_space<vmem_shared>>
      tpu.enqueue_dma source(%arg5 : memref<640x128xf32, #tpu.memory_space<hbm>>) target(%dma_start3A_35 : memref<640x128xf32, #tpu.memory_space<vmem_shared>>) target_semaphore(%run_scoped3A : memref<!tpu.dma_semaphore, #tpu.memory_space<semaphore_mem>>)
      %dma_wait3A_36 = arith.constant 0 : i32
      %dma_wait3A_37 = tpu.memref_slice %arg10[%mul3A_2, %dma_wait3A_36] : memref<10240x128xf32, #tpu.memory_space<vmem_shared>> -> memref<640x128xf32, #tpu.memory_space<vmem_shared>>
      tpu.wait_dma2 semaphore(%run_scoped3A : memref<!tpu.dma_semaphore, #tpu.memory_space<semaphore_mem>>) src(%arg5 : memref<640x128xf32, #tpu.memory_space<hbm>>) dst(%dma_wait3A_37 : memref<640x128xf32, #tpu.memory_space<vmem_shared>>)
      tpu.yield
    }) : () -> ()
    "tpu.region"() ({
      %run_scoped3A = tpu.sem_alloc : memref<!tpu.dma_semaphore, #tpu.memory_space<semaphore_mem>>
      %dma_start3A_34 = arith.constant 0 : i32
      %dma_start3A_35 = arith.constant 0 : i32
      %dma_start3A_36 = tpu.memref_slice %arg3[%add3A, %dma_start3A_34, %dma_start3A_35] : memref<32x79x128xi32, #tpu.memory_space<hbm>> -> memref<1x79x128xi32, #tpu.memory_space<hbm>>
      %dma_start3A_37 = tpu.memref_squeeze %dma_start3A_36 : memref<1x79x128xi32, #tpu.memory_space<hbm>> -> memref<79x128xi32, #tpu.memory_space<hbm>>
      %dma_start3A_38 = arith.constant 0 : i32
      %dma_start3A_39 = arith.constant 0 : i32
      %dma_start3A_40 = tpu.memref_slice %arg3[%add3A, %dma_start3A_38, %dma_start3A_39] : memref<32x79x128xi32, #tpu.memory_space<hbm>> -> memref<1x79x128xi32, #tpu.memory_space<hbm>>
      %dma_start3A_41 = tpu.memref_squeeze %dma_start3A_40 : memref<1x79x128xi32, #tpu.memory_space<hbm>> -> memref<79x128xi32, #tpu.memory_space<hbm>>
      tpu.enqueue_dma source(%dma_start3A_41 : memref<79x128xi32, #tpu.memory_space<hbm>>) target(%arg7 : memref<79x128xi32, #tpu.memory_space<vmem>>) target_semaphore(%run_scoped3A : memref<!tpu.dma_semaphore, #tpu.memory_space<semaphore_mem>>)
      %dma_wait3A_42 = arith.constant 0 : i32
      %dma_wait3A_43 = arith.constant 0 : i32
      %dma_wait3A_44 = tpu.memref_slice %arg3[%add3A, %dma_wait3A_42, %dma_wait3A_43] : memref<32x79x128xi32, #tpu.memory_space<hbm>> -> memref<1x79x128xi32, #tpu.memory_space<hbm>>
      %dma_wait3A_45 = tpu.memref_squeeze %dma_wait3A_44 : memref<1x79x128xi32, #tpu.memory_space<hbm>> -> memref<79x128xi32, #tpu.memory_space<hbm>>
      %dma_wait3A_46 = arith.constant 0 : i32
      %dma_wait3A_47 = arith.constant 0 : i32
      %dma_wait3A_48 = tpu.memref_slice %arg3[%add3A, %dma_wait3A_46, %dma_wait3A_47] : memref<32x79x128xi32, #tpu.memory_space<hbm>> -> memref<1x79x128xi32, #tpu.memory_space<hbm>>
      %dma_wait3A_49 = tpu.memref_squeeze %dma_wait3A_48 : memref<1x79x128xi32, #tpu.memory_space<hbm>> -> memref<79x128xi32, #tpu.memory_space<hbm>>
      tpu.wait_dma2 semaphore(%run_scoped3A : memref<!tpu.dma_semaphore, #tpu.memory_space<semaphore_mem>>) src(%dma_wait3A_49 : memref<79x128xi32, #tpu.memory_space<hbm>>) dst(%arg7 : memref<79x128xi32, #tpu.memory_space<vmem>>)
      tpu.yield
    }) : () -> ()
    "tpu.region"() ({
      %run_scoped3A = tpu.sem_alloc : memref<!tpu.dma_semaphore, #tpu.memory_space<semaphore_mem>>
      %dma_start3A_34 = arith.constant 0 : i32
      %dma_start3A_35 = arith.constant 0 : i32
      %dma_start3A_36 = tpu.memref_slice %arg4[%add3A, %dma_start3A_34, %dma_start3A_35] : memref<32x79x128xi32, #tpu.memory_space<hbm>> -> memref<1x79x128xi32, #tpu.memory_space<hbm>>
      %dma_start3A_37 = tpu.memref_squeeze %dma_start3A_36 : memref<1x79x128xi32, #tpu.memory_space<hbm>> -> memref<79x128xi32, #tpu.memory_space<hbm>>
      %dma_start3A_38 = arith.constant 0 : i32
      %dma_start3A_39 = arith.constant 0 : i32
      %dma_start3A_40 = tpu.memref_slice %arg4[%add3A, %dma_start3A_38, %dma_start3A_39] : memref<32x79x128xi32, #tpu.memory_space<hbm>> -> memref<1x79x128xi32, #tpu.memory_space<hbm>>
      %dma_start3A_41 = tpu.memref_squeeze %dma_start3A_40 : memref<1x79x128xi32, #tpu.memory_space<hbm>> -> memref<79x128xi32, #tpu.memory_space<hbm>>
      tpu.enqueue_dma source(%dma_start3A_41 : memref<79x128xi32, #tpu.memory_space<hbm>>) target(%arg8 : memref<79x128xi32, #tpu.memory_space<vmem>>) target_semaphore(%run_scoped3A : memref<!tpu.dma_semaphore, #tpu.memory_space<semaphore_mem>>)
      %dma_wait3A_42 = arith.constant 0 : i32
      %dma_wait3A_43 = arith.constant 0 : i32
      %dma_wait3A_44 = tpu.memref_slice %arg4[%add3A, %dma_wait3A_42, %dma_wait3A_43] : memref<32x79x128xi32, #tpu.memory_space<hbm>> -> memref<1x79x128xi32, #tpu.memory_space<hbm>>
      %dma_wait3A_45 = tpu.memref_squeeze %dma_wait3A_44 : memref<1x79x128xi32, #tpu.memory_space<hbm>> -> memref<79x128xi32, #tpu.memory_space<hbm>>
      %dma_wait3A_46 = arith.constant 0 : i32
      %dma_wait3A_47 = arith.constant 0 : i32
      %dma_wait3A_48 = tpu.memref_slice %arg4[%add3A, %dma_wait3A_46, %dma_wait3A_47] : memref<32x79x128xi32, #tpu.memory_space<hbm>> -> memref<1x79x128xi32, #tpu.memory_space<hbm>>
      %dma_wait3A_49 = tpu.memref_squeeze %dma_wait3A_48 : memref<1x79x128xi32, #tpu.memory_space<hbm>> -> memref<79x128xi32, #tpu.memory_space<hbm>>
      tpu.wait_dma2 semaphore(%run_scoped3A : memref<!tpu.dma_semaphore, #tpu.memory_space<semaphore_mem>>) src(%dma_wait3A_49 : memref<79x128xi32, #tpu.memory_space<hbm>>) dst(%arg8 : memref<79x128xi32, #tpu.memory_space<vmem>>)
      tpu.yield
    }) : () -> ()
    %barrier3A = arith.constant 0 : index
    tpu.barrier barrier_id(%barrier3A)
    %dma_start3A = arith.constant 0 : i32
    %dma_start3A_3 = arith.constant 0 : i32
    %dma_start3A_4 = arith.constant 0 : i32
    %dma_start3A_5 = tpu.memref_slice %arg9[%dma_start3A_3, %dma_start3A_4] : memref<128x128xf32, #tpu.memory_space<vmem>> -> memref<64x128xf32, #tpu.memory_space<vmem>>
    %dma_start3A_6 = arith.constant 0 : i32
    %dma_start3A_7 = tpu.memref_slice %arg7[%dma_start3A, %dma_start3A_6] : memref<79x128xi32, #tpu.memory_space<vmem>> -> memref<1x64xi32, #tpu.memory_space<vmem>>
    %dma_start3A_8 = tpu.memref_squeeze %dma_start3A_7 : memref<1x64xi32, #tpu.memory_space<vmem>> -> memref<64xi32, #tpu.memory_space<vmem>>
    %dma_start3A_9 = arith.constant 0 : i32
    %dma_start3A_10 = arith.constant 0 : i32
    %dma_start3A_11 = tpu.memref_slice %arg2[%dma_start3A_9, %dma_start3A_10] : memref<10000x128xf32, #tpu.memory_space<hbm>> -> memref<10000x128xf32, #tpu.memory_space<hbm>>
    tpu.enqueue_indirect_dma source(%dma_start3A_11 : memref<10000x128xf32, #tpu.memory_space<hbm>>) target(%dma_start3A_5 : memref<64x128xf32, #tpu.memory_space<vmem>>) offsets(%dma_start3A_8 : memref<64xi32, #tpu.memory_space<vmem>>) semaphore(%arg11 : memref<!tpu.dma_semaphore, #tpu.memory_space<semaphore_mem>>)
    %scan3A = arith.constant 0 : i32
    %scan3A_12 = arith.constant 0 : i32
    %scan3A_13 = arith.constant 79 : i32
    %scan3A_14 = arith.addi %scan3A_12, %scan3A_13 : i32
    %scan3A_15 = arith.constant 1 : i32
    scf.for %scan3A_34 = %scan3A_12 to %scan3A_14 step %scan3A_15  : i32 {
      %dma_wait3A_35 = arith.constant 0 : i32
      %dma_wait3A_36 = arith.constant 0 : i32
      %dma_wait3A_37 = tpu.memref_slice %arg9[%dma_wait3A_35, %dma_wait3A_36] : memref<128x128xf32, #tpu.memory_space<vmem>> -> memref<64x128xf32, #tpu.memory_space<vmem>>
      %dma_wait3A_38 = arith.constant 0 : i32
      %dma_wait3A_39 = tpu.memref_slice %arg7[%scan3A_34, %dma_wait3A_38] : memref<79x128xi32, #tpu.memory_space<vmem>> -> memref<1x64xi32, #tpu.memory_space<vmem>>
      %dma_wait3A_40 = tpu.memref_squeeze %dma_wait3A_39 : memref<1x64xi32, #tpu.memory_space<vmem>> -> memref<64xi32, #tpu.memory_space<vmem>>
      %dma_wait3A_41 = arith.constant 0 : i32
      %dma_wait3A_42 = arith.constant 0 : i32
      %dma_wait3A_43 = tpu.memref_slice %arg2[%dma_wait3A_41, %dma_wait3A_42] : memref<10000x128xf32, #tpu.memory_space<hbm>> -> memref<10000x128xf32, #tpu.memory_space<hbm>>
      tpu.wait_indirect_dma semaphore(%arg11 : memref<!tpu.dma_semaphore, #tpu.memory_space<semaphore_mem>>) src(%dma_wait3A_43 : memref<10000x128xf32, #tpu.memory_space<hbm>>) dst(%dma_wait3A_37 : memref<64x128xf32, #tpu.memory_space<vmem>>)
      %dma_start3A_44 = arith.constant 64 : i32
      %dma_start3A_45 = arith.constant 0 : i32
      %dma_start3A_46 = tpu.memref_slice %arg9[%dma_start3A_44, %dma_start3A_45] : memref<128x128xf32, #tpu.memory_space<vmem>> -> memref<64x128xf32, #tpu.memory_space<vmem>>
      %dma_start3A_47 = arith.constant 64 : i32
      %dma_start3A_48 = tpu.memref_slice %arg7[%scan3A_34, %dma_start3A_47] : memref<79x128xi32, #tpu.memory_space<vmem>> -> memref<1x64xi32, #tpu.memory_space<vmem>>
      %dma_start3A_49 = tpu.memref_squeeze %dma_start3A_48 : memref<1x64xi32, #tpu.memory_space<vmem>> -> memref<64xi32, #tpu.memory_space<vmem>>
      %dma_start3A_50 = arith.constant 0 : i32
      %dma_start3A_51 = arith.constant 0 : i32
      %dma_start3A_52 = tpu.memref_slice %arg2[%dma_start3A_50, %dma_start3A_51] : memref<10000x128xf32, #tpu.memory_space<hbm>> -> memref<10000x128xf32, #tpu.memory_space<hbm>>
      tpu.enqueue_indirect_dma source(%dma_start3A_52 : memref<10000x128xf32, #tpu.memory_space<hbm>>) target(%dma_start3A_46 : memref<64x128xf32, #tpu.memory_space<vmem>>) offsets(%dma_start3A_49 : memref<64xi32, #tpu.memory_space<vmem>>) semaphore(%arg11 : memref<!tpu.dma_semaphore, #tpu.memory_space<semaphore_mem>>)
      "tpu.region"() ({
        %run_scoped3A = tpu.sem_alloc : memref<!tpu.dma_semaphore, #tpu.memory_space<semaphore_mem>>
        %dma_start3A_77 = arith.constant 0 : i32
        %dma_start3A_78 = arith.constant 0 : i32
        %dma_start3A_79 = tpu.memref_slice %arg9[%dma_start3A_77, %dma_start3A_78] : memref<128x128xf32, #tpu.memory_space<vmem>> -> memref<64x128xf32, #tpu.memory_space<vmem>>
        %dma_start3A_80 = arith.constant 0 : i32
        %dma_start3A_81 = tpu.memref_slice %arg8[%scan3A_34, %dma_start3A_80] : memref<79x128xi32, #tpu.memory_space<vmem>> -> memref<1x64xi32, #tpu.memory_space<vmem>>
        %dma_start3A_82 = tpu.memref_squeeze %dma_start3A_81 : memref<1x64xi32, #tpu.memory_space<vmem>> -> memref<64xi32, #tpu.memory_space<vmem>>
        %dma_start3A_83 = arith.constant 0 : i32
        %dma_start3A_84 = arith.constant 0 : i32
        %dma_start3A_85 = tpu.memref_slice %arg10[%dma_start3A_83, %dma_start3A_84] : memref<10240x128xf32, #tpu.memory_space<vmem_shared>> -> memref<10240x128xf32, #tpu.memory_space<vmem_shared>>
        tpu.enqueue_indirect_dma source(%dma_start3A_79 : memref<64x128xf32, #tpu.memory_space<vmem>>) target(%dma_start3A_85 : memref<10240x128xf32, #tpu.memory_space<vmem_shared>>) offsets(%dma_start3A_82 : memref<64xi32, #tpu.memory_space<vmem>>) semaphore(%run_scoped3A : memref<!tpu.dma_semaphore, #tpu.memory_space<semaphore_mem>>) {add = true}
        %dma_wait3A_86 = arith.constant 0 : i32
        %dma_wait3A_87 = arith.constant 0 : i32
        %dma_wait3A_88 = tpu.memref_slice %arg9[%dma_wait3A_86, %dma_wait3A_87] : memref<128x128xf32, #tpu.memory_space<vmem>> -> memref<64x128xf32, #tpu.memory_space<vmem>>
        %dma_wait3A_89 = arith.constant 0 : i32
        %dma_wait3A_90 = tpu.memref_slice %arg8[%scan3A_34, %dma_wait3A_89] : memref<79x128xi32, #tpu.memory_space<vmem>> -> memref<1x64xi32, #tpu.memory_space<vmem>>
        %dma_wait3A_91 = tpu.memref_squeeze %dma_wait3A_90 : memref<1x64xi32, #tpu.memory_space<vmem>> -> memref<64xi32, #tpu.memory_space<vmem>>
        %dma_wait3A_92 = arith.constant 0 : i32
        %dma_wait3A_93 = arith.constant 0 : i32
        %dma_wait3A_94 = tpu.memref_slice %arg10[%dma_wait3A_92, %dma_wait3A_93] : memref<10240x128xf32, #tpu.memory_space<vmem_shared>> -> memref<10240x128xf32, #tpu.memory_space<vmem_shared>>
        tpu.wait_indirect_dma semaphore(%run_scoped3A : memref<!tpu.dma_semaphore, #tpu.memory_space<semaphore_mem>>) src(%dma_wait3A_88 : memref<64x128xf32, #tpu.memory_space<vmem>>) dst(%dma_wait3A_94 : memref<10240x128xf32, #tpu.memory_space<vmem_shared>>)
        tpu.yield
      }) : () -> ()
      %dma_wait3A_53 = arith.constant 64 : i32
      %dma_wait3A_54 = arith.constant 0 : i32
      %dma_wait3A_55 = tpu.memref_slice %arg9[%dma_wait3A_53, %dma_wait3A_54] : memref<128x128xf32, #tpu.memory_space<vmem>> -> memref<64x128xf32, #tpu.memory_space<vmem>>
      %dma_wait3A_56 = arith.constant 64 : i32
      %dma_wait3A_57 = tpu.memref_slice %arg7[%scan3A_34, %dma_wait3A_56] : memref<79x128xi32, #tpu.memory_space<vmem>> -> memref<1x64xi32, #tpu.memory_space<vmem>>
      %dma_wait3A_58 = tpu.memref_squeeze %dma_wait3A_57 : memref<1x64xi32, #tpu.memory_space<vmem>> -> memref<64xi32, #tpu.memory_space<vmem>>
      %dma_wait3A_59 = arith.constant 0 : i32
      %dma_wait3A_60 = arith.constant 0 : i32
      %dma_wait3A_61 = tpu.memref_slice %arg2[%dma_wait3A_59, %dma_wait3A_60] : memref<10000x128xf32, #tpu.memory_space<hbm>> -> memref<10000x128xf32, #tpu.memory_space<hbm>>
      tpu.wait_indirect_dma semaphore(%arg11 : memref<!tpu.dma_semaphore, #tpu.memory_space<semaphore_mem>>) src(%dma_wait3A_61 : memref<10000x128xf32, #tpu.memory_space<hbm>>) dst(%dma_wait3A_55 : memref<64x128xf32, #tpu.memory_space<vmem>>)
      %add3A_62 = arith.constant 1 : i32
      %add3A_63 = arith.addi %scan3A_34, %add3A_62 : i32
      %lt3A = arith.constant 79 : i32
      %lt3A_64 = arith.cmpi slt, %add3A_63, %lt3A : i32
      %add3A_65 = arith.constant 1 : i32
      %add3A_66 = arith.addi %scan3A_34, %add3A_65 : i32
      %select_n3A = arith.constant 0 : i32
      %select_n3A_67 = arith.select %lt3A_64, %add3A_66, %select_n3A : i32
      %dma_start3A_68 = arith.constant 0 : i32
      %dma_start3A_69 = arith.constant 0 : i32
      %dma_start3A_70 = tpu.memref_slice %arg9[%dma_start3A_68, %dma_start3A_69] : memref<128x128xf32, #tpu.memory_space<vmem>> -> memref<64x128xf32, #tpu.memory_space<vmem>>
      %dma_start3A_71 = arith.constant 0 : i32
      %dma_start3A_72 = tpu.memref_slice %arg7[%select_n3A_67, %dma_start3A_71] : memref<79x128xi32, #tpu.memory_space<vmem>> -> memref<1x64xi32, #tpu.memory_space<vmem>>
      %dma_start3A_73 = tpu.memref_squeeze %dma_start3A_72 : memref<1x64xi32, #tpu.memory_space<vmem>> -> memref<64xi32, #tpu.memory_space<vmem>>
      %dma_start3A_74 = arith.constant 0 : i32
      %dma_start3A_75 = arith.constant 0 : i32
      %dma_start3A_76 = tpu.memref_slice %arg2[%dma_start3A_74, %dma_start3A_75] : memref<10000x128xf32, #tpu.memory_space<hbm>> -> memref<10000x128xf32, #tpu.memory_space<hbm>>
      tpu.enqueue_indirect_dma source(%dma_start3A_76 : memref<10000x128xf32, #tpu.memory_space<hbm>>) target(%dma_start3A_70 : memref<64x128xf32, #tpu.memory_space<vmem>>) offsets(%dma_start3A_73 : memref<64xi32, #tpu.memory_space<vmem>>) semaphore(%arg11 : memref<!tpu.dma_semaphore, #tpu.memory_space<semaphore_mem>>)
      "tpu.region"() ({
        %run_scoped3A = tpu.sem_alloc : memref<!tpu.dma_semaphore, #tpu.memory_space<semaphore_mem>>
        %dma_start3A_77 = arith.constant 64 : i32
        %dma_start3A_78 = arith.constant 0 : i32
        %dma_start3A_79 = tpu.memref_slice %arg9[%dma_start3A_77, %dma_start3A_78] : memref<128x128xf32, #tpu.memory_space<vmem>> -> memref<64x128xf32, #tpu.memory_space<vmem>>
        %dma_start3A_80 = arith.constant 64 : i32
        %dma_start3A_81 = tpu.memref_slice %arg8[%scan3A_34, %dma_start3A_80] : memref<79x128xi32, #tpu.memory_space<vmem>> -> memref<1x64xi32, #tpu.memory_space<vmem>>
        %dma_start3A_82 = tpu.memref_squeeze %dma_start3A_81 : memref<1x64xi32, #tpu.memory_space<vmem>> -> memref<64xi32, #tpu.memory_space<vmem>>
        %dma_start3A_83 = arith.constant 0 : i32
        %dma_start3A_84 = arith.constant 0 : i32
        %dma_start3A_85 = tpu.memref_slice %arg10[%dma_start3A_83, %dma_start3A_84] : memref<10240x128xf32, #tpu.memory_space<vmem_shared>> -> memref<10240x128xf32, #tpu.memory_space<vmem_shared>>
        tpu.enqueue_indirect_dma source(%dma_start3A_79 : memref<64x128xf32, #tpu.memory_space<vmem>>) target(%dma_start3A_85 : memref<10240x128xf32, #tpu.memory_space<vmem_shared>>) offsets(%dma_start3A_82 : memref<64xi32, #tpu.memory_space<vmem>>) semaphore(%run_scoped3A : memref<!tpu.dma_semaphore, #tpu.memory_space<semaphore_mem>>) {add = true}
        %dma_wait3A_86 = arith.constant 64 : i32
        %dma_wait3A_87 = arith.constant 0 : i32
        %dma_wait3A_88 = tpu.memref_slice %arg9[%dma_wait3A_86, %dma_wait3A_87] : memref<128x128xf32, #tpu.memory_space<vmem>> -> memref<64x128xf32, #tpu.memory_space<vmem>>
        %dma_wait3A_89 = arith.constant 64 : i32
        %dma_wait3A_90 = tpu.memref_slice %arg8[%scan3A_34, %dma_wait3A_89] : memref<79x128xi32, #tpu.memory_space<vmem>> -> memref<1x64xi32, #tpu.memory_space<vmem>>
        %dma_wait3A_91 = tpu.memref_squeeze %dma_wait3A_90 : memref<1x64xi32, #tpu.memory_space<vmem>> -> memref<64xi32, #tpu.memory_space<vmem>>
        %dma_wait3A_92 = arith.constant 0 : i32
        %dma_wait3A_93 = arith.constant 0 : i32
        %dma_wait3A_94 = tpu.memref_slice %arg10[%dma_wait3A_92, %dma_wait3A_93] : memref<10240x128xf32, #tpu.memory_space<vmem_shared>> -> memref<10240x128xf32, #tpu.memory_space<vmem_shared>>
        tpu.wait_indirect_dma semaphore(%run_scoped3A : memref<!tpu.dma_semaphore, #tpu.memory_space<semaphore_mem>>) src(%dma_wait3A_88 : memref<64x128xf32, #tpu.memory_space<vmem>>) dst(%dma_wait3A_94 : memref<10240x128xf32, #tpu.memory_space<vmem_shared>>)
        tpu.yield
      }) : () -> ()
    }
    %scan3A_16 = arith.constant 79 : i32
    %dma_wait3A = arith.constant 0 : i32
    %dma_wait3A_17 = arith.constant 0 : i32
    %dma_wait3A_18 = arith.constant 0 : i32
    %dma_wait3A_19 = tpu.memref_slice %arg9[%dma_wait3A_17, %dma_wait3A_18] : memref<128x128xf32, #tpu.memory_space<vmem>> -> memref<64x128xf32, #tpu.memory_space<vmem>>
    %dma_wait3A_20 = arith.constant 0 : i32
    %dma_wait3A_21 = tpu.memref_slice %arg7[%dma_wait3A, %dma_wait3A_20] : memref<79x128xi32, #tpu.memory_space<vmem>> -> memref<1x64xi32, #tpu.memory_space<vmem>>
    %dma_wait3A_22 = tpu.memref_squeeze %dma_wait3A_21 : memref<1x64xi32, #tpu.memory_space<vmem>> -> memref<64xi32, #tpu.memory_space<vmem>>
    %dma_wait3A_23 = arith.constant 0 : i32
    %dma_wait3A_24 = arith.constant 0 : i32
    %dma_wait3A_25 = tpu.memref_slice %arg2[%dma_wait3A_23, %dma_wait3A_24] : memref<10000x128xf32, #tpu.memory_space<hbm>> -> memref<10000x128xf32, #tpu.memory_space<hbm>>
    tpu.wait_indirect_dma semaphore(%arg11 : memref<!tpu.dma_semaphore, #tpu.memory_space<semaphore_mem>>) src(%dma_wait3A_25 : memref<10000x128xf32, #tpu.memory_space<hbm>>) dst(%dma_wait3A_19 : memref<64x128xf32, #tpu.memory_space<vmem>>)
    %barrier3A_26 = arith.constant 0 : index
    tpu.barrier barrier_id(%barrier3A_26)
    %mul3A_27 = arith.constant 640 : i32
    %mul3A_28 = arith.muli %arg1, %mul3A_27 : i32
    %mul3A_29 = arith.constant 10240 : i32
    %mul3A_30 = arith.muli %arg0, %mul3A_29 : i32
    %mul3A_31 = arith.constant 640 : i32
    %mul3A_32 = arith.muli %arg1, %mul3A_31 : i32
    %add3A_33 = arith.addi %mul3A_30, %mul3A_32 : i32
    "tpu.region"() ({
      %run_scoped3A = tpu.sem_alloc : memref<!tpu.dma_semaphore, #tpu.memory_space<semaphore_mem>>
      %dma_start3A_34 = arith.constant 0 : i32
      %dma_start3A_35 = tpu.memref_slice %arg6[%add3A_33, %dma_start3A_34] : memref<20480x128xf32, #tpu.memory_space<hbm>> -> memref<640x128xf32, #tpu.memory_space<hbm>>
      %dma_start3A_36 = arith.constant 0 : i32
      %dma_start3A_37 = tpu.memref_slice %arg10[%mul3A_28, %dma_start3A_36] : memref<10240x128xf32, #tpu.memory_space<vmem_shared>> -> memref<640x128xf32, #tpu.memory_space<vmem_shared>>
      tpu.enqueue_dma source(%dma_start3A_37 : memref<640x128xf32, #tpu.memory_space<vmem_shared>>) target(%dma_start3A_35 : memref<640x128xf32, #tpu.memory_space<hbm>>) target_semaphore(%run_scoped3A : memref<!tpu.dma_semaphore, #tpu.memory_space<semaphore_mem>>)
      %dma_wait3A_38 = arith.constant 0 : i32
      %dma_wait3A_39 = tpu.memref_slice %arg6[%add3A_33, %dma_wait3A_38] : memref<20480x128xf32, #tpu.memory_space<hbm>> -> memref<640x128xf32, #tpu.memory_space<hbm>>
      %dma_wait3A_40 = arith.constant 0 : i32
      %dma_wait3A_41 = tpu.memref_slice %arg10[%mul3A_28, %dma_wait3A_40] : memref<10240x128xf32, #tpu.memory_space<vmem_shared>> -> memref<640x128xf32, #tpu.memory_space<vmem_shared>>
      tpu.wait_dma2 semaphore(%run_scoped3A : memref<!tpu.dma_semaphore, #tpu.memory_space<semaphore_mem>>) src(%dma_wait3A_41 : memref<640x128xf32, #tpu.memory_space<vmem_shared>>) dst(%dma_wait3A_39 : memref<640x128xf32, #tpu.memory_space<hbm>>)
      tpu.yield
    }) : () -> ()
    return
  }
}

#map = affine_map<(d0, d1) -> (0, 0)>
#map1 = affine_map<(d0, d1) -> (0, 0, 0)>
module attributes {stable_mosaic.version = 14 : i64} {
  func.func @agg_kernel(%arg0: i32, %arg1: i32, %arg2: memref<10000x128xf32, #tpu.memory_space<hbm>>, %arg3: memref<32x79x128xi32, #tpu.memory_space<hbm>>, %arg4: memref<32x79x128xi32, #tpu.memory_space<hbm>>, %arg5: memref<640x128xf32, #tpu.memory_space<hbm>>, %arg6: memref<20480x128xf32, #tpu.memory_space<hbm>>, %arg7: memref<79x128xi32, #tpu.memory_space<vmem>>, %arg8: memref<79x128xi32, #tpu.memory_space<vmem>>, %arg9: memref<128x128xf32, #tpu.memory_space<vmem>>, %arg10: memref<10240x128xf32, #tpu.memory_space<vmem_shared>>, %arg11: memref<!tpu.dma_semaphore, #tpu.memory_space<semaphore_mem>>) attributes {dimension_semantics = [#tpu.dimension_semantics<core_parallel>, #tpu.dimension_semantics<subcore_parallel>], iteration_bounds = array<i64: 2, 16>, scalar_prefetch = 0 : i64, scratch_operands = 5 : i64, tpu.core_type = #tpu.core_type<sc_vector_subcore>, window_params = [{transform_indices = #map}, {transform_indices = #map1}, {transform_indices = #map1}, {transform_indices = #map}, {transform_indices = #map}]} {
    %mul3A = arith.constant 16 : i32
    %mul3A_0 = arith.muli %arg0, %mul3A : i32
    %add3A = arith.addi %mul3A_0, %arg1 : i32
    %mul3A_1 = arith.constant 640 : i32
    %mul3A_2 = arith.muli %arg1, %mul3A_1 : i32
    "tpu.region"() ({
      %run_scoped3A = tpu.sem_alloc : memref<!tpu.dma_semaphore, #tpu.memory_space<semaphore_mem>>
      %dma_start3A_34 = arith.constant 0 : i32
      %dma_start3A_35 = tpu.memref_slice %arg10[%mul3A_2, %dma_start3A_34] : memref<10240x128xf32, #tpu.memory_space<vmem_shared>> -> memref<640x128xf32, #tpu.memory_space<vmem_shared>>
      tpu.enqueue_dma source(%arg5 : memref<640x128xf32, #tpu.memory_space<hbm>>) target(%dma_start3A_35 : memref<640x128xf32, #tpu.memory_space<vmem_shared>>) target_semaphore(%run_scoped3A : memref<!tpu.dma_semaphore, #tpu.memory_space<semaphore_mem>>)
      %dma_wait3A_36 = arith.constant 0 : i32
      %dma_wait3A_37 = tpu.memref_slice %arg10[%mul3A_2, %dma_wait3A_36] : memref<10240x128xf32, #tpu.memory_space<vmem_shared>> -> memref<640x128xf32, #tpu.memory_space<vmem_shared>>
      tpu.wait_dma2 semaphore(%run_scoped3A : memref<!tpu.dma_semaphore, #tpu.memory_space<semaphore_mem>>) src(%arg5 : memref<640x128xf32, #tpu.memory_space<hbm>>) dst(%dma_wait3A_37 : memref<640x128xf32, #tpu.memory_space<vmem_shared>>)
      tpu.yield
    }) : () -> ()
    "tpu.region"() ({
      %run_scoped3A = tpu.sem_alloc : memref<!tpu.dma_semaphore, #tpu.memory_space<semaphore_mem>>
      %dma_start3A_34 = arith.constant 0 : i32
      %dma_start3A_35 = arith.constant 0 : i32
      %dma_start3A_36 = tpu.memref_slice %arg3[%add3A, %dma_start3A_34, %dma_start3A_35] : memref<32x79x128xi32, #tpu.memory_space<hbm>> -> memref<1x79x128xi32, #tpu.memory_space<hbm>>
      %dma_start3A_37 = tpu.memref_squeeze %dma_start3A_36 : memref<1x79x128xi32, #tpu.memory_space<hbm>> -> memref<79x128xi32, #tpu.memory_space<hbm>>
      %dma_start3A_38 = arith.constant 0 : i32
      %dma_start3A_39 = arith.constant 0 : i32
      %dma_start3A_40 = tpu.memref_slice %arg3[%add3A, %dma_start3A_38, %dma_start3A_39] : memref<32x79x128xi32, #tpu.memory_space<hbm>> -> memref<1x79x128xi32, #tpu.memory_space<hbm>>
      %dma_start3A_41 = tpu.memref_squeeze %dma_start3A_40 : memref<1x79x128xi32, #tpu.memory_space<hbm>> -> memref<79x128xi32, #tpu.memory_space<hbm>>
      tpu.enqueue_dma source(%dma_start3A_41 : memref<79x128xi32, #tpu.memory_space<hbm>>) target(%arg7 : memref<79x128xi32, #tpu.memory_space<vmem>>) target_semaphore(%run_scoped3A : memref<!tpu.dma_semaphore, #tpu.memory_space<semaphore_mem>>)
      %dma_wait3A_42 = arith.constant 0 : i32
      %dma_wait3A_43 = arith.constant 0 : i32
      %dma_wait3A_44 = tpu.memref_slice %arg3[%add3A, %dma_wait3A_42, %dma_wait3A_43] : memref<32x79x128xi32, #tpu.memory_space<hbm>> -> memref<1x79x128xi32, #tpu.memory_space<hbm>>
      %dma_wait3A_45 = tpu.memref_squeeze %dma_wait3A_44 : memref<1x79x128xi32, #tpu.memory_space<hbm>> -> memref<79x128xi32, #tpu.memory_space<hbm>>
      %dma_wait3A_46 = arith.constant 0 : i32
      %dma_wait3A_47 = arith.constant 0 : i32
      %dma_wait3A_48 = tpu.memref_slice %arg3[%add3A, %dma_wait3A_46, %dma_wait3A_47] : memref<32x79x128xi32, #tpu.memory_space<hbm>> -> memref<1x79x128xi32, #tpu.memory_space<hbm>>
      %dma_wait3A_49 = tpu.memref_squeeze %dma_wait3A_48 : memref<1x79x128xi32, #tpu.memory_space<hbm>> -> memref<79x128xi32, #tpu.memory_space<hbm>>
      tpu.wait_dma2 semaphore(%run_scoped3A : memref<!tpu.dma_semaphore, #tpu.memory_space<semaphore_mem>>) src(%dma_wait3A_49 : memref<79x128xi32, #tpu.memory_space<hbm>>) dst(%arg7 : memref<79x128xi32, #tpu.memory_space<vmem>>)
      tpu.yield
    }) : () -> ()
    "tpu.region"() ({
      %run_scoped3A = tpu.sem_alloc : memref<!tpu.dma_semaphore, #tpu.memory_space<semaphore_mem>>
      %dma_start3A_34 = arith.constant 0 : i32
      %dma_start3A_35 = arith.constant 0 : i32
      %dma_start3A_36 = tpu.memref_slice %arg4[%add3A, %dma_start3A_34, %dma_start3A_35] : memref<32x79x128xi32, #tpu.memory_space<hbm>> -> memref<1x79x128xi32, #tpu.memory_space<hbm>>
      %dma_start3A_37 = tpu.memref_squeeze %dma_start3A_36 : memref<1x79x128xi32, #tpu.memory_space<hbm>> -> memref<79x128xi32, #tpu.memory_space<hbm>>
      %dma_start3A_38 = arith.constant 0 : i32
      %dma_start3A_39 = arith.constant 0 : i32
      %dma_start3A_40 = tpu.memref_slice %arg4[%add3A, %dma_start3A_38, %dma_start3A_39] : memref<32x79x128xi32, #tpu.memory_space<hbm>> -> memref<1x79x128xi32, #tpu.memory_space<hbm>>
      %dma_start3A_41 = tpu.memref_squeeze %dma_start3A_40 : memref<1x79x128xi32, #tpu.memory_space<hbm>> -> memref<79x128xi32, #tpu.memory_space<hbm>>
      tpu.enqueue_dma source(%dma_start3A_41 : memref<79x128xi32, #tpu.memory_space<hbm>>) target(%arg8 : memref<79x128xi32, #tpu.memory_space<vmem>>) target_semaphore(%run_scoped3A : memref<!tpu.dma_semaphore, #tpu.memory_space<semaphore_mem>>)
      %dma_wait3A_42 = arith.constant 0 : i32
      %dma_wait3A_43 = arith.constant 0 : i32
      %dma_wait3A_44 = tpu.memref_slice %arg4[%add3A, %dma_wait3A_42, %dma_wait3A_43] : memref<32x79x128xi32, #tpu.memory_space<hbm>> -> memref<1x79x128xi32, #tpu.memory_space<hbm>>
      %dma_wait3A_45 = tpu.memref_squeeze %dma_wait3A_44 : memref<1x79x128xi32, #tpu.memory_space<hbm>> -> memref<79x128xi32, #tpu.memory_space<hbm>>
      %dma_wait3A_46 = arith.constant 0 : i32
      %dma_wait3A_47 = arith.constant 0 : i32
      %dma_wait3A_48 = tpu.memref_slice %arg4[%add3A, %dma_wait3A_46, %dma_wait3A_47] : memref<32x79x128xi32, #tpu.memory_space<hbm>> -> memref<1x79x128xi32, #tpu.memory_space<hbm>>
      %dma_wait3A_49 = tpu.memref_squeeze %dma_wait3A_48 : memref<1x79x128xi32, #tpu.memory_space<hbm>> -> memref<79x128xi32, #tpu.memory_space<hbm>>
      tpu.wait_dma2 semaphore(%run_scoped3A : memref<!tpu.dma_semaphore, #tpu.memory_space<semaphore_mem>>) src(%dma_wait3A_49 : memref<79x128xi32, #tpu.memory_space<hbm>>) dst(%arg8 : memref<79x128xi32, #tpu.memory_space<vmem>>)
      tpu.yield
    }) : () -> ()
    %barrier3A = arith.constant 0 : index
    tpu.barrier barrier_id(%barrier3A)
    %dma_start3A = arith.constant 0 : i32
    %dma_start3A_3 = arith.constant 0 : i32
    %dma_start3A_4 = arith.constant 0 : i32
    %dma_start3A_5 = tpu.memref_slice %arg9[%dma_start3A_3, %dma_start3A_4] : memref<128x128xf32, #tpu.memory_space<vmem>> -> memref<64x128xf32, #tpu.memory_space<vmem>>
    %dma_start3A_6 = arith.constant 0 : i32
    %dma_start3A_7 = tpu.memref_slice %arg7[%dma_start3A, %dma_start3A_6] : memref<79x128xi32, #tpu.memory_space<vmem>> -> memref<1x64xi32, #tpu.memory_space<vmem>>
    %dma_start3A_8 = tpu.memref_squeeze %dma_start3A_7 : memref<1x64xi32, #tpu.memory_space<vmem>> -> memref<64xi32, #tpu.memory_space<vmem>>
    %dma_start3A_9 = arith.constant 0 : i32
    %dma_start3A_10 = arith.constant 0 : i32
    %dma_start3A_11 = tpu.memref_slice %arg2[%dma_start3A_9, %dma_start3A_10] : memref<10000x128xf32, #tpu.memory_space<hbm>> -> memref<10000x128xf32, #tpu.memory_space<hbm>>
    tpu.enqueue_indirect_dma source(%dma_start3A_11 : memref<10000x128xf32, #tpu.memory_space<hbm>>) target(%dma_start3A_5 : memref<64x128xf32, #tpu.memory_space<vmem>>) offsets(%dma_start3A_8 : memref<64xi32, #tpu.memory_space<vmem>>) semaphore(%arg11 : memref<!tpu.dma_semaphore, #tpu.memory_space<semaphore_mem>>)
    %scan3A = arith.constant 0 : i32
    %scan3A_12 = arith.constant 0 : i32
    %scan3A_13 = arith.constant 79 : i32
    %scan3A_14 = arith.addi %scan3A_12, %scan3A_13 : i32
    %scan3A_15 = arith.constant 1 : i32
    scf.for %scan3A_34 = %scan3A_12 to %scan3A_14 step %scan3A_15  : i32 {
      %dma_wait3A_35 = arith.constant 0 : i32
      %dma_wait3A_36 = arith.constant 0 : i32
      %dma_wait3A_37 = tpu.memref_slice %arg9[%dma_wait3A_35, %dma_wait3A_36] : memref<128x128xf32, #tpu.memory_space<vmem>> -> memref<64x128xf32, #tpu.memory_space<vmem>>
      %dma_wait3A_38 = arith.constant 0 : i32
      %dma_wait3A_39 = tpu.memref_slice %arg7[%scan3A_34, %dma_wait3A_38] : memref<79x128xi32, #tpu.memory_space<vmem>> -> memref<1x64xi32, #tpu.memory_space<vmem>>
      %dma_wait3A_40 = tpu.memref_squeeze %dma_wait3A_39 : memref<1x64xi32, #tpu.memory_space<vmem>> -> memref<64xi32, #tpu.memory_space<vmem>>
      %dma_wait3A_41 = arith.constant 0 : i32
      %dma_wait3A_42 = arith.constant 0 : i32
      %dma_wait3A_43 = tpu.memref_slice %arg2[%dma_wait3A_41, %dma_wait3A_42] : memref<10000x128xf32, #tpu.memory_space<hbm>> -> memref<10000x128xf32, #tpu.memory_space<hbm>>
      tpu.wait_indirect_dma semaphore(%arg11 : memref<!tpu.dma_semaphore, #tpu.memory_space<semaphore_mem>>) src(%dma_wait3A_43 : memref<10000x128xf32, #tpu.memory_space<hbm>>) dst(%dma_wait3A_37 : memref<64x128xf32, #tpu.memory_space<vmem>>)
      %dma_start3A_44 = arith.constant 64 : i32
      %dma_start3A_45 = arith.constant 0 : i32
      %dma_start3A_46 = tpu.memref_slice %arg9[%dma_start3A_44, %dma_start3A_45] : memref<128x128xf32, #tpu.memory_space<vmem>> -> memref<64x128xf32, #tpu.memory_space<vmem>>
      %dma_start3A_47 = arith.constant 64 : i32
      %dma_start3A_48 = tpu.memref_slice %arg7[%scan3A_34, %dma_start3A_47] : memref<79x128xi32, #tpu.memory_space<vmem>> -> memref<1x64xi32, #tpu.memory_space<vmem>>
      %dma_start3A_49 = tpu.memref_squeeze %dma_start3A_48 : memref<1x64xi32, #tpu.memory_space<vmem>> -> memref<64xi32, #tpu.memory_space<vmem>>
      %dma_start3A_50 = arith.constant 0 : i32
      %dma_start3A_51 = arith.constant 0 : i32
      %dma_start3A_52 = tpu.memref_slice %arg2[%dma_start3A_50, %dma_start3A_51] : memref<10000x128xf32, #tpu.memory_space<hbm>> -> memref<10000x128xf32, #tpu.memory_space<hbm>>
      tpu.enqueue_indirect_dma source(%dma_start3A_52 : memref<10000x128xf32, #tpu.memory_space<hbm>>) target(%dma_start3A_46 : memref<64x128xf32, #tpu.memory_space<vmem>>) offsets(%dma_start3A_49 : memref<64xi32, #tpu.memory_space<vmem>>) semaphore(%arg11 : memref<!tpu.dma_semaphore, #tpu.memory_space<semaphore_mem>>)
      "tpu.region"() ({
        %run_scoped3A = tpu.sem_alloc : memref<!tpu.dma_semaphore, #tpu.memory_space<semaphore_mem>>
        %dma_start3A_77 = arith.constant 0 : i32
        %dma_start3A_78 = arith.constant 0 : i32
        %dma_start3A_79 = tpu.memref_slice %arg9[%dma_start3A_77, %dma_start3A_78] : memref<128x128xf32, #tpu.memory_space<vmem>> -> memref<64x128xf32, #tpu.memory_space<vmem>>
        %dma_start3A_80 = arith.constant 0 : i32
        %dma_start3A_81 = tpu.memref_slice %arg8[%scan3A_34, %dma_start3A_80] : memref<79x128xi32, #tpu.memory_space<vmem>> -> memref<1x64xi32, #tpu.memory_space<vmem>>
        %dma_start3A_82 = tpu.memref_squeeze %dma_start3A_81 : memref<1x64xi32, #tpu.memory_space<vmem>> -> memref<64xi32, #tpu.memory_space<vmem>>
        %dma_start3A_83 = arith.constant 0 : i32
        %dma_start3A_84 = arith.constant 0 : i32
        %dma_start3A_85 = tpu.memref_slice %arg10[%dma_start3A_83, %dma_start3A_84] : memref<10240x128xf32, #tpu.memory_space<vmem_shared>> -> memref<10240x128xf32, #tpu.memory_space<vmem_shared>>
        tpu.enqueue_indirect_dma source(%dma_start3A_79 : memref<64x128xf32, #tpu.memory_space<vmem>>) target(%dma_start3A_85 : memref<10240x128xf32, #tpu.memory_space<vmem_shared>>) offsets(%dma_start3A_82 : memref<64xi32, #tpu.memory_space<vmem>>) semaphore(%run_scoped3A : memref<!tpu.dma_semaphore, #tpu.memory_space<semaphore_mem>>) {add = true}
        %dma_wait3A_86 = arith.constant 0 : i32
        %dma_wait3A_87 = arith.constant 0 : i32
        %dma_wait3A_88 = tpu.memref_slice %arg9[%dma_wait3A_86, %dma_wait3A_87] : memref<128x128xf32, #tpu.memory_space<vmem>> -> memref<64x128xf32, #tpu.memory_space<vmem>>
        %dma_wait3A_89 = arith.constant 0 : i32
        %dma_wait3A_90 = tpu.memref_slice %arg8[%scan3A_34, %dma_wait3A_89] : memref<79x128xi32, #tpu.memory_space<vmem>> -> memref<1x64xi32, #tpu.memory_space<vmem>>
        %dma_wait3A_91 = tpu.memref_squeeze %dma_wait3A_90 : memref<1x64xi32, #tpu.memory_space<vmem>> -> memref<64xi32, #tpu.memory_space<vmem>>
        %dma_wait3A_92 = arith.constant 0 : i32
        %dma_wait3A_93 = arith.constant 0 : i32
        %dma_wait3A_94 = tpu.memref_slice %arg10[%dma_wait3A_92, %dma_wait3A_93] : memref<10240x128xf32, #tpu.memory_space<vmem_shared>> -> memref<10240x128xf32, #tpu.memory_space<vmem_shared>>
        tpu.wait_indirect_dma semaphore(%run_scoped3A : memref<!tpu.dma_semaphore, #tpu.memory_space<semaphore_mem>>) src(%dma_wait3A_88 : memref<64x128xf32, #tpu.memory_space<vmem>>) dst(%dma_wait3A_94 : memref<10240x128xf32, #tpu.memory_space<vmem_shared>>)
        tpu.yield
      }) : () -> ()
      %dma_wait3A_53 = arith.constant 64 : i32
      %dma_wait3A_54 = arith.constant 0 : i32
      %dma_wait3A_55 = tpu.memref_slice %arg9[%dma_wait3A_53, %dma_wait3A_54] : memref<128x128xf32, #tpu.memory_space<vmem>> -> memref<64x128xf32, #tpu.memory_space<vmem>>
      %dma_wait3A_56 = arith.constant 64 : i32
      %dma_wait3A_57 = tpu.memref_slice %arg7[%scan3A_34, %dma_wait3A_56] : memref<79x128xi32, #tpu.memory_space<vmem>> -> memref<1x64xi32, #tpu.memory_space<vmem>>
      %dma_wait3A_58 = tpu.memref_squeeze %dma_wait3A_57 : memref<1x64xi32, #tpu.memory_space<vmem>> -> memref<64xi32, #tpu.memory_space<vmem>>
      %dma_wait3A_59 = arith.constant 0 : i32
      %dma_wait3A_60 = arith.constant 0 : i32
      %dma_wait3A_61 = tpu.memref_slice %arg2[%dma_wait3A_59, %dma_wait3A_60] : memref<10000x128xf32, #tpu.memory_space<hbm>> -> memref<10000x128xf32, #tpu.memory_space<hbm>>
      tpu.wait_indirect_dma semaphore(%arg11 : memref<!tpu.dma_semaphore, #tpu.memory_space<semaphore_mem>>) src(%dma_wait3A_61 : memref<10000x128xf32, #tpu.memory_space<hbm>>) dst(%dma_wait3A_55 : memref<64x128xf32, #tpu.memory_space<vmem>>)
      %add3A_62 = arith.constant 1 : i32
      %add3A_63 = arith.addi %scan3A_34, %add3A_62 : i32
      %lt3A = arith.constant 79 : i32
      %lt3A_64 = arith.cmpi slt, %add3A_63, %lt3A : i32
      %add3A_65 = arith.constant 1 : i32
      %add3A_66 = arith.addi %scan3A_34, %add3A_65 : i32
      %select_n3A = arith.constant 0 : i32
      %select_n3A_67 = arith.select %lt3A_64, %add3A_66, %select_n3A : i32
      %dma_start3A_68 = arith.constant 0 : i32
      %dma_start3A_69 = arith.constant 0 : i32
      %dma_start3A_70 = tpu.memref_slice %arg9[%dma_start3A_68, %dma_start3A_69] : memref<128x128xf32, #tpu.memory_space<vmem>> -> memref<64x128xf32, #tpu.memory_space<vmem>>
      %dma_start3A_71 = arith.constant 0 : i32
      %dma_start3A_72 = tpu.memref_slice %arg7[%select_n3A_67, %dma_start3A_71] : memref<79x128xi32, #tpu.memory_space<vmem>> -> memref<1x64xi32, #tpu.memory_space<vmem>>
      %dma_start3A_73 = tpu.memref_squeeze %dma_start3A_72 : memref<1x64xi32, #tpu.memory_space<vmem>> -> memref<64xi32, #tpu.memory_space<vmem>>
      %dma_start3A_74 = arith.constant 0 : i32
      %dma_start3A_75 = arith.constant 0 : i32
      %dma_start3A_76 = tpu.memref_slice %arg2[%dma_start3A_74, %dma_start3A_75] : memref<10000x128xf32, #tpu.memory_space<hbm>> -> memref<10000x128xf32, #tpu.memory_space<hbm>>
      tpu.enqueue_indirect_dma source(%dma_start3A_76 : memref<10000x128xf32, #tpu.memory_space<hbm>>) target(%dma_start3A_70 : memref<64x128xf32, #tpu.memory_space<vmem>>) offsets(%dma_start3A_73 : memref<64xi32, #tpu.memory_space<vmem>>) semaphore(%arg11 : memref<!tpu.dma_semaphore, #tpu.memory_space<semaphore_mem>>)
      "tpu.region"() ({
        %run_scoped3A = tpu.sem_alloc : memref<!tpu.dma_semaphore, #tpu.memory_space<semaphore_mem>>
        %dma_start3A_77 = arith.constant 64 : i32
        %dma_start3A_78 = arith.constant 0 : i32
        %dma_start3A_79 = tpu.memref_slice %arg9[%dma_start3A_77, %dma_start3A_78] : memref<128x128xf32, #tpu.memory_space<vmem>> -> memref<64x128xf32, #tpu.memory_space<vmem>>
        %dma_start3A_80 = arith.constant 64 : i32
        %dma_start3A_81 = tpu.memref_slice %arg8[%scan3A_34, %dma_start3A_80] : memref<79x128xi32, #tpu.memory_space<vmem>> -> memref<1x64xi32, #tpu.memory_space<vmem>>
        %dma_start3A_82 = tpu.memref_squeeze %dma_start3A_81 : memref<1x64xi32, #tpu.memory_space<vmem>> -> memref<64xi32, #tpu.memory_space<vmem>>
        %dma_start3A_83 = arith.constant 0 : i32
        %dma_start3A_84 = arith.constant 0 : i32
        %dma_start3A_85 = tpu.memref_slice %arg10[%dma_start3A_83, %dma_start3A_84] : memref<10240x128xf32, #tpu.memory_space<vmem_shared>> -> memref<10240x128xf32, #tpu.memory_space<vmem_shared>>
        tpu.enqueue_indirect_dma source(%dma_start3A_79 : memref<64x128xf32, #tpu.memory_space<vmem>>) target(%dma_start3A_85 : memref<10240x128xf32, #tpu.memory_space<vmem_shared>>) offsets(%dma_start3A_82 : memref<64xi32, #tpu.memory_space<vmem>>) semaphore(%run_scoped3A : memref<!tpu.dma_semaphore, #tpu.memory_space<semaphore_mem>>) {add = true}
        %dma_wait3A_86 = arith.constant 64 : i32
        %dma_wait3A_87 = arith.constant 0 : i32
        %dma_wait3A_88 = tpu.memref_slice %arg9[%dma_wait3A_86, %dma_wait3A_87] : memref<128x128xf32, #tpu.memory_space<vmem>> -> memref<64x128xf32, #tpu.memory_space<vmem>>
        %dma_wait3A_89 = arith.constant 64 : i32
        %dma_wait3A_90 = tpu.memref_slice %arg8[%scan3A_34, %dma_wait3A_89] : memref<79x128xi32, #tpu.memory_space<vmem>> -> memref<1x64xi32, #tpu.memory_space<vmem>>
        %dma_wait3A_91 = tpu.memref_squeeze %dma_wait3A_90 : memref<1x64xi32, #tpu.memory_space<vmem>> -> memref<64xi32, #tpu.memory_space<vmem>>
        %dma_wait3A_92 = arith.constant 0 : i32
        %dma_wait3A_93 = arith.constant 0 : i32
        %dma_wait3A_94 = tpu.memref_slice %arg10[%dma_wait3A_92, %dma_wait3A_93] : memref<10240x128xf32, #tpu.memory_space<vmem_shared>> -> memref<10240x128xf32, #tpu.memory_space<vmem_shared>>
        tpu.wait_indirect_dma semaphore(%run_scoped3A : memref<!tpu.dma_semaphore, #tpu.memory_space<semaphore_mem>>) src(%dma_wait3A_88 : memref<64x128xf32, #tpu.memory_space<vmem>>) dst(%dma_wait3A_94 : memref<10240x128xf32, #tpu.memory_space<vmem_shared>>)
        tpu.yield
      }) : () -> ()
    }
    %scan3A_16 = arith.constant 79 : i32
    %dma_wait3A = arith.constant 0 : i32
    %dma_wait3A_17 = arith.constant 0 : i32
    %dma_wait3A_18 = arith.constant 0 : i32
    %dma_wait3A_19 = tpu.memref_slice %arg9[%dma_wait3A_17, %dma_wait3A_18] : memref<128x128xf32, #tpu.memory_space<vmem>> -> memref<64x128xf32, #tpu.memory_space<vmem>>
    %dma_wait3A_20 = arith.constant 0 : i32
    %dma_wait3A_21 = tpu.memref_slice %arg7[%dma_wait3A, %dma_wait3A_20] : memref<79x128xi32, #tpu.memory_space<vmem>> -> memref<1x64xi32, #tpu.memory_space<vmem>>
    %dma_wait3A_22 = tpu.memref_squeeze %dma_wait3A_21 : memref<1x64xi32, #tpu.memory_space<vmem>> -> memref<64xi32, #tpu.memory_space<vmem>>
    %dma_wait3A_23 = arith.constant 0 : i32
    %dma_wait3A_24 = arith.constant 0 : i32
    %dma_wait3A_25 = tpu.memref_slice %arg2[%dma_wait3A_23, %dma_wait3A_24] : memref<10000x128xf32, #tpu.memory_space<hbm>> -> memref<10000x128xf32, #tpu.memory_space<hbm>>
    tpu.wait_indirect_dma semaphore(%arg11 : memref<!tpu.dma_semaphore, #tpu.memory_space<semaphore_mem>>) src(%dma_wait3A_25 : memref<10000x128xf32, #tpu.memory_space<hbm>>) dst(%dma_wait3A_19 : memref<64x128xf32, #tpu.memory_space<vmem>>)
    %barrier3A_26 = arith.constant 0 : index
    tpu.barrier barrier_id(%barrier3A_26)
    %mul3A_27 = arith.constant 640 : i32
    %mul3A_28 = arith.muli %arg1, %mul3A_27 : i32
    %mul3A_29 = arith.constant 10240 : i32
    %mul3A_30 = arith.muli %arg0, %mul3A_29 : i32
    %mul3A_31 = arith.constant 640 : i32
    %mul3A_32 = arith.muli %arg1, %mul3A_31 : i32
    %add3A_33 = arith.addi %mul3A_30, %mul3A_32 : i32
    "tpu.region"() ({
      %run_scoped3A = tpu.sem_alloc : memref<!tpu.dma_semaphore, #tpu.memory_space<semaphore_mem>>
      %dma_start3A_34 = arith.constant 0 : i32
      %dma_start3A_35 = tpu.memref_slice %arg6[%add3A_33, %dma_start3A_34] : memref<20480x128xf32, #tpu.memory_space<hbm>> -> memref<640x128xf32, #tpu.memory_space<hbm>>
      %dma_start3A_36 = arith.constant 0 : i32
      %dma_start3A_37 = tpu.memref_slice %arg10[%mul3A_28, %dma_start3A_36] : memref<10240x128xf32, #tpu.memory_space<vmem_shared>> -> memref<640x128xf32, #tpu.memory_space<vmem_shared>>
      tpu.enqueue_dma source(%dma_start3A_37 : memref<640x128xf32, #tpu.memory_space<vmem_shared>>) target(%dma_start3A_35 : memref<640x128xf32, #tpu.memory_space<hbm>>) target_semaphore(%run_scoped3A : memref<!tpu.dma_semaphore, #tpu.memory_space<semaphore_mem>>)
      %dma_wait3A_38 = arith.constant 0 : i32
      %dma_wait3A_39 = tpu.memref_slice %arg6[%add3A_33, %dma_wait3A_38] : memref<20480x128xf32, #tpu.memory_space<hbm>> -> memref<640x128xf32, #tpu.memory_space<hbm>>
      %dma_wait3A_40 = arith.constant 0 : i32
      %dma_wait3A_41 = tpu.memref_slice %arg10[%mul3A_28, %dma_wait3A_40] : memref<10240x128xf32, #tpu.memory_space<vmem_shared>> -> memref<640x128xf32, #tpu.memory_space<vmem_shared>>
      tpu.wait_dma2 semaphore(%run_scoped3A : memref<!tpu.dma_semaphore, #tpu.memory_space<semaphore_mem>>) src(%dma_wait3A_41 : memref<640x128xf32, #tpu.memory_space<vmem_shared>>) dst(%dma_wait3A_39 : memref<640x128xf32, #tpu.memory_space<hbm>>)
      tpu.yield
    }) : () -> ()
    return
  }
}

#map = affine_map<(d0, d1) -> (0, 0)>
#map1 = affine_map<(d0, d1) -> (0, 0, 0)>
module attributes {stable_mosaic.version = 14 : i64} {
  func.func @pairs_kernel(%arg0: i32, %arg1: i32, %arg2: memref<10000x128xf32, #tpu.memory_space<hbm>>, %arg3: memref<10000x128xf32, #tpu.memory_space<hbm>>, %arg4: memref<32x79x128xi32, #tpu.memory_space<hbm>>, %arg5: memref<32x79x128xi32, #tpu.memory_space<hbm>>, %arg6: memref<323584x128xf32, #tpu.memory_space<hbm>>, %arg7: memref<79x128xi32, #tpu.memory_space<vmem>>, %arg8: memref<79x128xi32, #tpu.memory_space<vmem>>, %arg9: memref<2x128x128xf32, #tpu.memory_space<vmem>>, %arg10: memref<!tpu.dma_semaphore, #tpu.memory_space<semaphore_mem>>, %arg11: memref<!tpu.dma_semaphore, #tpu.memory_space<semaphore_mem>>) attributes {dimension_semantics = [#tpu.dimension_semantics<core_parallel>, #tpu.dimension_semantics<subcore_parallel>], iteration_bounds = array<i64: 2, 16>, scalar_prefetch = 0 : i64, scratch_operands = 5 : i64, tpu.core_type = #tpu.core_type<sc_vector_subcore>, window_params = [{transform_indices = #map}, {transform_indices = #map}, {transform_indices = #map1}, {transform_indices = #map1}, {transform_indices = #map}]} {
    %mul3A = arith.constant 16 : i32
    %mul3A_0 = arith.muli %arg0, %mul3A : i32
    %add3A = arith.addi %mul3A_0, %arg1 : i32
    "tpu.region"() ({
      %run_scoped3A_61 = tpu.sem_alloc : memref<!tpu.dma_semaphore, #tpu.memory_space<semaphore_mem>>
      %dma_start3A_62 = arith.constant 0 : i32
      %dma_start3A_63 = arith.constant 0 : i32
      %dma_start3A_64 = tpu.memref_slice %arg4[%add3A, %dma_start3A_62, %dma_start3A_63] : memref<32x79x128xi32, #tpu.memory_space<hbm>> -> memref<1x79x128xi32, #tpu.memory_space<hbm>>
      %dma_start3A_65 = tpu.memref_squeeze %dma_start3A_64 : memref<1x79x128xi32, #tpu.memory_space<hbm>> -> memref<79x128xi32, #tpu.memory_space<hbm>>
      %dma_start3A_66 = arith.constant 0 : i32
      %dma_start3A_67 = arith.constant 0 : i32
      %dma_start3A_68 = tpu.memref_slice %arg4[%add3A, %dma_start3A_66, %dma_start3A_67] : memref<32x79x128xi32, #tpu.memory_space<hbm>> -> memref<1x79x128xi32, #tpu.memory_space<hbm>>
      %dma_start3A_69 = tpu.memref_squeeze %dma_start3A_68 : memref<1x79x128xi32, #tpu.memory_space<hbm>> -> memref<79x128xi32, #tpu.memory_space<hbm>>
      tpu.enqueue_dma source(%dma_start3A_69 : memref<79x128xi32, #tpu.memory_space<hbm>>) target(%arg7 : memref<79x128xi32, #tpu.memory_space<vmem>>) target_semaphore(%run_scoped3A_61 : memref<!tpu.dma_semaphore, #tpu.memory_space<semaphore_mem>>)
      %dma_wait3A_70 = arith.constant 0 : i32
      %dma_wait3A_71 = arith.constant 0 : i32
      %dma_wait3A_72 = tpu.memref_slice %arg4[%add3A, %dma_wait3A_70, %dma_wait3A_71] : memref<32x79x128xi32, #tpu.memory_space<hbm>> -> memref<1x79x128xi32, #tpu.memory_space<hbm>>
      %dma_wait3A_73 = tpu.memref_squeeze %dma_wait3A_72 : memref<1x79x128xi32, #tpu.memory_space<hbm>> -> memref<79x128xi32, #tpu.memory_space<hbm>>
      %dma_wait3A_74 = arith.constant 0 : i32
      %dma_wait3A_75 = arith.constant 0 : i32
      %dma_wait3A_76 = tpu.memref_slice %arg4[%add3A, %dma_wait3A_74, %dma_wait3A_75] : memref<32x79x128xi32, #tpu.memory_space<hbm>> -> memref<1x79x128xi32, #tpu.memory_space<hbm>>
      %dma_wait3A_77 = tpu.memref_squeeze %dma_wait3A_76 : memref<1x79x128xi32, #tpu.memory_space<hbm>> -> memref<79x128xi32, #tpu.memory_space<hbm>>
      tpu.wait_dma2 semaphore(%run_scoped3A_61 : memref<!tpu.dma_semaphore, #tpu.memory_space<semaphore_mem>>) src(%dma_wait3A_77 : memref<79x128xi32, #tpu.memory_space<hbm>>) dst(%arg7 : memref<79x128xi32, #tpu.memory_space<vmem>>)
      tpu.yield
    }) : () -> ()
    "tpu.region"() ({
      %run_scoped3A_61 = tpu.sem_alloc : memref<!tpu.dma_semaphore, #tpu.memory_space<semaphore_mem>>
      %dma_start3A_62 = arith.constant 0 : i32
      %dma_start3A_63 = arith.constant 0 : i32
      %dma_start3A_64 = tpu.memref_slice %arg5[%add3A, %dma_start3A_62, %dma_start3A_63] : memref<32x79x128xi32, #tpu.memory_space<hbm>> -> memref<1x79x128xi32, #tpu.memory_space<hbm>>
      %dma_start3A_65 = tpu.memref_squeeze %dma_start3A_64 : memref<1x79x128xi32, #tpu.memory_space<hbm>> -> memref<79x128xi32, #tpu.memory_space<hbm>>
      %dma_start3A_66 = arith.constant 0 : i32
      %dma_start3A_67 = arith.constant 0 : i32
      %dma_start3A_68 = tpu.memref_slice %arg5[%add3A, %dma_start3A_66, %dma_start3A_67] : memref<32x79x128xi32, #tpu.memory_space<hbm>> -> memref<1x79x128xi32, #tpu.memory_space<hbm>>
      %dma_start3A_69 = tpu.memref_squeeze %dma_start3A_68 : memref<1x79x128xi32, #tpu.memory_space<hbm>> -> memref<79x128xi32, #tpu.memory_space<hbm>>
      tpu.enqueue_dma source(%dma_start3A_69 : memref<79x128xi32, #tpu.memory_space<hbm>>) target(%arg8 : memref<79x128xi32, #tpu.memory_space<vmem>>) target_semaphore(%run_scoped3A_61 : memref<!tpu.dma_semaphore, #tpu.memory_space<semaphore_mem>>)
      %dma_wait3A_70 = arith.constant 0 : i32
      %dma_wait3A_71 = arith.constant 0 : i32
      %dma_wait3A_72 = tpu.memref_slice %arg5[%add3A, %dma_wait3A_70, %dma_wait3A_71] : memref<32x79x128xi32, #tpu.memory_space<hbm>> -> memref<1x79x128xi32, #tpu.memory_space<hbm>>
      %dma_wait3A_73 = tpu.memref_squeeze %dma_wait3A_72 : memref<1x79x128xi32, #tpu.memory_space<hbm>> -> memref<79x128xi32, #tpu.memory_space<hbm>>
      %dma_wait3A_74 = arith.constant 0 : i32
      %dma_wait3A_75 = arith.constant 0 : i32
      %dma_wait3A_76 = tpu.memref_slice %arg5[%add3A, %dma_wait3A_74, %dma_wait3A_75] : memref<32x79x128xi32, #tpu.memory_space<hbm>> -> memref<1x79x128xi32, #tpu.memory_space<hbm>>
      %dma_wait3A_77 = tpu.memref_squeeze %dma_wait3A_76 : memref<1x79x128xi32, #tpu.memory_space<hbm>> -> memref<79x128xi32, #tpu.memory_space<hbm>>
      tpu.wait_dma2 semaphore(%run_scoped3A_61 : memref<!tpu.dma_semaphore, #tpu.memory_space<semaphore_mem>>) src(%dma_wait3A_77 : memref<79x128xi32, #tpu.memory_space<hbm>>) dst(%arg8 : memref<79x128xi32, #tpu.memory_space<vmem>>)
      tpu.yield
    }) : () -> ()
    %mul3A_1 = arith.constant 10112 : i32
    %mul3A_2 = arith.muli %add3A, %mul3A_1 : i32
    %dma_start3A = arith.constant 0 : i32
    %dma_start3A_3 = arith.constant 0 : i32
    %dma_start3A_4 = arith.constant 0 : i32
    %dma_start3A_5 = arith.constant 0 : i32
    %dma_start3A_6 = tpu.memref_slice %arg9[%dma_start3A_3, %dma_start3A_4, %dma_start3A_5] : memref<2x128x128xf32, #tpu.memory_space<vmem>> -> memref<1x128x128xf32, #tpu.memory_space<vmem>>
    %dma_start3A_7 = tpu.memref_squeeze %dma_start3A_6 : memref<1x128x128xf32, #tpu.memory_space<vmem>> -> memref<128x128xf32, #tpu.memory_space<vmem>>
    %dma_start3A_8 = arith.constant 0 : i32
    %dma_start3A_9 = tpu.memref_slice %arg7[%dma_start3A, %dma_start3A_8] : memref<79x128xi32, #tpu.memory_space<vmem>> -> memref<1x128xi32, #tpu.memory_space<vmem>>
    %dma_start3A_10 = tpu.memref_squeeze %dma_start3A_9 : memref<1x128xi32, #tpu.memory_space<vmem>> -> memref<128xi32, #tpu.memory_space<vmem>>
    %dma_start3A_11 = arith.constant 0 : i32
    %dma_start3A_12 = arith.constant 0 : i32
    %dma_start3A_13 = tpu.memref_slice %arg2[%dma_start3A_11, %dma_start3A_12] : memref<10000x128xf32, #tpu.memory_space<hbm>> -> memref<10000x128xf32, #tpu.memory_space<hbm>>
    tpu.enqueue_indirect_dma source(%dma_start3A_13 : memref<10000x128xf32, #tpu.memory_space<hbm>>) target(%dma_start3A_7 : memref<128x128xf32, #tpu.memory_space<vmem>>) offsets(%dma_start3A_10 : memref<128xi32, #tpu.memory_space<vmem>>) semaphore(%arg10 : memref<!tpu.dma_semaphore, #tpu.memory_space<semaphore_mem>>)
    %scan3A = arith.constant 0 : i32
    %scan3A_14 = arith.constant 0 : i32
    %scan3A_15 = arith.constant 39 : i32
    %scan3A_16 = arith.addi %scan3A_14, %scan3A_15 : i32
    %scan3A_17 = arith.constant 1 : i32
    scf.for %scan3A_61 = %scan3A_14 to %scan3A_16 step %scan3A_17  : i32 {
      %mul3A_62 = arith.constant 2 : i32
      %mul3A_63 = arith.muli %mul3A_62, %scan3A_61 : i32
      %dma_wait3A_64 = arith.constant 0 : i32
      %dma_wait3A_65 = arith.constant 0 : i32
      %dma_wait3A_66 = arith.constant 0 : i32
      %dma_wait3A_67 = tpu.memref_slice %arg9[%dma_wait3A_64, %dma_wait3A_65, %dma_wait3A_66] : memref<2x128x128xf32, #tpu.memory_space<vmem>> -> memref<1x128x128xf32, #tpu.memory_space<vmem>>
      %dma_wait3A_68 = tpu.memref_squeeze %dma_wait3A_67 : memref<1x128x128xf32, #tpu.memory_space<vmem>> -> memref<128x128xf32, #tpu.memory_space<vmem>>
      %dma_wait3A_69 = arith.constant 0 : i32
      %dma_wait3A_70 = tpu.memref_slice %arg7[%mul3A_63, %dma_wait3A_69] : memref<79x128xi32, #tpu.memory_space<vmem>> -> memref<1x128xi32, #tpu.memory_space<vmem>>
      %dma_wait3A_71 = tpu.memref_squeeze %dma_wait3A_70 : memref<1x128xi32, #tpu.memory_space<vmem>> -> memref<128xi32, #tpu.memory_space<vmem>>
      %dma_wait3A_72 = arith.constant 0 : i32
      %dma_wait3A_73 = arith.constant 0 : i32
      %dma_wait3A_74 = tpu.memref_slice %arg2[%dma_wait3A_72, %dma_wait3A_73] : memref<10000x128xf32, #tpu.memory_space<hbm>> -> memref<10000x128xf32, #tpu.memory_space<hbm>>
      tpu.wait_indirect_dma semaphore(%arg10 : memref<!tpu.dma_semaphore, #tpu.memory_space<semaphore_mem>>) src(%dma_wait3A_74 : memref<10000x128xf32, #tpu.memory_space<hbm>>) dst(%dma_wait3A_68 : memref<128x128xf32, #tpu.memory_space<vmem>>)
      %add3A_75 = arith.constant 1 : i32
      %add3A_76 = arith.addi %mul3A_63, %add3A_75 : i32
      %dma_start3A_77 = arith.constant 1 : i32
      %dma_start3A_78 = arith.constant 0 : i32
      %dma_start3A_79 = arith.constant 0 : i32
      %dma_start3A_80 = tpu.memref_slice %arg9[%dma_start3A_77, %dma_start3A_78, %dma_start3A_79] : memref<2x128x128xf32, #tpu.memory_space<vmem>> -> memref<1x128x128xf32, #tpu.memory_space<vmem>>
      %dma_start3A_81 = tpu.memref_squeeze %dma_start3A_80 : memref<1x128x128xf32, #tpu.memory_space<vmem>> -> memref<128x128xf32, #tpu.memory_space<vmem>>
      %dma_start3A_82 = arith.constant 0 : i32
      %dma_start3A_83 = tpu.memref_slice %arg7[%add3A_76, %dma_start3A_82] : memref<79x128xi32, #tpu.memory_space<vmem>> -> memref<1x128xi32, #tpu.memory_space<vmem>>
      %dma_start3A_84 = tpu.memref_squeeze %dma_start3A_83 : memref<1x128xi32, #tpu.memory_space<vmem>> -> memref<128xi32, #tpu.memory_space<vmem>>
      %dma_start3A_85 = arith.constant 0 : i32
      %dma_start3A_86 = arith.constant 0 : i32
      %dma_start3A_87 = tpu.memref_slice %arg2[%dma_start3A_85, %dma_start3A_86] : memref<10000x128xf32, #tpu.memory_space<hbm>> -> memref<10000x128xf32, #tpu.memory_space<hbm>>
      tpu.enqueue_indirect_dma source(%dma_start3A_87 : memref<10000x128xf32, #tpu.memory_space<hbm>>) target(%dma_start3A_81 : memref<128x128xf32, #tpu.memory_space<vmem>>) offsets(%dma_start3A_84 : memref<128xi32, #tpu.memory_space<vmem>>) semaphore(%arg10 : memref<!tpu.dma_semaphore, #tpu.memory_space<semaphore_mem>>)
      %run_scoped3A_88 = arith.constant 0 : i32
      "tpu.region"() ({
        %run_scoped3A_184 = tpu.sem_alloc : memref<!tpu.dma_semaphore, #tpu.memory_space<semaphore_mem>>
        %dma_start3A_185 = arith.constant 0 : i32
        %dma_start3A_186 = arith.constant 0 : i32
        %dma_start3A_187 = tpu.memref_slice %arg9[%run_scoped3A_88, %dma_start3A_185, %dma_start3A_186] : memref<2x128x128xf32, #tpu.memory_space<vmem>> -> memref<1x128x128xf32, #tpu.memory_space<vmem>>
        %dma_start3A_188 = tpu.memref_squeeze %dma_start3A_187 : memref<1x128x128xf32, #tpu.memory_space<vmem>> -> memref<128x128xf32, #tpu.memory_space<vmem>>
        %dma_start3A_189 = arith.constant 0 : i32
        %dma_start3A_190 = tpu.memref_slice %arg8[%mul3A_63, %dma_start3A_189] : memref<79x128xi32, #tpu.memory_space<vmem>> -> memref<1x128xi32, #tpu.memory_space<vmem>>
        %dma_start3A_191 = tpu.memref_squeeze %dma_start3A_190 : memref<1x128xi32, #tpu.memory_space<vmem>> -> memref<128xi32, #tpu.memory_space<vmem>>
        %dma_start3A_192 = arith.constant 0 : i32
        %dma_start3A_193 = arith.constant 0 : i32
        %dma_start3A_194 = tpu.memref_slice %arg3[%dma_start3A_192, %dma_start3A_193] : memref<10000x128xf32, #tpu.memory_space<hbm>> -> memref<10000x128xf32, #tpu.memory_space<hbm>>
        tpu.enqueue_indirect_dma source(%dma_start3A_194 : memref<10000x128xf32, #tpu.memory_space<hbm>>) target(%dma_start3A_188 : memref<128x128xf32, #tpu.memory_space<vmem>>) offsets(%dma_start3A_191 : memref<128xi32, #tpu.memory_space<vmem>>) semaphore(%run_scoped3A_184 : memref<!tpu.dma_semaphore, #tpu.memory_space<semaphore_mem>>) {add = true}
        %dma_wait3A_195 = arith.constant 0 : i32
        %dma_wait3A_196 = arith.constant 0 : i32
        %dma_wait3A_197 = tpu.memref_slice %arg9[%run_scoped3A_88, %dma_wait3A_195, %dma_wait3A_196] : memref<2x128x128xf32, #tpu.memory_space<vmem>> -> memref<1x128x128xf32, #tpu.memory_space<vmem>>
        %dma_wait3A_198 = tpu.memref_squeeze %dma_wait3A_197 : memref<1x128x128xf32, #tpu.memory_space<vmem>> -> memref<128x128xf32, #tpu.memory_space<vmem>>
        %dma_wait3A_199 = arith.constant 0 : i32
        %dma_wait3A_200 = tpu.memref_slice %arg8[%mul3A_63, %dma_wait3A_199] : memref<79x128xi32, #tpu.memory_space<vmem>> -> memref<1x128xi32, #tpu.memory_space<vmem>>
        %dma_wait3A_201 = tpu.memref_squeeze %dma_wait3A_200 : memref<1x128xi32, #tpu.memory_space<vmem>> -> memref<128xi32, #tpu.memory_space<vmem>>
        %dma_wait3A_202 = arith.constant 0 : i32
        %dma_wait3A_203 = arith.constant 0 : i32
        %dma_wait3A_204 = tpu.memref_slice %arg3[%dma_wait3A_202, %dma_wait3A_203] : memref<10000x128xf32, #tpu.memory_space<hbm>> -> memref<10000x128xf32, #tpu.memory_space<hbm>>
        tpu.wait_indirect_dma semaphore(%run_scoped3A_184 : memref<!tpu.dma_semaphore, #tpu.memory_space<semaphore_mem>>) src(%dma_wait3A_204 : memref<10000x128xf32, #tpu.memory_space<hbm>>) dst(%dma_wait3A_198 : memref<128x128xf32, #tpu.memory_space<vmem>>)
        tpu.yield
      }) : () -> ()
      %mul3A_89 = arith.constant 128 : i32
      %mul3A_90 = arith.muli %mul3A_63, %mul3A_89 : i32
      %add3A_91 = arith.addi %mul3A_2, %mul3A_90 : i32
      %dma_start3A_92 = arith.constant 0 : i32
      %dma_start3A_93 = arith.constant 0 : i32
      %dma_start3A_94 = arith.constant 0 : i32
      %dma_start3A_95 = tpu.memref_slice %arg9[%dma_start3A_92, %dma_start3A_93, %dma_start3A_94] : memref<2x128x128xf32, #tpu.memory_space<vmem>> -> memref<1x128x128xf32, #tpu.memory_space<vmem>>
      %dma_start3A_96 = tpu.memref_squeeze %dma_start3A_95 : memref<1x128x128xf32, #tpu.memory_space<vmem>> -> memref<128x128xf32, #tpu.memory_space<vmem>>
      %dma_start3A_97 = arith.constant 0 : i32
      %dma_start3A_98 = tpu.memref_slice %arg6[%add3A_91, %dma_start3A_97] : memref<323584x128xf32, #tpu.memory_space<hbm>> -> memref<128x128xf32, #tpu.memory_space<hbm>>
      %dma_start3A_99 = arith.constant 0 : i32
      %dma_start3A_100 = tpu.memref_slice %arg6[%add3A_91, %dma_start3A_99] : memref<323584x128xf32, #tpu.memory_space<hbm>> -> memref<128x128xf32, #tpu.memory_space<hbm>>
      %dma_start3A_101 = arith.constant 0 : i32
      %dma_start3A_102 = arith.constant 0 : i32
      %dma_start3A_103 = tpu.memref_slice %arg9[%dma_start3A_92, %dma_start3A_101, %dma_start3A_102] : memref<2x128x128xf32, #tpu.memory_space<vmem>> -> memref<1x128x128xf32, #tpu.memory_space<vmem>>
      %dma_start3A_104 = tpu.memref_squeeze %dma_start3A_103 : memref<1x128x128xf32, #tpu.memory_space<vmem>> -> memref<128x128xf32, #tpu.memory_space<vmem>>
      tpu.enqueue_dma source(%dma_start3A_104 : memref<128x128xf32, #tpu.memory_space<vmem>>) target(%dma_start3A_100 : memref<128x128xf32, #tpu.memory_space<hbm>>) target_semaphore(%arg11 : memref<!tpu.dma_semaphore, #tpu.memory_space<semaphore_mem>>)
      %mul3A_105 = arith.constant 128 : i32
      %mul3A_106 = arith.muli %mul3A_63, %mul3A_105 : i32
      %add3A_107 = arith.addi %mul3A_2, %mul3A_106 : i32
      %dma_wait3A_108 = arith.constant 0 : i32
      %dma_wait3A_109 = arith.constant 0 : i32
      %dma_wait3A_110 = arith.constant 0 : i32
      %dma_wait3A_111 = tpu.memref_slice %arg9[%dma_wait3A_108, %dma_wait3A_109, %dma_wait3A_110] : memref<2x128x128xf32, #tpu.memory_space<vmem>> -> memref<1x128x128xf32, #tpu.memory_space<vmem>>
      %dma_wait3A_112 = tpu.memref_squeeze %dma_wait3A_111 : memref<1x128x128xf32, #tpu.memory_space<vmem>> -> memref<128x128xf32, #tpu.memory_space<vmem>>
      %dma_wait3A_113 = arith.constant 0 : i32
      %dma_wait3A_114 = tpu.memref_slice %arg6[%add3A_107, %dma_wait3A_113] : memref<323584x128xf32, #tpu.memory_space<hbm>> -> memref<128x128xf32, #tpu.memory_space<hbm>>
      %dma_wait3A_115 = arith.constant 0 : i32
      %dma_wait3A_116 = tpu.memref_slice %arg6[%add3A_107, %dma_wait3A_115] : memref<323584x128xf32, #tpu.memory_space<hbm>> -> memref<128x128xf32, #tpu.memory_space<hbm>>
      %dma_wait3A_117 = arith.constant 0 : i32
      %dma_wait3A_118 = arith.constant 0 : i32
      %dma_wait3A_119 = tpu.memref_slice %arg9[%dma_wait3A_108, %dma_wait3A_117, %dma_wait3A_118] : memref<2x128x128xf32, #tpu.memory_space<vmem>> -> memref<1x128x128xf32, #tpu.memory_space<vmem>>
      %dma_wait3A_120 = tpu.memref_squeeze %dma_wait3A_119 : memref<1x128x128xf32, #tpu.memory_space<vmem>> -> memref<128x128xf32, #tpu.memory_space<vmem>>
      tpu.wait_dma2 semaphore(%arg11 : memref<!tpu.dma_semaphore, #tpu.memory_space<semaphore_mem>>) src(%dma_wait3A_120 : memref<128x128xf32, #tpu.memory_space<vmem>>) dst(%dma_wait3A_116 : memref<128x128xf32, #tpu.memory_space<hbm>>)
      %add3A_121 = arith.constant 1 : i32
      %add3A_122 = arith.addi %mul3A_63, %add3A_121 : i32
      %dma_wait3A_123 = arith.constant 1 : i32
      %dma_wait3A_124 = arith.constant 0 : i32
      %dma_wait3A_125 = arith.constant 0 : i32
      %dma_wait3A_126 = tpu.memref_slice %arg9[%dma_wait3A_123, %dma_wait3A_124, %dma_wait3A_125] : memref<2x128x128xf32, #tpu.memory_space<vmem>> -> memref<1x128x128xf32, #tpu.memory_space<vmem>>
      %dma_wait3A_127 = tpu.memref_squeeze %dma_wait3A_126 : memref<1x128x128xf32, #tpu.memory_space<vmem>> -> memref<128x128xf32, #tpu.memory_space<vmem>>
      %dma_wait3A_128 = arith.constant 0 : i32
      %dma_wait3A_129 = tpu.memref_slice %arg7[%add3A_122, %dma_wait3A_128] : memref<79x128xi32, #tpu.memory_space<vmem>> -> memref<1x128xi32, #tpu.memory_space<vmem>>
      %dma_wait3A_130 = tpu.memref_squeeze %dma_wait3A_129 : memref<1x128xi32, #tpu.memory_space<vmem>> -> memref<128xi32, #tpu.memory_space<vmem>>
      %dma_wait3A_131 = arith.constant 0 : i32
      %dma_wait3A_132 = arith.constant 0 : i32
      %dma_wait3A_133 = tpu.memref_slice %arg2[%dma_wait3A_131, %dma_wait3A_132] : memref<10000x128xf32, #tpu.memory_space<hbm>> -> memref<10000x128xf32, #tpu.memory_space<hbm>>
      tpu.wait_indirect_dma semaphore(%arg10 : memref<!tpu.dma_semaphore, #tpu.memory_space<semaphore_mem>>) src(%dma_wait3A_133 : memref<10000x128xf32, #tpu.memory_space<hbm>>) dst(%dma_wait3A_127 : memref<128x128xf32, #tpu.memory_space<vmem>>)
      %add3A_134 = arith.constant 1 : i32
      %add3A_135 = arith.addi %add3A_122, %add3A_134 : i32
      %lt3A = arith.constant 79 : i32
      %lt3A_136 = arith.cmpi slt, %add3A_135, %lt3A : i32
      %add3A_137 = arith.constant 1 : i32
      %add3A_138 = arith.addi %add3A_122, %add3A_137 : i32
      %select_n3A = arith.constant 0 : i32
      %select_n3A_139 = arith.select %lt3A_136, %add3A_138, %select_n3A : i32
      %dma_start3A_140 = arith.constant 0 : i32
      %dma_start3A_141 = arith.constant 0 : i32
      %dma_start3A_142 = arith.constant 0 : i32
      %dma_start3A_143 = tpu.memref_slice %arg9[%dma_start3A_140, %dma_start3A_141, %dma_start3A_142] : memref<2x128x128xf32, #tpu.memory_space<vmem>> -> memref<1x128x128xf32, #tpu.memory_space<vmem>>
      %dma_start3A_144 = tpu.memref_squeeze %dma_start3A_143 : memref<1x128x128xf32, #tpu.memory_space<vmem>> -> memref<128x128xf32, #tpu.memory_space<vmem>>
      %dma_start3A_145 = arith.constant 0 : i32
      %dma_start3A_146 = tpu.memref_slice %arg7[%select_n3A_139, %dma_start3A_145] : memref<79x128xi32, #tpu.memory_space<vmem>> -> memref<1x128xi32, #tpu.memory_space<vmem>>
      %dma_start3A_147 = tpu.memref_squeeze %dma_start3A_146 : memref<1x128xi32, #tpu.memory_space<vmem>> -> memref<128xi32, #tpu.memory_space<vmem>>
      %dma_start3A_148 = arith.constant 0 : i32
      %dma_start3A_149 = arith.constant 0 : i32
      %dma_start3A_150 = tpu.memref_slice %arg2[%dma_start3A_148, %dma_start3A_149] : memref<10000x128xf32, #tpu.memory_space<hbm>> -> memref<10000x128xf32, #tpu.memory_space<hbm>>
      tpu.enqueue_indirect_dma source(%dma_start3A_150 : memref<10000x128xf32, #tpu.memory_space<hbm>>) target(%dma_start3A_144 : memref<128x128xf32, #tpu.memory_space<vmem>>) offsets(%dma_start3A_147 : memref<128xi32, #tpu.memory_space<vmem>>) semaphore(%arg10 : memref<!tpu.dma_semaphore, #tpu.memory_space<semaphore_mem>>)
      %run_scoped3A_151 = arith.constant 1 : i32
      "tpu.region"() ({
        %run_scoped3A_184 = tpu.sem_alloc : memref<!tpu.dma_semaphore, #tpu.memory_space<semaphore_mem>>
        %dma_start3A_185 = arith.constant 0 : i32
        %dma_start3A_186 = arith.constant 0 : i32
        %dma_start3A_187 = tpu.memref_slice %arg9[%run_scoped3A_151, %dma_start3A_185, %dma_start3A_186] : memref<2x128x128xf32, #tpu.memory_space<vmem>> -> memref<1x128x128xf32, #tpu.memory_space<vmem>>
        %dma_start3A_188 = tpu.memref_squeeze %dma_start3A_187 : memref<1x128x128xf32, #tpu.memory_space<vmem>> -> memref<128x128xf32, #tpu.memory_space<vmem>>
        %dma_start3A_189 = arith.constant 0 : i32
        %dma_start3A_190 = tpu.memref_slice %arg8[%add3A_122, %dma_start3A_189] : memref<79x128xi32, #tpu.memory_space<vmem>> -> memref<1x128xi32, #tpu.memory_space<vmem>>
        %dma_start3A_191 = tpu.memref_squeeze %dma_start3A_190 : memref<1x128xi32, #tpu.memory_space<vmem>> -> memref<128xi32, #tpu.memory_space<vmem>>
        %dma_start3A_192 = arith.constant 0 : i32
        %dma_start3A_193 = arith.constant 0 : i32
        %dma_start3A_194 = tpu.memref_slice %arg3[%dma_start3A_192, %dma_start3A_193] : memref<10000x128xf32, #tpu.memory_space<hbm>> -> memref<10000x128xf32, #tpu.memory_space<hbm>>
        tpu.enqueue_indirect_dma source(%dma_start3A_194 : memref<10000x128xf32, #tpu.memory_space<hbm>>) target(%dma_start3A_188 : memref<128x128xf32, #tpu.memory_space<vmem>>) offsets(%dma_start3A_191 : memref<128xi32, #tpu.memory_space<vmem>>) semaphore(%run_scoped3A_184 : memref<!tpu.dma_semaphore, #tpu.memory_space<semaphore_mem>>) {add = true}
        %dma_wait3A_195 = arith.constant 0 : i32
        %dma_wait3A_196 = arith.constant 0 : i32
        %dma_wait3A_197 = tpu.memref_slice %arg9[%run_scoped3A_151, %dma_wait3A_195, %dma_wait3A_196] : memref<2x128x128xf32, #tpu.memory_space<vmem>> -> memref<1x128x128xf32, #tpu.memory_space<vmem>>
        %dma_wait3A_198 = tpu.memref_squeeze %dma_wait3A_197 : memref<1x128x128xf32, #tpu.memory_space<vmem>> -> memref<128x128xf32, #tpu.memory_space<vmem>>
        %dma_wait3A_199 = arith.constant 0 : i32
        %dma_wait3A_200 = tpu.memref_slice %arg8[%add3A_122, %dma_wait3A_199] : memref<79x128xi32, #tpu.memory_space<vmem>> -> memref<1x128xi32, #tpu.memory_space<vmem>>
        %dma_wait3A_201 = tpu.memref_squeeze %dma_wait3A_200 : memref<1x128xi32, #tpu.memory_space<vmem>> -> memref<128xi32, #tpu.memory_space<vmem>>
        %dma_wait3A_202 = arith.constant 0 : i32
        %dma_wait3A_203 = arith.constant 0 : i32
        %dma_wait3A_204 = tpu.memref_slice %arg3[%dma_wait3A_202, %dma_wait3A_203] : memref<10000x128xf32, #tpu.memory_space<hbm>> -> memref<10000x128xf32, #tpu.memory_space<hbm>>
        tpu.wait_indirect_dma semaphore(%run_scoped3A_184 : memref<!tpu.dma_semaphore, #tpu.memory_space<semaphore_mem>>) src(%dma_wait3A_204 : memref<10000x128xf32, #tpu.memory_space<hbm>>) dst(%dma_wait3A_198 : memref<128x128xf32, #tpu.memory_space<vmem>>)
        tpu.yield
      }) : () -> ()
      %mul3A_152 = arith.constant 128 : i32
      %mul3A_153 = arith.muli %add3A_122, %mul3A_152 : i32
      %add3A_154 = arith.addi %mul3A_2, %mul3A_153 : i32
      %dma_start3A_155 = arith.constant 1 : i32
      %dma_start3A_156 = arith.constant 0 : i32
      %dma_start3A_157 = arith.constant 0 : i32
      %dma_start3A_158 = tpu.memref_slice %arg9[%dma_start3A_155, %dma_start3A_156, %dma_start3A_157] : memref<2x128x128xf32, #tpu.memory_space<vmem>> -> memref<1x128x128xf32, #tpu.memory_space<vmem>>
      %dma_start3A_159 = tpu.memref_squeeze %dma_start3A_158 : memref<1x128x128xf32, #tpu.memory_space<vmem>> -> memref<128x128xf32, #tpu.memory_space<vmem>>
      %dma_start3A_160 = arith.constant 0 : i32
      %dma_start3A_161 = tpu.memref_slice %arg6[%add3A_154, %dma_start3A_160] : memref<323584x128xf32, #tpu.memory_space<hbm>> -> memref<128x128xf32, #tpu.memory_space<hbm>>
      %dma_start3A_162 = arith.constant 0 : i32
      %dma_start3A_163 = tpu.memref_slice %arg6[%add3A_154, %dma_start3A_162] : memref<323584x128xf32, #tpu.memory_space<hbm>> -> memref<128x128xf32, #tpu.memory_space<hbm>>
      %dma_start3A_164 = arith.constant 0 : i32
      %dma_start3A_165 = arith.constant 0 : i32
      %dma_start3A_166 = tpu.memref_slice %arg9[%dma_start3A_155, %dma_start3A_164, %dma_start3A_165] : memref<2x128x128xf32, #tpu.memory_space<vmem>> -> memref<1x128x128xf32, #tpu.memory_space<vmem>>
      %dma_start3A_167 = tpu.memref_squeeze %dma_start3A_166 : memref<1x128x128xf32, #tpu.memory_space<vmem>> -> memref<128x128xf32, #tpu.memory_space<vmem>>
      tpu.enqueue_dma source(%dma_start3A_167 : memref<128x128xf32, #tpu.memory_space<vmem>>) target(%dma_start3A_163 : memref<128x128xf32, #tpu.memory_space<hbm>>) target_semaphore(%arg11 : memref<!tpu.dma_semaphore, #tpu.memory_space<semaphore_mem>>)
      %mul3A_168 = arith.constant 128 : i32
      %mul3A_169 = arith.muli %add3A_122, %mul3A_168 : i32
      %add3A_170 = arith.addi %mul3A_2, %mul3A_169 : i32
      %dma_wait3A_171 = arith.constant 1 : i32
      %dma_wait3A_172 = arith.constant 0 : i32
      %dma_wait3A_173 = arith.constant 0 : i32
      %dma_wait3A_174 = tpu.memref_slice %arg9[%dma_wait3A_171, %dma_wait3A_172, %dma_wait3A_173] : memref<2x128x128xf32, #tpu.memory_space<vmem>> -> memref<1x128x128xf32, #tpu.memory_space<vmem>>
      %dma_wait3A_175 = tpu.memref_squeeze %dma_wait3A_174 : memref<1x128x128xf32, #tpu.memory_space<vmem>> -> memref<128x128xf32, #tpu.memory_space<vmem>>
      %dma_wait3A_176 = arith.constant 0 : i32
      %dma_wait3A_177 = tpu.memref_slice %arg6[%add3A_170, %dma_wait3A_176] : memref<323584x128xf32, #tpu.memory_space<hbm>> -> memref<128x128xf32, #tpu.memory_space<hbm>>
      %dma_wait3A_178 = arith.constant 0 : i32
      %dma_wait3A_179 = tpu.memref_slice %arg6[%add3A_170, %dma_wait3A_178] : memref<323584x128xf32, #tpu.memory_space<hbm>> -> memref<128x128xf32, #tpu.memory_space<hbm>>
      %dma_wait3A_180 = arith.constant 0 : i32
      %dma_wait3A_181 = arith.constant 0 : i32
      %dma_wait3A_182 = tpu.memref_slice %arg9[%dma_wait3A_171, %dma_wait3A_180, %dma_wait3A_181] : memref<2x128x128xf32, #tpu.memory_space<vmem>> -> memref<1x128x128xf32, #tpu.memory_space<vmem>>
      %dma_wait3A_183 = tpu.memref_squeeze %dma_wait3A_182 : memref<1x128x128xf32, #tpu.memory_space<vmem>> -> memref<128x128xf32, #tpu.memory_space<vmem>>
      tpu.wait_dma2 semaphore(%arg11 : memref<!tpu.dma_semaphore, #tpu.memory_space<semaphore_mem>>) src(%dma_wait3A_183 : memref<128x128xf32, #tpu.memory_space<vmem>>) dst(%dma_wait3A_179 : memref<128x128xf32, #tpu.memory_space<hbm>>)
    }
    %scan3A_18 = arith.constant 39 : i32
    %dma_wait3A = arith.constant 78 : i32
    %dma_wait3A_19 = arith.constant 0 : i32
    %dma_wait3A_20 = arith.constant 0 : i32
    %dma_wait3A_21 = arith.constant 0 : i32
    %dma_wait3A_22 = tpu.memref_slice %arg9[%dma_wait3A_19, %dma_wait3A_20, %dma_wait3A_21] : memref<2x128x128xf32, #tpu.memory_space<vmem>> -> memref<1x128x128xf32, #tpu.memory_space<vmem>>
    %dma_wait3A_23 = tpu.memref_squeeze %dma_wait3A_22 : memref<1x128x128xf32, #tpu.memory_space<vmem>> -> memref<128x128xf32, #tpu.memory_space<vmem>>
    %dma_wait3A_24 = arith.constant 0 : i32
    %dma_wait3A_25 = tpu.memref_slice %arg7[%dma_wait3A, %dma_wait3A_24] : memref<79x128xi32, #tpu.memory_space<vmem>> -> memref<1x128xi32, #tpu.memory_space<vmem>>
    %dma_wait3A_26 = tpu.memref_squeeze %dma_wait3A_25 : memref<1x128xi32, #tpu.memory_space<vmem>> -> memref<128xi32, #tpu.memory_space<vmem>>
    %dma_wait3A_27 = arith.constant 0 : i32
    %dma_wait3A_28 = arith.constant 0 : i32
    %dma_wait3A_29 = tpu.memref_slice %arg2[%dma_wait3A_27, %dma_wait3A_28] : memref<10000x128xf32, #tpu.memory_space<hbm>> -> memref<10000x128xf32, #tpu.memory_space<hbm>>
    tpu.wait_indirect_dma semaphore(%arg10 : memref<!tpu.dma_semaphore, #tpu.memory_space<semaphore_mem>>) src(%dma_wait3A_29 : memref<10000x128xf32, #tpu.memory_space<hbm>>) dst(%dma_wait3A_23 : memref<128x128xf32, #tpu.memory_space<vmem>>)
    %run_scoped3A = arith.constant 78 : i32
    %run_scoped3A_30 = arith.constant 0 : i32
    "tpu.region"() ({
      %run_scoped3A_61 = tpu.sem_alloc : memref<!tpu.dma_semaphore, #tpu.memory_space<semaphore_mem>>
      %dma_start3A_62 = arith.constant 0 : i32
      %dma_start3A_63 = arith.constant 0 : i32
      %dma_start3A_64 = tpu.memref_slice %arg9[%run_scoped3A_30, %dma_start3A_62, %dma_start3A_63] : memref<2x128x128xf32, #tpu.memory_space<vmem>> -> memref<1x128x128xf32, #tpu.memory_space<vmem>>
      %dma_start3A_65 = tpu.memref_squeeze %dma_start3A_64 : memref<1x128x128xf32, #tpu.memory_space<vmem>> -> memref<128x128xf32, #tpu.memory_space<vmem>>
      %dma_start3A_66 = arith.constant 0 : i32
      %dma_start3A_67 = tpu.memref_slice %arg8[%run_scoped3A, %dma_start3A_66] : memref<79x128xi32, #tpu.memory_space<vmem>> -> memref<1x128xi32, #tpu.memory_space<vmem>>
      %dma_start3A_68 = tpu.memref_squeeze %dma_start3A_67 : memref<1x128xi32, #tpu.memory_space<vmem>> -> memref<128xi32, #tpu.memory_space<vmem>>
      %dma_start3A_69 = arith.constant 0 : i32
      %dma_start3A_70 = arith.constant 0 : i32
      %dma_start3A_71 = tpu.memref_slice %arg3[%dma_start3A_69, %dma_start3A_70] : memref<10000x128xf32, #tpu.memory_space<hbm>> -> memref<10000x128xf32, #tpu.memory_space<hbm>>
      tpu.enqueue_indirect_dma source(%dma_start3A_71 : memref<10000x128xf32, #tpu.memory_space<hbm>>) target(%dma_start3A_65 : memref<128x128xf32, #tpu.memory_space<vmem>>) offsets(%dma_start3A_68 : memref<128xi32, #tpu.memory_space<vmem>>) semaphore(%run_scoped3A_61 : memref<!tpu.dma_semaphore, #tpu.memory_space<semaphore_mem>>) {add = true}
      %dma_wait3A_72 = arith.constant 0 : i32
      %dma_wait3A_73 = arith.constant 0 : i32
      %dma_wait3A_74 = tpu.memref_slice %arg9[%run_scoped3A_30, %dma_wait3A_72, %dma_wait3A_73] : memref<2x128x128xf32, #tpu.memory_space<vmem>> -> memref<1x128x128xf32, #tpu.memory_space<vmem>>
      %dma_wait3A_75 = tpu.memref_squeeze %dma_wait3A_74 : memref<1x128x128xf32, #tpu.memory_space<vmem>> -> memref<128x128xf32, #tpu.memory_space<vmem>>
      %dma_wait3A_76 = arith.constant 0 : i32
      %dma_wait3A_77 = tpu.memref_slice %arg8[%run_scoped3A, %dma_wait3A_76] : memref<79x128xi32, #tpu.memory_space<vmem>> -> memref<1x128xi32, #tpu.memory_space<vmem>>
      %dma_wait3A_78 = tpu.memref_squeeze %dma_wait3A_77 : memref<1x128xi32, #tpu.memory_space<vmem>> -> memref<128xi32, #tpu.memory_space<vmem>>
      %dma_wait3A_79 = arith.constant 0 : i32
      %dma_wait3A_80 = arith.constant 0 : i32
      %dma_wait3A_81 = tpu.memref_slice %arg3[%dma_wait3A_79, %dma_wait3A_80] : memref<10000x128xf32, #tpu.memory_space<hbm>> -> memref<10000x128xf32, #tpu.memory_space<hbm>>
      tpu.wait_indirect_dma semaphore(%run_scoped3A_61 : memref<!tpu.dma_semaphore, #tpu.memory_space<semaphore_mem>>) src(%dma_wait3A_81 : memref<10000x128xf32, #tpu.memory_space<hbm>>) dst(%dma_wait3A_75 : memref<128x128xf32, #tpu.memory_space<vmem>>)
      tpu.yield
    }) : () -> ()
    %add3A_31 = arith.constant 9984 : i32
    %add3A_32 = arith.addi %mul3A_2, %add3A_31 : i32
    %dma_start3A_33 = arith.constant 0 : i32
    %dma_start3A_34 = arith.constant 0 : i32
    %dma_start3A_35 = arith.constant 0 : i32
    %dma_start3A_36 = tpu.memref_slice %arg9[%dma_start3A_33, %dma_start3A_34, %dma_start3A_35] : memref<2x128x128xf32, #tpu.memory_space<vmem>> -> memref<1x128x128xf32, #tpu.memory_space<vmem>>
    %dma_start3A_37 = tpu.memref_squeeze %dma_start3A_36 : memref<1x128x128xf32, #tpu.memory_space<vmem>> -> memref<128x128xf32, #tpu.memory_space<vmem>>
    %dma_start3A_38 = arith.constant 0 : i32
    %dma_start3A_39 = tpu.memref_slice %arg6[%add3A_32, %dma_start3A_38] : memref<323584x128xf32, #tpu.memory_space<hbm>> -> memref<128x128xf32, #tpu.memory_space<hbm>>
    %dma_start3A_40 = arith.constant 0 : i32
    %dma_start3A_41 = tpu.memref_slice %arg6[%add3A_32, %dma_start3A_40] : memref<323584x128xf32, #tpu.memory_space<hbm>> -> memref<128x128xf32, #tpu.memory_space<hbm>>
    %dma_start3A_42 = arith.constant 0 : i32
    %dma_start3A_43 = arith.constant 0 : i32
    %dma_start3A_44 = tpu.memref_slice %arg9[%dma_start3A_33, %dma_start3A_42, %dma_start3A_43] : memref<2x128x128xf32, #tpu.memory_space<vmem>> -> memref<1x128x128xf32, #tpu.memory_space<vmem>>
    %dma_start3A_45 = tpu.memref_squeeze %dma_start3A_44 : memref<1x128x128xf32, #tpu.memory_space<vmem>> -> memref<128x128xf32, #tpu.memory_space<vmem>>
    tpu.enqueue_dma source(%dma_start3A_45 : memref<128x128xf32, #tpu.memory_space<vmem>>) target(%dma_start3A_41 : memref<128x128xf32, #tpu.memory_space<hbm>>) target_semaphore(%arg11 : memref<!tpu.dma_semaphore, #tpu.memory_space<semaphore_mem>>)
    %add3A_46 = arith.constant 9984 : i32
    %add3A_47 = arith.addi %mul3A_2, %add3A_46 : i32
    %dma_wait3A_48 = arith.constant 0 : i32
    %dma_wait3A_49 = arith.constant 0 : i32
    %dma_wait3A_50 = arith.constant 0 : i32
    %dma_wait3A_51 = tpu.memref_slice %arg9[%dma_wait3A_48, %dma_wait3A_49, %dma_wait3A_50] : memref<2x128x128xf32, #tpu.memory_space<vmem>> -> memref<1x128x128xf32, #tpu.memory_space<vmem>>
    %dma_wait3A_52 = tpu.memref_squeeze %dma_wait3A_51 : memref<1x128x128xf32, #tpu.memory_space<vmem>> -> memref<128x128xf32, #tpu.memory_space<vmem>>
    %dma_wait3A_53 = arith.constant 0 : i32
    %dma_wait3A_54 = tpu.memref_slice %arg6[%add3A_47, %dma_wait3A_53] : memref<323584x128xf32, #tpu.memory_space<hbm>> -> memref<128x128xf32, #tpu.memory_space<hbm>>
    %dma_wait3A_55 = arith.constant 0 : i32
    %dma_wait3A_56 = tpu.memref_slice %arg6[%add3A_47, %dma_wait3A_55] : memref<323584x128xf32, #tpu.memory_space<hbm>> -> memref<128x128xf32, #tpu.memory_space<hbm>>
    %dma_wait3A_57 = arith.constant 0 : i32
    %dma_wait3A_58 = arith.constant 0 : i32
    %dma_wait3A_59 = tpu.memref_slice %arg9[%dma_wait3A_48, %dma_wait3A_57, %dma_wait3A_58] : memref<2x128x128xf32, #tpu.memory_space<vmem>> -> memref<1x128x128xf32, #tpu.memory_space<vmem>>
    %dma_wait3A_60 = tpu.memref_squeeze %dma_wait3A_59 : memref<1x128x128xf32, #tpu.memory_space<vmem>> -> memref<128x128xf32, #tpu.memory_space<vmem>>
    tpu.wait_dma2 semaphore(%arg11 : memref<!tpu.dma_semaphore, #tpu.memory_space<semaphore_mem>>) src(%dma_wait3A_60 : memref<128x128xf32, #tpu.memory_space<vmem>>) dst(%dma_wait3A_56 : memref<128x128xf32, #tpu.memory_space<hbm>>)
    return
  }
}

module attributes {stable_mosaic.version = 14 : i64} {
  func.func @_layer_body(%arg0: memref<20480x128xf32, #tpu.memory_space<vmem>>, %arg1: memref<20480x128xf32, #tpu.memory_space<vmem>>, %arg2: memref<10000x128xf32, #tpu.memory_space<vmem>>, %arg3: memref<128x128xf32, #tpu.memory_space<vmem>>, %arg4: memref<128x128xf32, #tpu.memory_space<vmem>>, %arg5: memref<1x128xf32, #tpu.memory_space<vmem>>, %arg6: memref<1x128xf32, #tpu.memory_space<vmem>>, %arg7: memref<1x128xf32, #tpu.memory_space<vmem>>, %arg8: memref<1x128xf32, #tpu.memory_space<vmem>>, %arg9: memref<10000x128xf32, #tpu.memory_space<vmem>>) attributes {dimension_semantics = [], scalar_prefetch = 0 : i64, scratch_operands = 0 : i64, tpu.core_type = #tpu.core_type<tc>} {
    %get3A = arith.constant 0 : index
    %get3A_0 = arith.constant 0 : index
    %get3A_1 = vector.load %arg1[%get3A, %get3A_0] : memref<20480x128xf32, #tpu.memory_space<vmem>>, vector<10000x1xf32>
    %get3A_2 = arith.constant 10240 : index
    %get3A_3 = arith.constant 0 : index
    %get3A_4 = vector.load %arg1[%get3A_2, %get3A_3] : memref<20480x128xf32, #tpu.memory_space<vmem>>, vector<10000x1xf32>
    %add3A = arith.addf %get3A_1, %get3A_4 : vector<10000x1xf32>
    %jit3A = arith.constant 1.000000e+00 : f32
    %max3A = vector.broadcast %jit3A : f32 to vector<10000x1xf32>
    %max3A_5 = arith.maximumf %max3A, %add3A : vector<10000x1xf32>
    %div3A = arith.constant 1.000000e+00 : f32
    %div3A_6 = vector.broadcast %div3A : f32 to vector<10000x1xf32>
    %div3A_7 = arith.divf %div3A_6, %max3A_5 : vector<10000x1xf32>
    %get3A_8 = arith.constant 0 : index
    %get3A_9 = arith.constant 0 : index
    %get3A_10 = vector.load %arg0[%get3A_8, %get3A_9] : memref<20480x128xf32, #tpu.memory_space<vmem>>, vector<10000x128xf32>
    %get3A_11 = arith.constant 10240 : index
    %get3A_12 = arith.constant 0 : index
    %get3A_13 = vector.load %arg0[%get3A_11, %get3A_12] : memref<20480x128xf32, #tpu.memory_space<vmem>>, vector<10000x128xf32>
    %add3A_14 = arith.addf %get3A_10, %get3A_13 : vector<10000x128xf32>
    %mul3A = vector.broadcast %div3A_7 : vector<10000x1xf32> to vector<10000x128xf32>
    %mul3A_15 = arith.mulf %add3A_14, %mul3A : vector<10000x128xf32>
    %get3A_16 = arith.constant 0 : index
    %get3A_17 = arith.constant 0 : index
    %get3A_18 = vector.load %arg2[%get3A_16, %get3A_17] : memref<10000x128xf32, #tpu.memory_space<vmem>>, vector<10000x128xf32>
    %get3A_19 = arith.constant 0 : index
    %get3A_20 = arith.constant 0 : index
    %get3A_21 = vector.load %arg3[%get3A_19, %get3A_20] : memref<128x128xf32, #tpu.memory_space<vmem>>, vector<128x128xf32>
    %dot_general3A = arith.constant dense<0.000000e+00> : vector<10000x128xf32>
    %dot_general3A_22 = tpu.matmul %mul3A_15, %get3A_21, %dot_general3A {dimension_numbers = #tpu.dot_dimension_numbers<[1], [0], [0], [1], [0, 0, 1, 1], [], []>, transpose_lhs_hint = false} : vector<10000x128xf32>, vector<128x128xf32>, vector<10000x128xf32> -> vector<10000x128xf32>
    %get3A_23 = arith.constant 0 : index
    %get3A_24 = arith.constant 0 : index
    %get3A_25 = vector.load %arg5[%get3A_23, %get3A_24] : memref<1x128xf32, #tpu.memory_space<vmem>>, vector<1x128xf32>
    %add3A_26 = vector.broadcast %get3A_25 : vector<1x128xf32> to vector<10000x128xf32>
    %add3A_27 = arith.addf %dot_general3A_22, %add3A_26 : vector<10000x128xf32>
    %get3A_28 = arith.constant 0 : index
    %get3A_29 = arith.constant 0 : index
    %get3A_30 = vector.load %arg4[%get3A_28, %get3A_29] : memref<128x128xf32, #tpu.memory_space<vmem>>, vector<128x128xf32>
    %dot_general3A_31 = arith.constant dense<0.000000e+00> : vector<10000x128xf32>
    %dot_general3A_32 = tpu.matmul %get3A_18, %get3A_30, %dot_general3A_31 {dimension_numbers = #tpu.dot_dimension_numbers<[1], [0], [0], [1], [0, 0, 1, 1], [], []>, transpose_lhs_hint = false} : vector<10000x128xf32>, vector<128x128xf32>, vector<10000x128xf32> -> vector<10000x128xf32>
    %add3A_33 = arith.addf %add3A_27, %dot_general3A_32 : vector<10000x128xf32>
    %integer_pow3A = arith.mulf %add3A_33, %add3A_33 : vector<10000x128xf32>
    %integer_pow3A_34 = arith.mulf %add3A_33, %integer_pow3A : vector<10000x128xf32>
    %mul3A_35 = arith.constant 4.471500e-02 : f32
    %mul3A_36 = vector.broadcast %mul3A_35 : f32 to vector<10000x128xf32>
    %mul3A_37 = arith.mulf %mul3A_36, %integer_pow3A_34 : vector<10000x128xf32>
    %add3A_38 = arith.addf %add3A_33, %mul3A_37 : vector<10000x128xf32>
    %mul3A_39 = arith.constant 0.797884583 : f32
    %mul3A_40 = vector.broadcast %mul3A_39 : f32 to vector<10000x128xf32>
    %mul3A_41 = arith.mulf %mul3A_40, %add3A_38 : vector<10000x128xf32>
    %tanh3A = math.tanh %mul3A_41 : vector<10000x128xf32>
    %add3A_42 = arith.constant 1.000000e+00 : f32
    %add3A_43 = vector.broadcast %add3A_42 : f32 to vector<10000x128xf32>
    %add3A_44 = arith.addf %add3A_43, %tanh3A : vector<10000x128xf32>
    %mul3A_45 = arith.constant 5.000000e-01 : f32
    %mul3A_46 = vector.broadcast %mul3A_45 : f32 to vector<10000x128xf32>
    %mul3A_47 = arith.mulf %mul3A_46, %add3A_44 : vector<10000x128xf32>
    %mul3A_48 = arith.mulf %add3A_33, %mul3A_47 : vector<10000x128xf32>
    %reduce_sum3A = arith.constant dense<0.000000e+00> : vector<128xf32>
    %reduce_sum3A_49 = vector.multi_reduction <add>, %mul3A_48, %reduce_sum3A [0] : vector<10000x128xf32> to vector<128xf32>
    %broadcast_in_dim3A = vector.shape_cast %reduce_sum3A_49 : vector<128xf32> to vector<1x128xf32>
    %div3A_50 = arith.constant 1.000000e+04 : f32
    %div3A_51 = vector.broadcast %div3A_50 : f32 to vector<1x128xf32>
    %div3A_52 = arith.divf %broadcast_in_dim3A, %div3A_51 : vector<1x128xf32>
    %get3A_53 = arith.constant 0 : index
    %get3A_54 = arith.constant 0 : index
    %get3A_55 = vector.load %arg8[%get3A_53, %get3A_54] : memref<1x128xf32, #tpu.memory_space<vmem>>, vector<1x128xf32>
    %mul3A_56 = arith.mulf %get3A_55, %div3A_52 : vector<1x128xf32>
    %sub3A = vector.broadcast %mul3A_56 : vector<1x128xf32> to vector<10000x128xf32>
    %sub3A_57 = arith.subf %mul3A_48, %sub3A : vector<10000x128xf32>
    %mul3A_58 = arith.mulf %sub3A_57, %sub3A_57 : vector<10000x128xf32>
    %reduce_sum3A_59 = arith.constant dense<0.000000e+00> : vector<128xf32>
    %reduce_sum3A_60 = vector.multi_reduction <add>, %mul3A_58, %reduce_sum3A_59 [0] : vector<10000x128xf32> to vector<128xf32>
    %broadcast_in_dim3A_61 = vector.shape_cast %reduce_sum3A_60 : vector<128xf32> to vector<1x128xf32>
    %div3A_62 = arith.constant 1.000000e+04 : f32
    %div3A_63 = vector.broadcast %div3A_62 : f32 to vector<1x128xf32>
    %div3A_64 = arith.divf %broadcast_in_dim3A_61, %div3A_63 : vector<1x128xf32>
    %add3A_65 = arith.constant 9.99999974E-6 : f32
    %add3A_66 = vector.broadcast %add3A_65 : f32 to vector<1x128xf32>
    %add3A_67 = arith.addf %div3A_64, %add3A_66 : vector<1x128xf32>
    %sqrt3A = math.sqrt %add3A_67 : vector<1x128xf32>
    %div3A_68 = vector.broadcast %sqrt3A : vector<1x128xf32> to vector<10000x128xf32>
    %div3A_69 = arith.divf %sub3A_57, %div3A_68 : vector<10000x128xf32>
    %get3A_70 = arith.constant 0 : index
    %get3A_71 = arith.constant 0 : index
    %get3A_72 = vector.load %arg6[%get3A_70, %get3A_71] : memref<1x128xf32, #tpu.memory_space<vmem>>, vector<1x128xf32>
    %mul3A_73 = vector.broadcast %get3A_72 : vector<1x128xf32> to vector<10000x128xf32>
    %mul3A_74 = arith.mulf %div3A_69, %mul3A_73 : vector<10000x128xf32>
    %get3A_75 = arith.constant 0 : index
    %get3A_76 = arith.constant 0 : index
    %get3A_77 = vector.load %arg7[%get3A_75, %get3A_76] : memref<1x128xf32, #tpu.memory_space<vmem>>, vector<1x128xf32>
    %add3A_78 = vector.broadcast %get3A_77 : vector<1x128xf32> to vector<10000x128xf32>
    %add3A_79 = arith.addf %mul3A_74, %add3A_78 : vector<10000x128xf32>
    %swap3A = arith.constant 0 : index
    %swap3A_80 = arith.constant 0 : index
    %swap3A_81 = vector.load %arg9[%swap3A, %swap3A_80] : memref<10000x128xf32, #tpu.memory_space<vmem>>, vector<10000x128xf32>
    tpu.vector_store %arg9[%swap3A, %swap3A_80], %add3A_79 {strides = array<i32>} : memref<10000x128xf32, #tpu.memory_space<vmem>>, vector<10000x128xf32>,
    return
  }
}

module attributes {stable_mosaic.version = 14 : i64} {
  func.func @_layer_body(%arg0: memref<20480x128xf32, #tpu.memory_space<vmem>>, %arg1: memref<20480x128xf32, #tpu.memory_space<vmem>>, %arg2: memref<10000x128xf32, #tpu.memory_space<vmem>>, %arg3: memref<128x128xf32, #tpu.memory_space<vmem>>, %arg4: memref<128x128xf32, #tpu.memory_space<vmem>>, %arg5: memref<1x128xf32, #tpu.memory_space<vmem>>, %arg6: memref<1x128xf32, #tpu.memory_space<vmem>>, %arg7: memref<1x128xf32, #tpu.memory_space<vmem>>, %arg8: memref<1x128xf32, #tpu.memory_space<vmem>>, %arg9: memref<10000x128xf32, #tpu.memory_space<vmem>>) attributes {dimension_semantics = [], scalar_prefetch = 0 : i64, scratch_operands = 0 : i64, tpu.core_type = #tpu.core_type<tc>} {
    %get3A = arith.constant 0 : index
    %get3A_0 = arith.constant 0 : index
    %get3A_1 = vector.load %arg1[%get3A, %get3A_0] : memref<20480x128xf32, #tpu.memory_space<vmem>>, vector<10000x1xf32>
    %get3A_2 = arith.constant 10240 : index
    %get3A_3 = arith.constant 0 : index
    %get3A_4 = vector.load %arg1[%get3A_2, %get3A_3] : memref<20480x128xf32, #tpu.memory_space<vmem>>, vector<10000x1xf32>
    %add3A = arith.addf %get3A_1, %get3A_4 : vector<10000x1xf32>
    %jit3A = arith.constant 1.000000e+00 : f32
    %max3A = vector.broadcast %jit3A : f32 to vector<10000x1xf32>
    %max3A_5 = arith.maximumf %max3A, %add3A : vector<10000x1xf32>
    %div3A = arith.constant 1.000000e+00 : f32
    %div3A_6 = vector.broadcast %div3A : f32 to vector<10000x1xf32>
    %div3A_7 = arith.divf %div3A_6, %max3A_5 : vector<10000x1xf32>
    %get3A_8 = arith.constant 0 : index
    %get3A_9 = arith.constant 0 : index
    %get3A_10 = vector.load %arg0[%get3A_8, %get3A_9] : memref<20480x128xf32, #tpu.memory_space<vmem>>, vector<10000x128xf32>
    %get3A_11 = arith.constant 10240 : index
    %get3A_12 = arith.constant 0 : index
    %get3A_13 = vector.load %arg0[%get3A_11, %get3A_12] : memref<20480x128xf32, #tpu.memory_space<vmem>>, vector<10000x128xf32>
    %add3A_14 = arith.addf %get3A_10, %get3A_13 : vector<10000x128xf32>
    %mul3A = vector.broadcast %div3A_7 : vector<10000x1xf32> to vector<10000x128xf32>
    %mul3A_15 = arith.mulf %add3A_14, %mul3A : vector<10000x128xf32>
    %get3A_16 = arith.constant 0 : index
    %get3A_17 = arith.constant 0 : index
    %get3A_18 = vector.load %arg2[%get3A_16, %get3A_17] : memref<10000x128xf32, #tpu.memory_space<vmem>>, vector<10000x128xf32>
    %get3A_19 = arith.constant 0 : index
    %get3A_20 = arith.constant 0 : index
    %get3A_21 = vector.load %arg3[%get3A_19, %get3A_20] : memref<128x128xf32, #tpu.memory_space<vmem>>, vector<128x128xf32>
    %dot_general3A = arith.constant dense<0.000000e+00> : vector<10000x128xf32>
    %dot_general3A_22 = tpu.matmul %mul3A_15, %get3A_21, %dot_general3A {dimension_numbers = #tpu.dot_dimension_numbers<[1], [0], [0], [1], [0, 0, 1, 1], [], []>, transpose_lhs_hint = false} : vector<10000x128xf32>, vector<128x128xf32>, vector<10000x128xf32> -> vector<10000x128xf32>
    %get3A_23 = arith.constant 0 : index
    %get3A_24 = arith.constant 0 : index
    %get3A_25 = vector.load %arg5[%get3A_23, %get3A_24] : memref<1x128xf32, #tpu.memory_space<vmem>>, vector<1x128xf32>
    %add3A_26 = vector.broadcast %get3A_25 : vector<1x128xf32> to vector<10000x128xf32>
    %add3A_27 = arith.addf %dot_general3A_22, %add3A_26 : vector<10000x128xf32>
    %get3A_28 = arith.constant 0 : index
    %get3A_29 = arith.constant 0 : index
    %get3A_30 = vector.load %arg4[%get3A_28, %get3A_29] : memref<128x128xf32, #tpu.memory_space<vmem>>, vector<128x128xf32>
    %dot_general3A_31 = arith.constant dense<0.000000e+00> : vector<10000x128xf32>
    %dot_general3A_32 = tpu.matmul %get3A_18, %get3A_30, %dot_general3A_31 {dimension_numbers = #tpu.dot_dimension_numbers<[1], [0], [0], [1], [0, 0, 1, 1], [], []>, transpose_lhs_hint = false} : vector<10000x128xf32>, vector<128x128xf32>, vector<10000x128xf32> -> vector<10000x128xf32>
    %add3A_33 = arith.addf %add3A_27, %dot_general3A_32 : vector<10000x128xf32>
    %integer_pow3A = arith.mulf %add3A_33, %add3A_33 : vector<10000x128xf32>
    %integer_pow3A_34 = arith.mulf %add3A_33, %integer_pow3A : vector<10000x128xf32>
    %mul3A_35 = arith.constant 4.471500e-02 : f32
    %mul3A_36 = vector.broadcast %mul3A_35 : f32 to vector<10000x128xf32>
    %mul3A_37 = arith.mulf %mul3A_36, %integer_pow3A_34 : vector<10000x128xf32>
    %add3A_38 = arith.addf %add3A_33, %mul3A_37 : vector<10000x128xf32>
    %mul3A_39 = arith.constant 0.797884583 : f32
    %mul3A_40 = vector.broadcast %mul3A_39 : f32 to vector<10000x128xf32>
    %mul3A_41 = arith.mulf %mul3A_40, %add3A_38 : vector<10000x128xf32>
    %tanh3A = math.tanh %mul3A_41 : vector<10000x128xf32>
    %add3A_42 = arith.constant 1.000000e+00 : f32
    %add3A_43 = vector.broadcast %add3A_42 : f32 to vector<10000x128xf32>
    %add3A_44 = arith.addf %add3A_43, %tanh3A : vector<10000x128xf32>
    %mul3A_45 = arith.constant 5.000000e-01 : f32
    %mul3A_46 = vector.broadcast %mul3A_45 : f32 to vector<10000x128xf32>
    %mul3A_47 = arith.mulf %mul3A_46, %add3A_44 : vector<10000x128xf32>
    %mul3A_48 = arith.mulf %add3A_33, %mul3A_47 : vector<10000x128xf32>
    %reduce_sum3A = arith.constant dense<0.000000e+00> : vector<128xf32>
    %reduce_sum3A_49 = vector.multi_reduction <add>, %mul3A_48, %reduce_sum3A [0] : vector<10000x128xf32> to vector<128xf32>
    %broadcast_in_dim3A = vector.shape_cast %reduce_sum3A_49 : vector<128xf32> to vector<1x128xf32>
    %div3A_50 = arith.constant 1.000000e+04 : f32
    %div3A_51 = vector.broadcast %div3A_50 : f32 to vector<1x128xf32>
    %div3A_52 = arith.divf %broadcast_in_dim3A, %div3A_51 : vector<1x128xf32>
    %get3A_53 = arith.constant 0 : index
    %get3A_54 = arith.constant 0 : index
    %get3A_55 = vector.load %arg8[%get3A_53, %get3A_54] : memref<1x128xf32, #tpu.memory_space<vmem>>, vector<1x128xf32>
    %mul3A_56 = arith.mulf %get3A_55, %div3A_52 : vector<1x128xf32>
    %sub3A = vector.broadcast %mul3A_56 : vector<1x128xf32> to vector<10000x128xf32>
    %sub3A_57 = arith.subf %mul3A_48, %sub3A : vector<10000x128xf32>
    %mul3A_58 = arith.mulf %sub3A_57, %sub3A_57 : vector<10000x128xf32>
    %reduce_sum3A_59 = arith.constant dense<0.000000e+00> : vector<128xf32>
    %reduce_sum3A_60 = vector.multi_reduction <add>, %mul3A_58, %reduce_sum3A_59 [0] : vector<10000x128xf32> to vector<128xf32>
    %broadcast_in_dim3A_61 = vector.shape_cast %reduce_sum3A_60 : vector<128xf32> to vector<1x128xf32>
    %div3A_62 = arith.constant 1.000000e+04 : f32
    %div3A_63 = vector.broadcast %div3A_62 : f32 to vector<1x128xf32>
    %div3A_64 = arith.divf %broadcast_in_dim3A_61, %div3A_63 : vector<1x128xf32>
    %add3A_65 = arith.constant 9.99999974E-6 : f32
    %add3A_66 = vector.broadcast %add3A_65 : f32 to vector<1x128xf32>
    %add3A_67 = arith.addf %div3A_64, %add3A_66 : vector<1x128xf32>
    %sqrt3A = math.sqrt %add3A_67 : vector<1x128xf32>
    %div3A_68 = vector.broadcast %sqrt3A : vector<1x128xf32> to vector<10000x128xf32>
    %div3A_69 = arith.divf %sub3A_57, %div3A_68 : vector<10000x128xf32>
    %get3A_70 = arith.constant 0 : index
    %get3A_71 = arith.constant 0 : index
    %get3A_72 = vector.load %arg6[%get3A_70, %get3A_71] : memref<1x128xf32, #tpu.memory_space<vmem>>, vector<1x128xf32>
    %mul3A_73 = vector.broadcast %get3A_72 : vector<1x128xf32> to vector<10000x128xf32>
    %mul3A_74 = arith.mulf %div3A_69, %mul3A_73 : vector<10000x128xf32>
    %get3A_75 = arith.constant 0 : index
    %get3A_76 = arith.constant 0 : index
    %get3A_77 = vector.load %arg7[%get3A_75, %get3A_76] : memref<1x128xf32, #tpu.memory_space<vmem>>, vector<1x128xf32>
    %add3A_78 = vector.broadcast %get3A_77 : vector<1x128xf32> to vector<10000x128xf32>
    %add3A_79 = arith.addf %mul3A_74, %add3A_78 : vector<10000x128xf32>
    %add3A_80 = arith.addf %add3A_79, %get3A_18 : vector<10000x128xf32>
    %swap3A = arith.constant 0 : index
    %swap3A_81 = arith.constant 0 : index
    %swap3A_82 = vector.load %arg9[%swap3A, %swap3A_81] : memref<10000x128xf32, #tpu.memory_space<vmem>>, vector<10000x128xf32>
    tpu.vector_store %arg9[%swap3A, %swap3A_81], %add3A_80 {strides = array<i32>} : memref<10000x128xf32, #tpu.memory_space<vmem>>, vector<10000x128xf32>,
    return
  }
}

module attributes {stable_mosaic.version = 14 : i64} {
  func.func @_decoder_body(%arg0: memref<10000x128xf32, #tpu.memory_space<vmem>>, %arg1: memref<10000x128xf32, #tpu.memory_space<vmem>>, %arg2: memref<10000x128xf32, #tpu.memory_space<vmem>>, %arg3: memref<10000x128xf32, #tpu.memory_space<vmem>>, %arg4: memref<1x1xf32, #tpu.memory_space<vmem>>, %arg5: memref<1x384xf32, #tpu.memory_space<vmem>>, %arg6: memref<1x384xf32, #tpu.memory_space<vmem>>, %arg7: memref<384x128xf32, #tpu.memory_space<vmem>>, %arg8: memref<1x128xf32, #tpu.memory_space<vmem>>, %arg9: memref<128x128xf32, #tpu.memory_space<vmem>>, %arg10: memref<1x128xf32, #tpu.memory_space<vmem>>, %arg11: memref<128x128xf32, #tpu.memory_space<vmem>>, %arg12: memref<1x128xf32, #tpu.memory_space<vmem>>, %arg13: memref<256x128xf32, #tpu.memory_space<vmem>>, %arg14: memref<1x128xf32, #tpu.memory_space<vmem>>, %arg15: memref<10000x128xf32, #tpu.memory_space<vmem>>, %arg16: memref<10000x128xf32, #tpu.memory_space<vmem>>, %arg17: memref<10000x128xf32, #tpu.memory_space<vmem>>) attributes {dimension_semantics = [], scalar_prefetch = 0 : i64, scratch_operands = 0 : i64, tpu.core_type = #tpu.core_type<tc>} {
    %get3A = arith.constant 0 : index
    %get3A_0 = arith.constant 0 : index
    %get3A_1 = vector.load %arg4[%get3A, %get3A_0] : memref<1x1xf32, #tpu.memory_space<vmem>>, vector<1x1xf32>
    %get3A_2 = vector.extract %get3A_1[0, 0] : f32 from vector<1x1xf32>
    %get3A_3 = arith.constant 0 : index
    %get3A_4 = arith.constant 0 : index
    %get3A_5 = vector.load %arg8[%get3A_3, %get3A_4] : memref<1x128xf32, #tpu.memory_space<vmem>>, vector<1x128xf32>
    %get3A_6 = arith.constant 0 : index
    %get3A_7 = arith.constant 0 : index
    %get3A_8 = vector.load %arg0[%get3A_6, %get3A_7] : memref<10000x128xf32, #tpu.memory_space<vmem>>, vector<10000x128xf32>
    %mul3A = vector.broadcast %get3A_2 : f32 to vector<10000x128xf32>
    %mul3A_9 = arith.mulf %mul3A, %get3A_8 : vector<10000x128xf32>
    %tanh3A = math.tanh %mul3A_9 : vector<10000x128xf32>
    %get3A_10 = arith.constant 0 : index
    %get3A_11 = arith.constant 0 : index
    %get3A_12 = vector.load %arg5[%get3A_10, %get3A_11] : memref<1x384xf32, #tpu.memory_space<vmem>>, vector<1x128xf32>
    %mul3A_13 = vector.broadcast %get3A_12 : vector<1x128xf32> to vector<10000x128xf32>
    %mul3A_14 = arith.mulf %tanh3A, %mul3A_13 : vector<10000x128xf32>
    %get3A_15 = arith.constant 0 : index
    %get3A_16 = arith.constant 0 : index
    %get3A_17 = vector.load %arg6[%get3A_15, %get3A_16] : memref<1x384xf32, #tpu.memory_space<vmem>>, vector<1x128xf32>
    %add3A = vector.broadcast %get3A_17 : vector<1x128xf32> to vector<10000x128xf32>
    %add3A_18 = arith.addf %mul3A_14, %add3A : vector<10000x128xf32>
    %get3A_19 = arith.constant 0 : index
    %get3A_20 = arith.constant 0 : index
    %get3A_21 = vector.load %arg7[%get3A_19, %get3A_20] : memref<384x128xf32, #tpu.memory_space<vmem>>, vector<128x128xf32>
    %dot_general3A = arith.constant dense<0.000000e+00> : vector<10000x128xf32>
    %dot_general3A_22 = tpu.matmul %add3A_18, %get3A_21, %dot_general3A {dimension_numbers = #tpu.dot_dimension_numbers<[1], [0], [0], [1], [0, 0, 1, 1], [], []>, transpose_lhs_hint = false} : vector<10000x128xf32>, vector<128x128xf32>, vector<10000x128xf32> -> vector<10000x128xf32>
    %add3A_23 = vector.broadcast %get3A_5 : vector<1x128xf32> to vector<10000x128xf32>
    %add3A_24 = arith.addf %add3A_23, %dot_general3A_22 : vector<10000x128xf32>
    %get3A_25 = arith.constant 0 : index
    %get3A_26 = arith.constant 0 : index
    %get3A_27 = vector.load %arg1[%get3A_25, %get3A_26] : memref<10000x128xf32, #tpu.memory_space<vmem>>, vector<10000x128xf32>
    %mul3A_28 = vector.broadcast %get3A_2 : f32 to vector<10000x128xf32>
    %mul3A_29 = arith.mulf %mul3A_28, %get3A_27 : vector<10000x128xf32>
    %tanh3A_30 = math.tanh %mul3A_29 : vector<10000x128xf32>
    %get3A_31 = arith.constant 0 : index
    %get3A_32 = arith.constant 128 : index
    %get3A_33 = vector.load %arg5[%get3A_31, %get3A_32] : memref<1x384xf32, #tpu.memory_space<vmem>>, vector<1x128xf32>
    %mul3A_34 = vector.broadcast %get3A_33 : vector<1x128xf32> to vector<10000x128xf32>
    %mul3A_35 = arith.mulf %tanh3A_30, %mul3A_34 : vector<10000x128xf32>
    %get3A_36 = arith.constant 0 : index
    %get3A_37 = arith.constant 128 : index
    %get3A_38 = vector.load %arg6[%get3A_36, %get3A_37] : memref<1x384xf32, #tpu.memory_space<vmem>>, vector<1x128xf32>
    %add3A_39 = vector.broadcast %get3A_38 : vector<1x128xf32> to vector<10000x128xf32>
    %add3A_40 = arith.addf %mul3A_35, %add3A_39 : vector<10000x128xf32>
    %get3A_41 = arith.constant 128 : index
    %get3A_42 = arith.constant 0 : index
    %get3A_43 = vector.load %arg7[%get3A_41, %get3A_42] : memref<384x128xf32, #tpu.memory_space<vmem>>, vector<128x128xf32>
    %dot_general3A_44 = arith.constant dense<0.000000e+00> : vector<10000x128xf32>
    %dot_general3A_45 = tpu.matmul %add3A_40, %get3A_43, %dot_general3A_44 {dimension_numbers = #tpu.dot_dimension_numbers<[1], [0], [0], [1], [0, 0, 1, 1], [], []>, transpose_lhs_hint = false} : vector<10000x128xf32>, vector<128x128xf32>, vector<10000x128xf32> -> vector<10000x128xf32>
    %add3A_46 = arith.addf %add3A_24, %dot_general3A_45 : vector<10000x128xf32>
    %get3A_47 = arith.constant 0 : index
    %get3A_48 = arith.constant 0 : index
    %get3A_49 = vector.load %arg2[%get3A_47, %get3A_48] : memref<10000x128xf32, #tpu.memory_space<vmem>>, vector<10000x128xf32>
    %mul3A_50 = vector.broadcast %get3A_2 : f32 to vector<10000x128xf32>
    %mul3A_51 = arith.mulf %mul3A_50, %get3A_49 : vector<10000x128xf32>
    %tanh3A_52 = math.tanh %mul3A_51 : vector<10000x128xf32>
    %get3A_53 = arith.constant 0 : index
    %get3A_54 = arith.constant 256 : index
    %get3A_55 = vector.load %arg5[%get3A_53, %get3A_54] : memref<1x384xf32, #tpu.memory_space<vmem>>, vector<1x128xf32>
    %mul3A_56 = vector.broadcast %get3A_55 : vector<1x128xf32> to vector<10000x128xf32>
    %mul3A_57 = arith.mulf %tanh3A_52, %mul3A_56 : vector<10000x128xf32>
    %get3A_58 = arith.constant 0 : index
    %get3A_59 = arith.constant 256 : index
    %get3A_60 = vector.load %arg6[%get3A_58, %get3A_59] : memref<1x384xf32, #tpu.memory_space<vmem>>, vector<1x128xf32>
    %add3A_61 = vector.broadcast %get3A_60 : vector<1x128xf32> to vector<10000x128xf32>
    %add3A_62 = arith.addf %mul3A_57, %add3A_61 : vector<10000x128xf32>
    %get3A_63 = arith.constant 256 : index
    %get3A_64 = arith.constant 0 : index
    %get3A_65 = vector.load %arg7[%get3A_63, %get3A_64] : memref<384x128xf32, #tpu.memory_space<vmem>>, vector<128x128xf32>
    %dot_general3A_66 = arith.constant dense<0.000000e+00> : vector<10000x128xf32>
    %dot_general3A_67 = tpu.matmul %add3A_62, %get3A_65, %dot_general3A_66 {dimension_numbers = #tpu.dot_dimension_numbers<[1], [0], [0], [1], [0, 0, 1, 1], [], []>, transpose_lhs_hint = false} : vector<10000x128xf32>, vector<128x128xf32>, vector<10000x128xf32> -> vector<10000x128xf32>
    %add3A_68 = arith.addf %add3A_46, %dot_general3A_67 : vector<10000x128xf32>
    %integer_pow3A = arith.mulf %add3A_68, %add3A_68 : vector<10000x128xf32>
    %integer_pow3A_69 = arith.mulf %add3A_68, %integer_pow3A : vector<10000x128xf32>
    %mul3A_70 = arith.constant 4.471500e-02 : f32
    %mul3A_71 = vector.broadcast %mul3A_70 : f32 to vector<10000x128xf32>
    %mul3A_72 = arith.mulf %mul3A_71, %integer_pow3A_69 : vector<10000x128xf32>
    %add3A_73 = arith.addf %add3A_68, %mul3A_72 : vector<10000x128xf32>
    %mul3A_74 = arith.constant 0.797884583 : f32
    %mul3A_75 = vector.broadcast %mul3A_74 : f32 to vector<10000x128xf32>
    %mul3A_76 = arith.mulf %mul3A_75, %add3A_73 : vector<10000x128xf32>
    %tanh3A_77 = math.tanh %mul3A_76 : vector<10000x128xf32>
    %add3A_78 = arith.constant 1.000000e+00 : f32
    %add3A_79 = vector.broadcast %add3A_78 : f32 to vector<10000x128xf32>
    %add3A_80 = arith.addf %add3A_79, %tanh3A_77 : vector<10000x128xf32>
    %mul3A_81 = arith.constant 5.000000e-01 : f32
    %mul3A_82 = vector.broadcast %mul3A_81 : f32 to vector<10000x128xf32>
    %mul3A_83 = arith.mulf %mul3A_82, %add3A_80 : vector<10000x128xf32>
    %mul3A_84 = arith.mulf %add3A_68, %mul3A_83 : vector<10000x128xf32>
    %get3A_85 = arith.constant 0 : index
    %get3A_86 = arith.constant 0 : index
    %get3A_87 = vector.load %arg9[%get3A_85, %get3A_86] : memref<128x128xf32, #tpu.memory_space<vmem>>, vector<128x128xf32>
    %dot_general3A_88 = arith.constant dense<0.000000e+00> : vector<10000x128xf32>
    %dot_general3A_89 = tpu.matmul %mul3A_84, %get3A_87, %dot_general3A_88 {dimension_numbers = #tpu.dot_dimension_numbers<[1], [0], [0], [1], [0, 0, 1, 1], [], []>, transpose_lhs_hint = false} : vector<10000x128xf32>, vector<128x128xf32>, vector<10000x128xf32> -> vector<10000x128xf32>
    %get3A_90 = arith.constant 0 : index
    %get3A_91 = arith.constant 0 : index
    %get3A_92 = vector.load %arg10[%get3A_90, %get3A_91] : memref<1x128xf32, #tpu.memory_space<vmem>>, vector<1x128xf32>
    %add3A_93 = vector.broadcast %get3A_92 : vector<1x128xf32> to vector<10000x128xf32>
    %add3A_94 = arith.addf %dot_general3A_89, %add3A_93 : vector<10000x128xf32>
    %integer_pow3A_95 = arith.mulf %add3A_94, %add3A_94 : vector<10000x128xf32>
    %integer_pow3A_96 = arith.mulf %add3A_94, %integer_pow3A_95 : vector<10000x128xf32>
    %mul3A_97 = arith.constant 4.471500e-02 : f32
    %mul3A_98 = vector.broadcast %mul3A_97 : f32 to vector<10000x128xf32>
    %mul3A_99 = arith.mulf %mul3A_98, %integer_pow3A_96 : vector<10000x128xf32>
    %add3A_100 = arith.addf %add3A_94, %mul3A_99 : vector<10000x128xf32>
    %mul3A_101 = arith.constant 0.797884583 : f32
    %mul3A_102 = vector.broadcast %mul3A_101 : f32 to vector<10000x128xf32>
    %mul3A_103 = arith.mulf %mul3A_102, %add3A_100 : vector<10000x128xf32>
    %tanh3A_104 = math.tanh %mul3A_103 : vector<10000x128xf32>
    %add3A_105 = arith.constant 1.000000e+00 : f32
    %add3A_106 = vector.broadcast %add3A_105 : f32 to vector<10000x128xf32>
    %add3A_107 = arith.addf %add3A_106, %tanh3A_104 : vector<10000x128xf32>
    %mul3A_108 = arith.constant 5.000000e-01 : f32
    %mul3A_109 = vector.broadcast %mul3A_108 : f32 to vector<10000x128xf32>
    %mul3A_110 = arith.mulf %mul3A_109, %add3A_107 : vector<10000x128xf32>
    %mul3A_111 = arith.mulf %add3A_94, %mul3A_110 : vector<10000x128xf32>
    %get3A_112 = arith.constant 0 : index
    %get3A_113 = arith.constant 0 : index
    %get3A_114 = vector.load %arg11[%get3A_112, %get3A_113] : memref<128x128xf32, #tpu.memory_space<vmem>>, vector<128x128xf32>
    %dot_general3A_115 = arith.constant dense<0.000000e+00> : vector<10000x128xf32>
    %dot_general3A_116 = tpu.matmul %mul3A_111, %get3A_114, %dot_general3A_115 {dimension_numbers = #tpu.dot_dimension_numbers<[1], [0], [0], [1], [0, 0, 1, 1], [], []>, transpose_lhs_hint = false} : vector<10000x128xf32>, vector<128x128xf32>, vector<10000x128xf32> -> vector<10000x128xf32>
    %get3A_117 = arith.constant 0 : index
    %get3A_118 = arith.constant 0 : index
    %get3A_119 = vector.load %arg12[%get3A_117, %get3A_118] : memref<1x128xf32, #tpu.memory_space<vmem>>, vector<1x128xf32>
    %add3A_120 = vector.broadcast %get3A_119 : vector<1x128xf32> to vector<10000x128xf32>
    %add3A_121 = arith.addf %dot_general3A_116, %add3A_120 : vector<10000x128xf32>
    %get3A_122 = arith.constant 0 : index
    %get3A_123 = arith.constant 0 : index
    %get3A_124 = vector.load %arg3[%get3A_122, %get3A_123] : memref<10000x128xf32, #tpu.memory_space<vmem>>, vector<10000x128xf32>
    %add3A_125 = arith.addf %add3A_121, %get3A_124 : vector<10000x128xf32>
    %mul3A_126 = arith.mulf %add3A_125, %add3A_125 : vector<10000x128xf32>
    %reduce_sum3A = arith.constant dense<0.000000e+00> : vector<10000xf32>
    %reduce_sum3A_127 = vector.multi_reduction <add>, %mul3A_126, %reduce_sum3A [1] : vector<10000x128xf32> to vector<10000xf32>
    %broadcast_in_dim3A = vector.shape_cast %reduce_sum3A_127 : vector<10000xf32> to vector<10000x1xf32>
    %sqrt3A = math.sqrt %broadcast_in_dim3A : vector<10000x1xf32>
    %add3A_128 = arith.constant 1.000000e-10 : f32
    %add3A_129 = vector.broadcast %add3A_128 : f32 to vector<10000x1xf32>
    %add3A_130 = arith.addf %sqrt3A, %add3A_129 : vector<10000x1xf32>
    %div3A = vector.broadcast %add3A_130 : vector<10000x1xf32> to vector<10000x128xf32>
    %div3A_131 = arith.divf %add3A_125, %div3A : vector<10000x128xf32>
    %swap3A = arith.constant 0 : index
    %swap3A_132 = arith.constant 0 : index
    %swap3A_133 = vector.load %arg15[%swap3A, %swap3A_132] : memref<10000x128xf32, #tpu.memory_space<vmem>>, vector<10000x128xf32>
    tpu.vector_store %arg15[%swap3A, %swap3A_132], %div3A_131 {strides = array<i32>} : memref<10000x128xf32, #tpu.memory_space<vmem>>, vector<10000x128xf32>,
    %get3A_134 = arith.constant 0 : index
    %get3A_135 = arith.constant 0 : index
    %get3A_136 = vector.load %arg13[%get3A_134, %get3A_135] : memref<256x128xf32, #tpu.memory_space<vmem>>, vector<128x128xf32>
    %dot_general3A_137 = arith.constant dense<0.000000e+00> : vector<10000x128xf32>
    %dot_general3A_138 = tpu.matmul %div3A_131, %get3A_136, %dot_general3A_137 {dimension_numbers = #tpu.dot_dimension_numbers<[1], [0], [0], [1], [0, 0, 1, 1], [], []>, transpose_lhs_hint = false} : vector<10000x128xf32>, vector<128x128xf32>, vector<10000x128xf32> -> vector<10000x128xf32>
    %swap3A_139 = arith.constant 0 : index
    %swap3A_140 = arith.constant 0 : index
    %swap3A_141 = vector.load %arg16[%swap3A_139, %swap3A_140] : memref<10000x128xf32, #tpu.memory_space<vmem>>, vector<10000x128xf32>
    tpu.vector_store %arg16[%swap3A_139, %swap3A_140], %dot_general3A_138 {strides = array<i32>} : memref<10000x128xf32, #tpu.memory_space<vmem>>, vector<10000x128xf32>,
    %get3A_142 = arith.constant 128 : index
    %get3A_143 = arith.constant 0 : index
    %get3A_144 = vector.load %arg13[%get3A_142, %get3A_143] : memref<256x128xf32, #tpu.memory_space<vmem>>, vector<128x128xf32>
    %dot_general3A_145 = arith.constant dense<0.000000e+00> : vector<10000x128xf32>
    %dot_general3A_146 = tpu.matmul %div3A_131, %get3A_144, %dot_general3A_145 {dimension_numbers = #tpu.dot_dimension_numbers<[1], [0], [0], [1], [0, 0, 1, 1], [], []>, transpose_lhs_hint = false} : vector<10000x128xf32>, vector<128x128xf32>, vector<10000x128xf32> -> vector<10000x128xf32>
    %get3A_147 = arith.constant 0 : index
    %get3A_148 = arith.constant 0 : index
    %get3A_149 = vector.load %arg14[%get3A_147, %get3A_148] : memref<1x128xf32, #tpu.memory_space<vmem>>, vector<1x128xf32>
    %add3A_150 = vector.broadcast %get3A_149 : vector<1x128xf32> to vector<10000x128xf32>
    %add3A_151 = arith.addf %dot_general3A_146, %add3A_150 : vector<10000x128xf32>
    %swap3A_152 = arith.constant 0 : index
    %swap3A_153 = arith.constant 0 : index
    %swap3A_154 = vector.load %arg17[%swap3A_152, %swap3A_153] : memref<10000x128xf32, #tpu.memory_space<vmem>>, vector<10000x128xf32>
    tpu.vector_store %arg17[%swap3A_152, %swap3A_153], %add3A_151 {strides = array<i32>} : memref<10000x128xf32, #tpu.memory_space<vmem>>, vector<10000x128xf32>,
    return
  }
}

module attributes {stable_mosaic.version = 14 : i64} {
  func.func @_contact_body(%arg0: i32, %arg1: memref<4000x128xf32, #tpu.memory_space<vmem>>, %arg2: memref<128x64xf32, #tpu.memory_space<vmem>>, %arg3: memref<1x64xf32, #tpu.memory_space<vmem>>, %arg4: memref<1x64xf32, #tpu.memory_space<vmem>>, %arg5: memref<1x1xf32, #tpu.memory_space<vmem>>, %arg6: memref<4000x1xf32, #tpu.memory_space<vmem>>) attributes {dimension_semantics = [#tpu.dimension_semantics<arbitrary>], iteration_bounds = array<i64: 80>, scalar_prefetch = 0 : i64, scratch_operands = 0 : i64, tpu.core_type = #tpu.core_type<tc>, window_params = [{transform_indices = @transform_0, window_bounds = array<i64: 4000, 128>}, {pipeline_mode = #tpu.pipeline_mode<synchronous>, transform_indices = @transform_1, window_bounds = array<i64: 128, 64>}, {pipeline_mode = #tpu.pipeline_mode<synchronous>, transform_indices = @transform_2, window_bounds = array<i64: 1, 64>}, {pipeline_mode = #tpu.pipeline_mode<synchronous>, transform_indices = @transform_3, window_bounds = array<i64: 1, 64>}, {pipeline_mode = #tpu.pipeline_mode<synchronous>, transform_indices = @transform_4, window_bounds = array<i64: 1, 1>}, {transform_indices = @transform_5, window_bounds = array<i64: 4000, 1>}]} {
    %get3A = arith.constant 0 : index
    %get3A_0 = arith.constant 0 : index
    %get3A_1 = vector.load %arg1[%get3A, %get3A_0] : memref<4000x128xf32, #tpu.memory_space<vmem>>, vector<4000x128xf32>
    %integer_pow3A = arith.mulf %get3A_1, %get3A_1 : vector<4000x128xf32>
    %integer_pow3A_2 = arith.mulf %get3A_1, %integer_pow3A : vector<4000x128xf32>
    %mul3A = arith.constant 4.471500e-02 : f32
    %mul3A_3 = vector.broadcast %mul3A : f32 to vector<4000x128xf32>
    %mul3A_4 = arith.mulf %mul3A_3, %integer_pow3A_2 : vector<4000x128xf32>
    %add3A = arith.addf %get3A_1, %mul3A_4 : vector<4000x128xf32>
    %mul3A_5 = arith.constant 0.797884583 : f32
    %mul3A_6 = vector.broadcast %mul3A_5 : f32 to vector<4000x128xf32>
    %mul3A_7 = arith.mulf %mul3A_6, %add3A : vector<4000x128xf32>
    %tanh3A = math.tanh %mul3A_7 : vector<4000x128xf32>
    %add3A_8 = arith.constant 1.000000e+00 : f32
    %add3A_9 = vector.broadcast %add3A_8 : f32 to vector<4000x128xf32>
    %add3A_10 = arith.addf %add3A_9, %tanh3A : vector<4000x128xf32>
    %mul3A_11 = arith.constant 5.000000e-01 : f32
    %mul3A_12 = vector.broadcast %mul3A_11 : f32 to vector<4000x128xf32>
    %mul3A_13 = arith.mulf %mul3A_12, %add3A_10 : vector<4000x128xf32>
    %mul3A_14 = arith.mulf %get3A_1, %mul3A_13 : vector<4000x128xf32>
    %get3A_15 = arith.constant 0 : index
    %get3A_16 = arith.constant 0 : index
    %get3A_17 = vector.load %arg2[%get3A_15, %get3A_16] : memref<128x64xf32, #tpu.memory_space<vmem>>, vector<128x64xf32>
    %dot_general3A = arith.constant dense<0.000000e+00> : vector<4000x64xf32>
    %dot_general3A_18 = tpu.matmul %mul3A_14, %get3A_17, %dot_general3A {dimension_numbers = #tpu.dot_dimension_numbers<[1], [0], [0], [1], [0, 0, 1, 1], [], []>, transpose_lhs_hint = false} : vector<4000x128xf32>, vector<128x64xf32>, vector<4000x64xf32> -> vector<4000x64xf32>
    %get3A_19 = arith.constant 0 : index
    %get3A_20 = arith.constant 0 : index
    %get3A_21 = vector.load %arg3[%get3A_19, %get3A_20] : memref<1x64xf32, #tpu.memory_space<vmem>>, vector<1x64xf32>
    %add3A_22 = vector.broadcast %get3A_21 : vector<1x64xf32> to vector<4000x64xf32>
    %add3A_23 = arith.addf %dot_general3A_18, %add3A_22 : vector<4000x64xf32>
    %integer_pow3A_24 = arith.mulf %add3A_23, %add3A_23 : vector<4000x64xf32>
    %integer_pow3A_25 = arith.mulf %add3A_23, %integer_pow3A_24 : vector<4000x64xf32>
    %mul3A_26 = arith.constant 4.471500e-02 : f32
    %mul3A_27 = vector.broadcast %mul3A_26 : f32 to vector<4000x64xf32>
    %mul3A_28 = arith.mulf %mul3A_27, %integer_pow3A_25 : vector<4000x64xf32>
    %add3A_29 = arith.addf %add3A_23, %mul3A_28 : vector<4000x64xf32>
    %mul3A_30 = arith.constant 0.797884583 : f32
    %mul3A_31 = vector.broadcast %mul3A_30 : f32 to vector<4000x64xf32>
    %mul3A_32 = arith.mulf %mul3A_31, %add3A_29 : vector<4000x64xf32>
    %tanh3A_33 = math.tanh %mul3A_32 : vector<4000x64xf32>
    %add3A_34 = arith.constant 1.000000e+00 : f32
    %add3A_35 = vector.broadcast %add3A_34 : f32 to vector<4000x64xf32>
    %add3A_36 = arith.addf %add3A_35, %tanh3A_33 : vector<4000x64xf32>
    %mul3A_37 = arith.constant 5.000000e-01 : f32
    %mul3A_38 = vector.broadcast %mul3A_37 : f32 to vector<4000x64xf32>
    %mul3A_39 = arith.mulf %mul3A_38, %add3A_36 : vector<4000x64xf32>
    %mul3A_40 = arith.mulf %add3A_23, %mul3A_39 : vector<4000x64xf32>
    %get3A_41 = arith.constant 0 : index
    %get3A_42 = arith.constant 0 : index
    %get3A_43 = vector.load %arg4[%get3A_41, %get3A_42] : memref<1x64xf32, #tpu.memory_space<vmem>>, vector<1x64xf32>
    %mul3A_44 = vector.broadcast %get3A_43 : vector<1x64xf32> to vector<4000x64xf32>
    %mul3A_45 = arith.mulf %mul3A_40, %mul3A_44 : vector<4000x64xf32>
    %reduce_sum3A = arith.constant dense<0.000000e+00> : vector<4000xf32>
    %reduce_sum3A_46 = vector.multi_reduction <add>, %mul3A_45, %reduce_sum3A [1] : vector<4000x64xf32> to vector<4000xf32>
    %broadcast_in_dim3A = vector.shape_cast %reduce_sum3A_46 : vector<4000xf32> to vector<4000x1xf32>
    %get3A_47 = arith.constant 0 : index
    %get3A_48 = arith.constant 0 : index
    %get3A_49 = vector.load %arg5[%get3A_47, %get3A_48] : memref<1x1xf32, #tpu.memory_space<vmem>>, vector<1x1xf32>
    %add3A_50 = vector.broadcast %get3A_49 : vector<1x1xf32> to vector<4000x1xf32>
    %add3A_51 = arith.addf %broadcast_in_dim3A, %add3A_50 : vector<4000x1xf32>
    %logistic3A = arith.negf %add3A_51 : vector<4000x1xf32>
    %logistic3A_52 = math.exp %logistic3A : vector<4000x1xf32>
    %logistic3A_53 = arith.constant 1.000000e+00 : f32
    %logistic3A_54 = vector.broadcast %logistic3A_53 : f32 to vector<4000x1xf32>
    %logistic3A_55 = arith.addf %logistic3A_54, %logistic3A_52 : vector<4000x1xf32>
    %logistic3A_56 = arith.divf %logistic3A_54, %logistic3A_55 : vector<4000x1xf32>
    %swap3A = arith.constant 0 : index
    %swap3A_57 = arith.constant 0 : index
    %swap3A_58 = vector.load %arg6[%swap3A, %swap3A_57] : memref<4000x1xf32, #tpu.memory_space<vmem>>, vector<4000x1xf32>
    tpu.vector_store %arg6[%swap3A, %swap3A_57], %logistic3A_56 {strides = array<i32>} : memref<4000x1xf32, #tpu.memory_space<vmem>>, vector<4000x1xf32>,
    return
  }
  func.func @transform_0(%arg0: i32) -> (i32, i32) {
    %c0_i32 = arith.constant 0 : i32
    %c0_i32_0 = arith.constant 0 : i32
    return %arg0, %c0_i32 : i32, i32
  }
  func.func @transform_1(%arg0: i32) -> (i32, i32) {
    %c0_i32 = arith.constant 0 : i32
    %c0_i32_0 = arith.constant 0 : i32
    %c0_i32_1 = arith.constant 0 : i32
    return %c0_i32, %c0_i32_0 : i32, i32
  }
  func.func @transform_2(%arg0: i32) -> (i32, i32) {
    %c0_i32 = arith.constant 0 : i32
    %c0_i32_0 = arith.constant 0 : i32
    %c0_i32_1 = arith.constant 0 : i32
    return %c0_i32, %c0_i32_0 : i32, i32
  }
  func.func @transform_3(%arg0: i32) -> (i32, i32) {
    %c0_i32 = arith.constant 0 : i32
    %c0_i32_0 = arith.constant 0 : i32
    %c0_i32_1 = arith.constant 0 : i32
    return %c0_i32, %c0_i32_0 : i32, i32
  }
  func.func @transform_4(%arg0: i32) -> (i32, i32) {
    %c0_i32 = arith.constant 0 : i32
    %c0_i32_0 = arith.constant 0 : i32
    %c0_i32_1 = arith.constant 0 : i32
    return %c0_i32, %c0_i32_0 : i32, i32
  }
  func.func @transform_5(%arg0: i32) -> (i32, i32) {
    %c0_i32 = arith.constant 0 : i32
    %c0_i32_0 = arith.constant 0 : i32
    return %arg0, %c0_i32 : i32, i32
  }
}

</mosaic_0001>

<sc_bundles>
// kernel: kernel.12.cloned.1.call-start
scs
__scs_entry_jumppad:
0x0: {  	(pc) =	sbr.rel $0x88, $3  }
0x1: {  	(tag) =	ssettag $0x0;
	lr =	simm.s32 $0x1  }
0x2: {  	[smem:$0x3F89] =	sst lr;
	_ =	strace $0xD0000000  }
0x3: {  	_ = 	snop  }
0x4: {  	_ = 	snop  }
0x5: {  	_ = 	snop  }
0x6: {  	_ = 	snop  }
0x7: {  	_ = 	snop  }
__scs_overlays_trampoline_lowered:
0x8: {  	[smem:$0x3F98] =	sst s0  }
0x9: {  	[smem:$0x3F99] =	sst s1  }
0xa: {  	[smem:$0x3F9A] =	sst s2  }
0xb: {  	[smem:$0x3F9B] =	sst s3  }
0xc: {  	[smem:$0x3F9C] =	sst s4  }
0xd: {  	[smem:$0x3F9D] =	sst s5  }
0xe: {  	[smem:$0x3F9E] =	sst s6  }
0xf: {  	[smem:$0x3F9F] =	sst s7  }
0x10: {  	[smem:$0x3FA0] =	sst s8  }
0x11: {  	[smem:$0x3FA1] =	sst s9;
	s0 =	simm.s32 @!p0 $0x0  }
0x12: {  	s1 =	sld [smem:$0x3F87];
	s0 =	simm.s32 @p0 $0x1  }
0x13: {  	[smem:$0x3FA2] =	sst s0;
	s0 =	simm.s32 @!p1 $0x0  }
0x14: {  	s2 =	sld [smem:$0x3F86];
	s0 =	simm.s32 @p1 $0x1  }
0x15: {  	[smem:$0x3FA3] =	sst s0;
	s0 =	simm.s32 @!p2 $0x0  }
0x16: {  	s3 =	sld [smem:$0x3FDB];
	s0 =	simm.s32 @p2 $0x1  }
0x17: {  	s4 =	simm.s32 $0x1BF5;
	[smem:$0x3FA5] =	sst s0  }
0x18: {  	s0 =	sld [smem:$0x3F88];
	_ =	swait.ge [sflag:s4], $0x0  }
0x19: {  	s7 =	sld [smem:$0x3F89]  }
0x1a: {  	s8 =	sadd.s32 $0xFFFFE003, lr  }
0x1b: {  	s9 =	sadd.s32 $0xFFFFFEF7, lr;
	s5 =	simm.s32 $0xFFFFFFFF;
	p2 =	slt.u32 s8, $0xFFFFF086  }
0x1c: {  	p1 =	slt.u32 s9, $0xF7A;
	s5 =	simm.s32 @!p2 $0x0  }
0x1d: {  	s5 =	simm.s32 @p1 $0x1;
	p0 =	seq.s32 s7, s2  }
0x1e: {  	s7 =	smul.u32 @!p0 $0xF7A, s2;
	p2 =	seq.s32 @!p0 s5, $0x0  }
0x1f: {  	s9 =	smul.u32 $0xF7A, s1;
	s8 =	simm.s32 @!p0 $0x1BF5;
	p2 =	por !p2, p0  }
0x20: {  	[sflag:s8] =	ssyncset.s32 @!p0 $0xFFFFF086;
	s6 =	sadd.s32 @!p0 s3, s7;
	s7 =	simm.s32 @!p0 $0x108  }
0x21: {  	s3 =	sadd.s32 s3, s9;
	s6 =	sadd.s32 @!p0 $0x88, s6;
	s7 =	simm.s32 @p2 $0x1082  }
0x22: {  	[simem:s7], [sflag:s8] =	dma.local @!p0 [hbm:s6], $0xF7A  }
0x23: {  	s9 =	sor.u32 $0xD0000000, s2;
	s6 =	simm.s32 $0x108;
	_ =	swait.ge @!p0 [sflag:s8], $0x0  }
0x24: {  	s3 =	sadd.s32 $0x88, s3;
	s6 =	simm.s32 @!p1 $0x1082;
	[sflag:s4] =	ssyncset.s32 $0xFFFFF086  }
0x25: {  	[simem:s6], [sflag:s4] =	dma.local [hbm:s3], $0xF7A  }
0x26: {  	[smem:$0x3F89] =	sst s1;
	(tag) =	ssettag s2;
	_ =	strace s9  }
0x27: {  	s1 =	sld [smem:$0x3F99]  }
0x28: {  	s2 =	sld [smem:$0x3F9A]  }
0x29: {  	s4 =	sld [smem:$0x3F9C]  }
0x2a: {  	p0 =	seq.s32 s5, $0x0;
	s5 =	sld [smem:$0x3F9D]  }
0x2b: {  	s6 =	sld [smem:$0x3F9E]  }
0x2c: {  	s7 =	sld [smem:$0x3F9F]  }
0x2d: {  	s3 =	simm.s32 $0x108;
	s8 =	sld [smem:$0x3FA0]  }
0x2e: {  	s3 =	simm.s32 @!p0 $0x1082;
	s9 =	sld [smem:$0x3FA1]  }
0x2f: {  	lr =	sadd.s32 s0, s3;
	s0 =	sld [smem:$0x3F98]  }
0x30: {  	s3 =	sld [smem:$0x3F9B]  }
0x31: {  	[smem:$0x3FA4] =	sst s10  }
0x32: {  	s10 =	sld [smem:$0x3FA2];
	_ =	sdelay $0x3  }
0x33: {  	p0 =	seq.s32 s10, $0x1;
	s10 =	sld [smem:$0x3FA4];
	_ =	sdelay $0x3  }
0x34: {  	[smem:$0x3FA4] =	sst s10  }
0x35: {  	s10 =	sld [smem:$0x3FA3];
	_ =	sdelay $0x3  }
0x36: {  	p1 =	seq.s32 s10, $0x1;
	s10 =	sld [smem:$0x3FA4];
	_ =	sdelay $0x3  }
0x37: {  	[smem:$0x3FA4] =	sst s10  }
0x38: {  	s10 =	sld [smem:$0x3FA5]  }
0x39: {  	_ = 	snop;
	(pc) =	sbr.ind lr, $3  }
0x3a: {  	_ = 	snop  }
0x3b: {  	_ = 	snop  }
0x3c: {  	p2 =	seq.s32 s10, $0x1;
	s10 =	sld [smem:$0x3FA4]  }
0x3d: {  	_ =	shalt  }
0x3e: {  	_ =	shalt  }
0x3f: {  	_ =	shalt  }
0x40: {  	_ =	shalt  }
0x41: {  	_ =	shalt  }
0x42: {  	_ =	shalt  }
0x43: {  	_ =	shalt  }
0x44: {  	_ =	shalt  }
0x45: {  	_ =	shalt  }
0x46: {  	_ =	shalt  }
0x47: {  	_ =	shalt  }
0x48: {  	_ =	shalt  }
0x49: {  	_ =	shalt  }
0x4a: {  	_ =	shalt  }
0x4b: {  	_ =	shalt  }
0x4c: {  	_ =	shalt  }
0x4d: {  	_ =	shalt  }
0x4e: {  	_ =	shalt  }
0x4f: {  	_ =	shalt  }
0x50: {  	_ =	shalt  }
0x51: {  	_ =	shalt  }
0x52: {  	_ =	shalt  }
0x53: {  	_ =	shalt  }
0x54: {  	_ =	shalt  }
0x55: {  	_ =	shalt  }
0x56: {  	_ =	shalt  }
0x57: {  	_ =	shalt  }
0x58: {  	_ =	shalt  }
0x59: {  	_ =	shalt  }
0x5a: {  	_ =	shalt  }
0x5b: {  	_ =	shalt  }
0x5c: {  	_ =	shalt  }
0x5d: {  	_ =	shalt  }
0x5e: {  	_ =	shalt  }
0x5f: {  	_ =	shalt  }
0x60: {  	_ =	shalt  }
0x61: {  	_ =	shalt  }
0x62: {  	_ =	shalt  }
0x63: {  	_ =	shalt  }
0x64: {  	_ =	shalt  }
0x65: {  	_ =	shalt  }
0x66: {  	_ =	shalt  }
0x67: {  	_ =	shalt  }
0x68: {  	_ =	shalt  }
0x69: {  	_ =	shalt  }
0x6a: {  	_ =	shalt  }
0x6b: {  	_ =	shalt  }
0x6c: {  	_ =	shalt  }
0x6d: {  	_ =	shalt  }
0x6e: {  	_ =	shalt  }
0x6f: {  	_ =	shalt  }
0x70: {  	_ =	shalt  }
0x71: {  	_ =	shalt  }
0x72: {  	_ =	shalt  }
0x73: {  	_ =	shalt  }
0x74: {  	_ =	shalt  }
0x75: {  	_ =	shalt  }
0x76: {  	_ =	shalt  }
0x77: {  	_ =	shalt  }
0x78: {  	_ =	shalt  }
0x79: {  	_ =	shalt  }
0x7a: {  	_ =	shalt  }
0x7b: {  	_ =	shalt  }
0x7c: {  	_ =	shalt  }
0x7d: {  	_ =	shalt  }
0x7e: {  	_ =	shalt  }
0x7f: {  	_ =	shalt  }
0x80: {  	_ =	shalt  }
0x81: {  	_ =	shalt  }
0x82: {  	_ =	shalt  }
0x83: {  	_ =	shalt  }
0x84: {  	_ =	shalt  }
0x85: {  	_ =	shalt  }
0x86: {  	_ =	shalt  }
0x87: {  	_ =	shalt  }
.Lfunc_end0:
.L_simem_size_0:
called_computation_lowered:
.L_overlay_start_0:
0x88: {  	s2 =	sld [smem:$0x3FD9]  }
0x89: {  	s3 =	sld [smem:$0x3FFE];
	_ =	sdelay $0x1  }
0x8a: {  	s1 =	srdreg.scid  }
0x8b: {  	s0 =	sand.u32 $0x1, s1  }
0x8c: {  	s15 =	sshll.u32 s0, $0xA;
	s2 =	sadd.s32 s3, s2  }
0x8d: {  	s2 =	sadd.s32 s2, s15  }
0x8e: {  	[smem:$0x3FB0] =	sst s2  }
0x8f: {  	_ = 	snop  }
0x90: {  	s2 =	sld [smem:$0x3FD0];
	_ =	sdelay $0x2  }
0x91: {  	s4 =	simm.s32 $0xB;
	s16 =	simm.s32 $0x10  }
0x92: {  	[smem:s16], [sflag:s4] =	dma.local [hbm:s2], $0x1  }
0x93: {  	_ =	swait.eq [sflag:s4], $0x1  }
0x94: {  	[sflag:s4] =	ssyncset.done $0x0  }
0x95: {  	s17 =	sld [smem:$0x10];
	[sflag:s4] =	ssyncadd.s32 $0xFFFFFFFF  }
0x96: {  	s18 =	sld [smem:$0x11];
	(tm) =	ssettm $0x1  }
0x97: {  	s19 =	sld [smem:$0x3FFB];
	_ =	sdelay $0x3  }
0x98: {  	_ =	strace s19  }
0x99: {  	s2 =	sld [smem:$0x3FFC];
	_ =	sdelay $0x3  }
0x9a: {  	_ =	strace s2  }
0x9b: {  	s2 =	sld [smem:$0x3FFD];
	_ =	sdelay $0x3  }
0x9c: {  	_ =	strace s2  }
0x9d: {  	_ =	strace $0x8FFFFFFF  }
0x9e: {  	s20 =	sld [smem:$0x3FDB];
	_ =	sdelay $0x1  }
0x9f: {  	s5 =	simm.s32 $_scs_section_size  }
0xa0: {  	s6 =	simm.s32 $_size__tile_overlayer_lowered;
	s7 =	simm.s32 $_tile_overlayer_lowered  }
0xa1: {  	s8 =	simm.s32 $0x1BFF;
	s21 =	sshll.u32 s7, $0x1;
	s5 =	sadd.s32 s5, s20  }
0xa2: {  	s22 =	simm.s32 $0x0;
	s6 =	sshll.u32 s6, $0x1;
	s7 =	sadd.s32 s21, s5  }
0xa3: {  	[timem:s22], [sflag:s8] =	dma.local [hbm:s7], s6  }
0xa4: {  	_ =	swait.ge [sflag:s8], s6  }
0xa5: {  	s6 =	ssub.s32 $0x0, s6;
	[sflag:s8] =	ssyncset.done $0x0  }
0xa6: {  	[sflag:s8] =	ssyncadd.s32 s6;
	_ =	sdelay $0x1  }
0xa7: {  	s23 =	simm.s32 $0x1B8B  }
0xa8: {  	_ =	swait.ge [sflag:s23], $0x1  }
0xa9: {  	[sflag:s23] =	ssyncset.done $0x0  }
0xaa: {  	[sflag:s23] =	ssyncadd.s32 $0xFFFFFFFF  }
0xab: {  	s6 =	sld [smem:$0x0]  }
0xac: {  	s7 =	sand.u32 $0xFFFFFFFE, s1  }
0xad: {  	p0 =	sne.s32 s1, s7  }
0xae: {  	s7 =	sshll.u32 @p0 s7, $0xE  }
0xaf: {  	s7 =	sadd.s32 @p0 $0x11B8D, s7;
	s8 =	sshll.u32 @p0 s6, $0x11  }
0xb0: {  	s7 =	sor.u32 @p0 s8, s7  }
0xb1: {  	[sflag:s7] =	ssyncadd.remote.s32 @p0 $0x1;
	_ =	sdelay $0x1  }
0xb2: {  	s7 =	simm.s32 @p0 $0x1B8D  }
0xb3: {  	_ =	swait.eq @p0 [sflag:s7], $0x1  }
0xb4: {  	[sflag:s7] =	ssyncadd.s32 @p0 $0xFFFFFFFF  }
0xb5: {  	s8 =	sshll.u32 @!p0 s1, $0xE  }
0xb6: {  	s8 =	sor.u32 @!p0 $0x4000, s8;
	s7 =	simm.s32 @!p0 $0x1B8D  }
0xb7: {  	s6 =	sshll.u32 @!p0 s6, $0x11;
	s8 =	sadd.s32 @!p0 $0x11B8D, s8;
	_ =	swait.eq @!p0 [sflag:s7], $0x1  }
0xb8: {  	s6 =	sor.u32 @!p0 s6, s8;
	[sflag:s7] =	ssyncadd.s32 @!p0 $0xFFFFFFFF  }
0xb9: {  	s25 =	simm.s32 $0x1B8E;
	s24 =	sld [smem:$0x3FFE];
	[sflag:s6] =	ssyncadd.remote.s32 @!p0 $0x1  }
0xba: {  	s26 =	simm.s32 $execute0_lowered;
	[smem:$0x3FD2] =	sst s25  }
0xbb: {  	s7 =	sshll.u32 s26, $0x1;
	_ =	strace $0x80000049;
	[dreg:$0x1] =	wrdreg $0xFFFFFFFF  }
0xbc: {  	s28 =	simm.s32 $_size_execute0_lowered;
	s5 =	sadd.s32 s5, s7;
	[dreg:$0x0] =	wrdreg $0x0  }
0xbd: {  	s7 =	sshll.u32 s28, $0x1;
	[dreg:$0x2] =	wrdreg s5  }
0xbe: {  	[dreg:$0x3] =	wrdreg s7  }
0xbf: {  	[dreg:$0x4] =	wrdreg $0xC0  }
0xc0: {  	_ =	task [dreg:s22], $0x5FFFF  }
0xc1: {  	[dreg:$0x1] =	wrdreg $0xFFFFFFFF  }
0xc2: {  	[dreg:$0x0] =	wrdreg $0x60  }
0xc3: {  	[dreg:$0x2] =	wrdreg s24  }
0xc4: {  	[dreg:$0x3] =	wrdreg s18  }
0xc5: {  	[dreg:$0x4] =	wrdreg s17  }
0xc6: {  	[dreg:$0x5] =	wrdreg $0x68000  }
0xc7: {  	[dreg:$0x6] =	wrdreg $0x9  }
0xc8: {  	_ =	task.clear_ibuf [dreg:s22], $0x7FFFF;
	_ =	strace $0x90000049  }
0xc9: {  	s29 =	simm.s32 $0x9;
	_ =	strace $0x8000004B  }
0xca: {  	_ =	swait.ge [sflag:s29], $0x1  }
0xcb: {  	[sflag:s29] =	ssyncadd.s32 $0xFFFFFFFF  }
0xcc: {  	_ =	strace $0x9000004B  }
0xcd: {  	_ =	sfence  }
0xce: {  	s30 =	sld [smem:$0x0];
	_ =	sdelay $0x2  }
0xcf: {  	s31 =	sshll.u32 s1, $0xD;
	s1 =	sshrl.u32 s1, $0x2  }
0xd0: {  	s4 =	sand.u32 $0x4000, s31;
	s1 =	sadd.s32 s1, s30  }
0xd1: {  	s0 =	sor.u32 s4, s0;
	s1 =	sshll.u32 s1, $0x11  }
0xd2: {  	s0 =	sor.u32 s1, s0  }
0xd3: {  	s0 =	sadd.s32 $0x8F2B, s0  }
0xd4: {  	[sflag:s0] =	ssyncadd.remote.s32 $0x1  }
0xd5: {  	_ =	sfence.sel $0xFFFF  }
0xd6: {  	[dreg:$0x0] =	wrdreg $0xFFFFFFFF;
	(pc) =	sbr.abs _section_cstart, $3  }
0xd7: {  	[dreg:$0x1] =	wrdreg $0xFFFFFFFF  }
0xd8: {  	_ =	task.clear_ibuf [dreg:s22], $0x2FFFF;
	_ =	strace $0x9FFFFFFF  }
0xd9: {  	(tm) =	ssettm $0x7FFFFFFF  }
tec
execute0_lowered:
.L_overlay_start_1:
0x0: {  	(tag) =	ssettag $0x1  }
0x1: {  	s6 =	rddreg [dreg:$0x0]  }
0x2: {  	s1 =	rddreg [dreg:$0x1]  }
0x3: {  	s3 =	rddreg [dreg:$0x2]  }
0x4: {  	s0 =	srdreg.scid;
	s4 =	rddreg [dreg:$0x3]  }
0x5: {  	s5 =	simm.s32 $0x0;
	s7 =	sand.u32 $0x1, s0;
	s0 =	stileid.u32  }
0x6: {  	s12 =	simm.s32 $0x2800;
	s13 =	simm.s32 $0x80;
	s9 =	smul.u32 $0x2800, s0  }
0x7: {  	s14 =	simm.s32 $0x0;
	[smem:$0x7FF] =	sst s5;
	s10 =	smul.u32 $0x28000, s7  }
0x8: {  	s2 =	sshll.u32 s7, $0x4;
	s11 =	smul.u32 $0x50000, s0;
	s7 =	ssub.s32 $0x2, s7  }
0x9: {  	s31 =	sshll.u32 s0, $0x6;
	s2 =	sor.u32 s0, s2;
	s28 =	sshrl.u32 s7, $0x1  }
0xa: {  	s8 =	smul.u32 $0x500, s2;
	s2 =	rddreg [dreg:$0x4];
	_ =	strace $0x8000004A  }
0xb: {  	s9 =	sadd.s32 s9, s10;
	s29 =	sshrl.u32 s11, $0x2;
	s30 =	ssub.s32 s7, s28  }
0xc: {  	s11 =	simm.s32 $0x1;
	s9 =	sadd.s32 s9, s6;
	s10 =	sadd.s32 s29, s4  }
0xd: {  	s8 =	sadd.s32 s8, s6;
	s6 =	sor.u32 $0x1C01, s31;
	s10 =	sshrl.u32 s10, $0x3  }
0xe: {  	s7 =	sadd.s32 $0x5200, s8;
	s8 =	sadd.s32 $0x73000, s9;
	s9 =	smax.u32 s30, $0x1  }
.LBB2_1:
0xf: {  	[spmem:s10], [sflag:s6] =	dma.local [hbm:s1], $0x2800  }
0x10: {  	_ =	swait.ge [sflag:s11], $0x2800  }
0x11: {  	[sflag:s11] =	ssyncset.done $0x0  }
0x12: {  	[sflag:s11] =	ssyncadd.s32 $0xFFFFD800  }
0x13: {  	[tilespmem:s5], [sflag:$0x1] =	stream.linear.gather [hbm4b:s7+s5], $0x2780, $0x38;
	[tilespmem:$0x1A800] =	vst v63  }
0x14: {  	_ =	swait.ge [sflag:s11], $0x2780  }
0x15: {  	[sflag:s11] =	ssyncset.done $0x0  }
0x16: {  	[sflag:s11] =	ssyncadd.s32 $0xFFFFD880  }
0x17: {  	[tilespmem:s12], [sflag:$0x1] =	stream.linear.gather [hbm4b:s3+s5], $0x4000, $0x38;
	[tilespmem:$0x1A800] =	vst v63  }
0x18: {  	_ =	swait.ge [sflag:s11], $0x4000  }
0x19: {  	[sflag:s11] =	ssyncset.done $0x0  }
0x1a: {  	[sflag:s11] =	ssyncadd.s32 $0xFFFFC000  }
0x1b: {  	s15 =	simm.s32 $0x0;
	[bflag:$0x0] =	sbarrier.arrive $0xFFFF  }
0x1c: {  	[spmem:s4] =	stream.indirect.scatter.add.f32 [tilespmem:s12], [sflag:$0x1], $0x80, s15, s13, $0xb8;
	[tilespmem:$0x1A800] =	vst v63  }
0x1d: {  	_ =	swait.ge [sflag:s11], $0x4000  }
0x1e: {  	s15 =	simm.s32 $0x200;
	[sflag:s11] =	ssyncset.done $0x0  }
.LBB2_2:
0x1f: {  	s16 =	sshra.s32 s15, $0x2;
	[sflag:s11] =	ssyncadd.s32 $0xFFFFC000;
	p0 =	sne.s32 s15, $0x9C00  }
0x20: {  	[spmem:s4] =	stream.indirect.scatter.add.f32 [tilespmem:s12], [sflag:$0x1], $0x80, s16, s13, $0xb8;
	[tilespmem:$0x1A800] =	vst v63  }
.Ltmp0:
0x21: {  	_ = 	snop;
	(pc) =	sbr.rel @p0 .LBB2_2-.Ltmp0, $4  }
0x22: {  	_ = 	snop  }
0x23: {  	s15 =	sadd.s32 $0x200, s15  }
0x24: {  	_ =	swait.ge [sflag:s11], $0x4000  }
0x25: {  	[sflag:s11] =	ssyncset.done $0x0  }
0x26: {  	s14 =	sadd.s32 $0x1, s14  }
0x27: {  	[sflag:s11] =	ssyncadd.s32 $0xFFFFC000;
	p0 =	sne.s32 s14, s9  }
.Ltmp1:
0x28: {  	[bflag:$0x0] =	sbarrier.arrive $0xFFFF;
	(pc) =	sbr.rel @p0 .LBB2_1-.Ltmp1, $4  }
0x29: {  	[hbm:s8], [sflag:s6] =	dma.local [spmem:s10], $0x2800  }
0x2a: {  	_ =	swait.ge [sflag:s11], $0x2800  }
0x2b: {  	[sflag:s11] =	ssyncset.done $0x0  }
0x2c: {  	[sflag:s11] =	ssyncadd.s32 $0xFFFFD800  }
0x2d: {  	_ =	sfence.sel $0x180000  }
0x2e: {  	[bflag:$0x0] =	sbarrier.arrive $0xFFFF  }
0x2f: {  	p0 =	sne.s32 s0, $0x0;
	_ =	strace $0x9000004A  }
0x30: {  	s0 =	sadd.s32 @!p0 $0x100000, s2;
	[bflag:$0x2] =	sbarrier.arrive $0xFFFF  }
0x31: {  	[sflag:s0] =	ssyncadd.tile.s32 @!p0 $0x1;
	_ =	shalt  }
.Lfunc_end2:
_tile_overlayer_lowered:
.L_overlay_start_2:
0x32: {  	(tag) =	ssettag $0x2  }
0x33: {  	s0 =	rddreg [dreg:$0x0];
	s2 =	stileid.u32  }
0x34: {  	s1 =	rddreg [dreg:$0x1];
	p0 =	sne.s32 s2, $0x0  }
0x35: {  	s3 =	rddreg [dreg:$0x2];
	[bflag:$0x3] =	sbarrier.arrive $0xFFFF;
	s2 =	simm.s32 @!p0 $0x1C01  }
0x36: {  	[timem:s3], [sflag:s2] =	dma.local @!p0 [hbm:s0], s1  }
0x37: {  	s0 =	simm.s32 @!p0 $0x1  }
0x38: {  	_ =	swait.ge @!p0 [sflag:s0], s1  }
0x39: {  	s1 =	ssub.s32 @!p0 $0x0, s1;
	[sflag:s0] =	ssyncset.done @!p0 $0x0  }
0x3a: {  	[sflag:s0] =	ssyncadd.s32 @!p0 s1  }
0x3b: {  	[bflag:$0x3] =	sbarrier.arrive $0xFFFF  }
0x3c: {  	_ =	shalt  }

// kernel: kernel.15.cloned.1.call-start
scs
__scs_entry_jumppad:
0x0: {  	(pc) =	sbr.rel $0x88, $3  }
0x1: {  	(tag) =	ssettag $0x0;
	lr =	simm.s32 $0x1  }
0x2: {  	[smem:$0x3F89] =	sst lr;
	_ =	strace $0xD0000000  }
0x3: {  	_ = 	snop  }
0x4: {  	_ = 	snop  }
0x5: {  	_ = 	snop  }
0x6: {  	_ = 	snop  }
0x7: {  	_ = 	snop  }
__scs_overlays_trampoline_lowered:
0x8: {  	[smem:$0x3F98] =	sst s0  }
0x9: {  	[smem:$0x3F99] =	sst s1  }
0xa: {  	[smem:$0x3F9A] =	sst s2  }
0xb: {  	[smem:$0x3F9B] =	sst s3  }
0xc: {  	[smem:$0x3F9C] =	sst s4  }
0xd: {  	[smem:$0x3F9D] =	sst s5  }
0xe: {  	[smem:$0x3F9E] =	sst s6  }
0xf: {  	[smem:$0x3F9F] =	sst s7  }
0x10: {  	[smem:$0x3FA0] =	sst s8  }
0x11: {  	[smem:$0x3FA1] =	sst s9;
	s0 =	simm.s32 @!p0 $0x0  }
0x12: {  	s1 =	sld [smem:$0x3F87];
	s0 =	simm.s32 @p0 $0x1  }
0x13: {  	[smem:$0x3FA2] =	sst s0;
	s0 =	simm.s32 @!p1 $0x0  }
0x14: {  	s2 =	sld [smem:$0x3F86];
	s0 =	simm.s32 @p1 $0x1  }
0x15: {  	[smem:$0x3FA3] =	sst s0;
	s0 =	simm.s32 @!p2 $0x0  }
0x16: {  	s3 =	sld [smem:$0x3FDB];
	s0 =	simm.s32 @p2 $0x1  }
0x17: {  	s4 =	simm.s32 $0x1BF5;
	[smem:$0x3FA5] =	sst s0  }
0x18: {  	s0 =	sld [smem:$0x3F88];
	_ =	swait.ge [sflag:s4], $0x0  }
0x19: {  	s7 =	sld [smem:$0x3F89]  }
0x1a: {  	s8 =	sadd.s32 $0xFFFFE003, lr  }
0x1b: {  	s9 =	sadd.s32 $0xFFFFFEF7, lr;
	s5 =	simm.s32 $0xFFFFFFFF;
	p2 =	slt.u32 s8, $0xFFFFF086  }
0x1c: {  	p1 =	slt.u32 s9, $0xF7A;
	s5 =	simm.s32 @!p2 $0x0  }
0x1d: {  	s5 =	simm.s32 @p1 $0x1;
	p0 =	seq.s32 s7, s2  }
0x1e: {  	s7 =	smul.u32 @!p0 $0xF7A, s2;
	p2 =	seq.s32 @!p0 s5, $0x0  }
0x1f: {  	s9 =	smul.u32 $0xF7A, s1;
	s8 =	simm.s32 @!p0 $0x1BF5;
	p2 =	por !p2, p0  }
0x20: {  	[sflag:s8] =	ssyncset.s32 @!p0 $0xFFFFF086;
	s6 =	sadd.s32 @!p0 s3, s7;
	s7 =	simm.s32 @!p0 $0x108  }
0x21: {  	s3 =	sadd.s32 s3, s9;
	s6 =	sadd.s32 @!p0 $0x88, s6;
	s7 =	simm.s32 @p2 $0x1082  }
0x22: {  	[simem:s7], [sflag:s8] =	dma.local @!p0 [hbm:s6], $0xF7A  }
0x23: {  	s9 =	sor.u32 $0xD0000000, s2;
	s6 =	simm.s32 $0x108;
	_ =	swait.ge @!p0 [sflag:s8], $0x0  }
0x24: {  	s3 =	sadd.s32 $0x88, s3;
	s6 =	simm.s32 @!p1 $0x1082;
	[sflag:s4] =	ssyncset.s32 $0xFFFFF086  }
0x25: {  	[simem:s6], [sflag:s4] =	dma.local [hbm:s3], $0xF7A  }
0x26: {  	[smem:$0x3F89] =	sst s1;
	(tag) =	ssettag s2;
	_ =	strace s9  }
0x27: {  	s1 =	sld [smem:$0x3F99]  }
0x28: {  	s2 =	sld [smem:$0x3F9A]  }
0x29: {  	s4 =	sld [smem:$0x3F9C]  }
0x2a: {  	p0 =	seq.s32 s5, $0x0;
	s5 =	sld [smem:$0x3F9D]  }
0x2b: {  	s6 =	sld [smem:$0x3F9E]  }
0x2c: {  	s7 =	sld [smem:$0x3F9F]  }
0x2d: {  	s3 =	simm.s32 $0x108;
	s8 =	sld [smem:$0x3FA0]  }
0x2e: {  	s3 =	simm.s32 @!p0 $0x1082;
	s9 =	sld [smem:$0x3FA1]  }
0x2f: {  	lr =	sadd.s32 s0, s3;
	s0 =	sld [smem:$0x3F98]  }
0x30: {  	s3 =	sld [smem:$0x3F9B]  }
0x31: {  	[smem:$0x3FA4] =	sst s10  }
0x32: {  	s10 =	sld [smem:$0x3FA2];
	_ =	sdelay $0x3  }
0x33: {  	p0 =	seq.s32 s10, $0x1;
	s10 =	sld [smem:$0x3FA4];
	_ =	sdelay $0x3  }
0x34: {  	[smem:$0x3FA4] =	sst s10  }
0x35: {  	s10 =	sld [smem:$0x3FA3];
	_ =	sdelay $0x3  }
0x36: {  	p1 =	seq.s32 s10, $0x1;
	s10 =	sld [smem:$0x3FA4];
	_ =	sdelay $0x3  }
0x37: {  	[smem:$0x3FA4] =	sst s10  }
0x38: {  	s10 =	sld [smem:$0x3FA5]  }
0x39: {  	_ = 	snop;
	(pc) =	sbr.ind lr, $3  }
0x3a: {  	_ = 	snop  }
0x3b: {  	_ = 	snop  }
0x3c: {  	p2 =	seq.s32 s10, $0x1;
	s10 =	sld [smem:$0x3FA4]  }
0x3d: {  	_ =	shalt  }
0x3e: {  	_ =	shalt  }
0x3f: {  	_ =	shalt  }
0x40: {  	_ =	shalt  }
0x41: {  	_ =	shalt  }
0x42: {  	_ =	shalt  }
0x43: {  	_ =	shalt  }
0x44: {  	_ =	shalt  }
0x45: {  	_ =	shalt  }
0x46: {  	_ =	shalt  }
0x47: {  	_ =	shalt  }
0x48: {  	_ =	shalt  }
0x49: {  	_ =	shalt  }
0x4a: {  	_ =	shalt  }
0x4b: {  	_ =	shalt  }
0x4c: {  	_ =	shalt  }
0x4d: {  	_ =	shalt  }
0x4e: {  	_ =	shalt  }
0x4f: {  	_ =	shalt  }
0x50: {  	_ =	shalt  }
0x51: {  	_ =	shalt  }
0x52: {  	_ =	shalt  }
0x53: {  	_ =	shalt  }
0x54: {  	_ =	shalt  }
0x55: {  	_ =	shalt  }
0x56: {  	_ =	shalt  }
0x57: {  	_ =	shalt  }
0x58: {  	_ =	shalt  }
0x59: {  	_ =	shalt  }
0x5a: {  	_ =	shalt  }
0x5b: {  	_ =	shalt  }
0x5c: {  	_ =	shalt  }
0x5d: {  	_ =	shalt  }
0x5e: {  	_ =	shalt  }
0x5f: {  	_ =	shalt  }
0x60: {  	_ =	shalt  }
0x61: {  	_ =	shalt  }
0x62: {  	_ =	shalt  }
0x63: {  	_ =	shalt  }
0x64: {  	_ =	shalt  }
0x65: {  	_ =	shalt  }
0x66: {  	_ =	shalt  }
0x67: {  	_ =	shalt  }
0x68: {  	_ =	shalt  }
0x69: {  	_ =	shalt  }
0x6a: {  	_ =	shalt  }
0x6b: {  	_ =	shalt  }
0x6c: {  	_ =	shalt  }
0x6d: {  	_ =	shalt  }
0x6e: {  	_ =	shalt  }
0x6f: {  	_ =	shalt  }
0x70: {  	_ =	shalt  }
0x71: {  	_ =	shalt  }
0x72: {  	_ =	shalt  }
0x73: {  	_ =	shalt  }
0x74: {  	_ =	shalt  }
0x75: {  	_ =	shalt  }
0x76: {  	_ =	shalt  }
0x77: {  	_ =	shalt  }
0x78: {  	_ =	shalt  }
0x79: {  	_ =	shalt  }
0x7a: {  	_ =	shalt  }
0x7b: {  	_ =	shalt  }
0x7c: {  	_ =	shalt  }
0x7d: {  	_ =	shalt  }
0x7e: {  	_ =	shalt  }
0x7f: {  	_ =	shalt  }
0x80: {  	_ =	shalt  }
0x81: {  	_ =	shalt  }
0x82: {  	_ =	shalt  }
0x83: {  	_ =	shalt  }
0x84: {  	_ =	shalt  }
0x85: {  	_ =	shalt  }
0x86: {  	_ =	shalt  }
0x87: {  	_ =	shalt  }
.Lfunc_end0:
.L_simem_size_0:
called_computation.1_lowered:
.L_overlay_start_0:
0x88: {  	s2 =	sld [smem:$0x3FD9]  }
0x89: {  	s3 =	sld [smem:$0x3FFE];
	_ =	sdelay $0x1  }
0x8a: {  	s1 =	srdreg.scid  }
0x8b: {  	s0 =	sand.u32 $0x1, s1  }
0x8c: {  	s14 =	sshll.u32 s0, $0xA;
	s2 =	sadd.s32 s3, s2  }
0x8d: {  	s2 =	sadd.s32 s2, s14  }
0x8e: {  	[smem:$0x3FB0] =	sst s2  }
0x8f: {  	_ = 	snop  }
0x90: {  	s2 =	sld [smem:$0x3FD0];
	_ =	sdelay $0x2  }
0x91: {  	s4 =	simm.s32 $0xB;
	s5 =	simm.s32 $0x10;
	s15 =	sld [smem:$0x3FC9]  }
0x92: {  	[smem:s5], [sflag:s4] =	dma.local [hbm:s2], $0x1  }
0x93: {  	_ =	swait.eq [sflag:s4], $0x1  }
0x94: {  	[sflag:s4] =	ssyncset.done $0x0  }
0x95: {  	[sflag:s4] =	ssyncadd.s32 $0xFFFFFFFF  }
0x96: {  	s16 =	sld [smem:$0x11];
	(tm) =	ssettm $0x1  }
0x97: {  	s17 =	sld [smem:$0x3FFB];
	_ =	sdelay $0x3  }
0x98: {  	_ =	strace s17  }
0x99: {  	s4 =	sld [smem:$0x3FFC];
	_ =	sdelay $0x3  }
0x9a: {  	_ =	strace s4  }
0x9b: {  	s4 =	sld [smem:$0x3FFD];
	_ =	sdelay $0x3  }
0x9c: {  	_ =	strace s4  }
0x9d: {  	_ =	strace $0x8FFFFFFF  }
0x9e: {  	s18 =	sld [smem:$0x3FDB];
	_ =	sdelay $0x1  }
0x9f: {  	s19 =	simm.s32 $_scs_section_size  }
0xa0: {  	s6 =	simm.s32 $_size__tile_overlayer_lowered;
	s7 =	simm.s32 $_tile_overlayer_lowered  }
0xa1: {  	s22 =	simm.s32 $0x1BFF;
	s21 =	sshll.u32 s7, $0x1;
	s4 =	sadd.s32 s19, s18  }
0xa2: {  	s8 =	simm.s32 $0x0;
	s20 =	sshll.u32 s6, $0x1;
	s6 =	sadd.s32 s21, s4  }
0xa3: {  	[timem:s8], [sflag:s22] =	dma.local [hbm:s6], s20  }
0xa4: {  	_ =	swait.ge [sflag:s22], s20  }
0xa5: {  	s5 =	ssub.s32 $0x0, s20;
	[sflag:s22] =	ssyncset.done $0x0  }
0xa6: {  	[sflag:s22] =	ssyncadd.s32 s5;
	_ =	sdelay $0x1  }
0xa7: {  	s23 =	simm.s32 $0x1B8B  }
0xa8: {  	_ =	swait.ge [sflag:s23], $0x1  }
0xa9: {  	[sflag:s23] =	ssyncset.done $0x0  }
0xaa: {  	s25 =	simm.s32 $0x1B8E;
	s24 =	sld [smem:$0x3FFE];
	[sflag:s23] =	ssyncadd.s32 $0xFFFFFFFF  }
0xab: {  	s26 =	simm.s32 $execute0_lowered;
	[smem:$0x3FD2] =	sst s25  }
0xac: {  	s6 =	sshll.u32 s26, $0x1;
	_ =	strace $0x80000046;
	[dreg:$0x1] =	wrdreg $0xFFFFFFFF  }
0xad: {  	s28 =	simm.s32 $_size_execute0_lowered;
	s4 =	sadd.s32 s4, s6;
	[dreg:$0x0] =	wrdreg $0x0  }
0xae: {  	s6 =	sshll.u32 s28, $0x1;
	[dreg:$0x2] =	wrdreg s4  }
0xaf: {  	[dreg:$0x3] =	wrdreg s6  }
0xb0: {  	[dreg:$0x4] =	wrdreg $0xC0  }
0xb1: {  	_ =	task [dreg:s8], $0x5FFFF  }
0xb2: {  	[dreg:$0x1] =	wrdreg $0xFFFFFFFF  }
0xb3: {  	[dreg:$0x0] =	wrdreg $0x60  }
0xb4: {  	[dreg:$0x2] =	wrdreg s15  }
0xb5: {  	[dreg:$0x3] =	wrdreg s24  }
0xb6: {  	[dreg:$0x4] =	wrdreg s16  }
0xb7: {  	[dreg:$0x5] =	wrdreg $0x90000  }
0xb8: {  	[dreg:$0x6] =	wrdreg $0xA  }
0xb9: {  	_ =	task.clear_ibuf [dreg:s8], $0x7FFFF;
	_ =	strace $0x90000046  }
0xba: {  	s29 =	simm.s32 $0xA;
	_ =	strace $0x80000048  }
0xbb: {  	_ =	swait.ge [sflag:s29], $0x1  }
0xbc: {  	[sflag:s29] =	ssyncadd.s32 $0xFFFFFFFF  }
0xbd: {  	_ =	strace $0x90000048  }
0xbe: {  	_ =	sfence  }
0xbf: {  	s30 =	sld [smem:$0x0];
	_ =	sdelay $0x2  }
0xc0: {  	s31 =	sshll.u32 s1, $0xD;
	s1 =	sshrl.u32 s1, $0x2  }
0xc1: {  	s3 =	sand.u32 $0x4000, s31;
	s1 =	sadd.s32 s1, s30  }
0xc2: {  	s0 =	sor.u32 s3, s0;
	s1 =	sshll.u32 s1, $0x11  }
0xc3: {  	s0 =	sor.u32 s1, s0  }
0xc4: {  	s0 =	sadd.s32 $0x8F2B, s0  }
0xc5: {  	[sflag:s0] =	ssyncadd.remote.s32 $0x1  }
0xc6: {  	_ =	sfence.sel $0xFFFF  }
0xc7: {  	[dreg:$0x0] =	wrdreg $0xFFFFFFFF;
	(pc) =	sbr.abs _section_cstart, $3  }
0xc8: {  	[dreg:$0x1] =	wrdreg $0xFFFFFFFF  }
0xc9: {  	_ =	task.clear_ibuf [dreg:s8], $0x2FFFF;
	_ =	strace $0x9FFFFFFF  }
0xca: {  	(tm) =	ssettm $0x7FFFFFFF  }
0xcb: {  	_ =	shalt  }
tec
execute0_lowered:
.L_overlay_start_1:
0x0: {  	(tag) =	ssettag $0x1  }
0x1: {  	s0 =	rddreg [dreg:$0x0]  }
0x2: {  	s6 =	rddreg [dreg:$0x1]  }
0x3: {  	s3 =	rddreg [dreg:$0x2];
	s1 =	srdreg.scid  }
0x4: {  	s4 =	rddreg [dreg:$0x3];
	s2 =	stileid.u32  }
0x5: {  	s5 =	simm.s32 $0x0;
	s14 =	simm.s32 $0x40;
	s15 =	simm.s32 $0x5000  }
0x6: {  	s16 =	simm.s32 $0x1;
	s17 =	simm.s32 $0x7000;
	s18 =	simm.s32 $0x2740  }
0x7: {  	s19 =	simm.s32 $0x4F00;
	s20 =	simm.s32 $0x4F40;
	s21 =	simm.s32 $0x0  }
0x8: {  	s7 =	sand.u32 $0x1, s1;
	s1 =	rddreg [dreg:$0x4];
	s9 =	smul.u32 $0x2800, s2  }
0x9: {  	[smem:$0x7FF] =	sst s5;
	s30 =	smul.u32 $0x50000, s2;
	s11 =	sshll.u32 s2, $0x6  }
0xa: {  	s8 =	sshll.u32 s7, $0x4;
	s10 =	smul.u32 $0x28000, s7;
	s31 =	ssub.s32 $0x2, s7  }
0xb: {  	_ =	strace $0x80000047;
	s8 =	sor.u32 s2, s8;
	s7 =	sshrl.u32 s31, $0x1  }
0xc: {  	s8 =	smul.u32 $0x500, s8;
	s9 =	sadd.s32 s9, s10;
	s10 =	sshrl.u32 s30, $0x2  }
0xd: {  	s12 =	ssub.s32 s31, s7;
	s9 =	sadd.s32 s9, s6;
	s13 =	sadd.s32 s10, s4  }
0xe: {  	s10 =	smax.u32 s12, $0x1;
	s12 =	simm.s32 $0x2;
	s8 =	sadd.s32 s8, s6  }
0xf: {  	s6 =	sor.u32 $0x1C02, s11;
	s9 =	sadd.s32 $0x23000, s9;
	s11 =	sshrl.u32 s13, $0x3  }
0x10: {  	s13 =	simm.s32 $0x2800;
	s7 =	sadd.s32 $0x19000, s8;
	s8 =	sadd.s32 $0x5200, s8  }
.LBB2_1:
0x11: {  	[spmem:s11], [sflag:s6] =	dma.local [hbm:s3], $0x2800  }
0x12: {  	_ =	swait.ge [sflag:s12], $0x2800  }
0x13: {  	[sflag:s12] =	ssyncset.done $0x0  }
0x14: {  	[sflag:s12] =	ssyncadd.s32 $0xFFFFD800  }
0x15: {  	[tilespmem:s5], [sflag:$0x2] =	stream.linear.gather [hbm4b:s7+s5], $0x2780, $0x38;
	[tilespmem:$0x1D000] =	vst v63  }
0x16: {  	_ =	swait.ge [sflag:s12], $0x2780  }
0x17: {  	[sflag:s12] =	ssyncset.done $0x0  }
0x18: {  	[sflag:s12] =	ssyncadd.s32 $0xFFFFD880  }
0x19: {  	[tilespmem:s13], [sflag:$0x2] =	stream.linear.gather [hbm4b:s8+s5], $0x2780, $0x38;
	[tilespmem:$0x1D000] =	vst v63  }
0x1a: {  	_ =	swait.ge [sflag:s12], $0x2780  }
0x1b: {  	[sflag:s12] =	ssyncset.done $0x0  }
0x1c: {  	[sflag:s12] =	ssyncadd.s32 $0xFFFFD880  }
0x1d: {  	[bflag:$0x0] =	sbarrier.arrive $0xFFFF  }
0x1e: {  	[tilespmem:s15], [sflag:$0x1] =	stream.indirect.gather [hbm4b:s0+s14], $0x80, s5, s14, $0xb8;
	[tilespmem:$0x1D000] =	vst v63  }
0x1f: {  	_ =	swait.ge [sflag:s16], $0x2000  }
0x20: {  	[sflag:s16] =	ssyncset.done $0x0  }
0x21: {  	s22 =	simm.s32 $0x40;
	[sflag:s16] =	ssyncadd.s32 $0xFFFFE000  }
0x22: {  	[tilespmem:s17], [sflag:$0x1] =	stream.indirect.gather [hbm4b:s0+s14], $0x80, s22, s14, $0xb8;
	[tilespmem:$0x1D000] =	vst v63  }
0x23: {  	s29 =	simm.s32 $0x2800  }
0x24: {  	[spmem:s4] =	stream.indirect.scatter.add.f32 [tilespmem:s15], [sflag:$0x2], $0x80, s29, s14, $0xb8;
	[tilespmem:$0x1D000] =	vst v63  }
0x25: {  	_ =	swait.ge [sflag:s12], $0x2000  }
0x26: {  	[sflag:s12] =	ssyncset.done $0x0  }
0x27: {  	[sflag:s12] =	ssyncadd.s32 $0xFFFFE000  }
0x28: {  	_ =	swait.ge [sflag:s16], $0x2000  }
0x29: {  	[sflag:s16] =	ssyncset.done $0x0  }
0x2a: {  	s30 =	simm.s32 $0x80;
	[sflag:s16] =	ssyncadd.s32 $0xFFFFE000  }
0x2b: {  	[tilespmem:s15], [sflag:$0x1] =	stream.indirect.gather [hbm4b:s0+s14], $0x80, s30, s14, $0xb8;
	[tilespmem:$0x1D000] =	vst v63  }
0x2c: {  	s31 =	simm.s32 $0x2840  }
0x2d: {  	[spmem:s4] =	stream.indirect.scatter.add.f32 [tilespmem:s17], [sflag:$0x2], $0x80, s31, s14, $0xb8;
	[tilespmem:$0x1D000] =	vst v63  }
0x2e: {  	_ =	swait.ge [sflag:s12], $0x2000  }
0x2f: {  	s22 =	simm.s32 $0x200;
	[sflag:s12] =	ssyncset.done $0x0  }
.LBB2_2:
0x30: {  	p0 =	sne.s32 s22, $0x9A00  }
0x31: {  	[sflag:s12] =	ssyncadd.s32 $0xFFFFE000;
	s23 =	smov.u32 s22;
	s22 =	sadd.s32 $0x200, s22  }
0x32: {  	_ = 	snop  }
0x33: {  	_ =	swait.ge [sflag:s16], $0x2000  }
0x34: {  	s23 =	sshra.s32 s23, $0x2;
	[sflag:s16] =	ssyncset.done $0x0  }
0x35: {  	s24 =	sadd.s32 $0x40, s23;
	[sflag:s16] =	ssyncadd.s32 $0xFFFFE000  }
0x36: {  	[tilespmem:s17], [sflag:$0x1] =	stream.indirect.gather [hbm4b:s0+s14], $0x80, s24, s14, $0xb8;
	[tilespmem:$0x1D000] =	vst v63  }
0x37: {  	s24 =	sadd.s32 $0x2800, s23  }
0x38: {  	[spmem:s4] =	stream.indirect.scatter.add.f32 [tilespmem:s15], [sflag:$0x2], $0x80, s24, s14, $0xb8;
	[tilespmem:$0x1D000] =	vst v63  }
0x39: {  	_ =	swait.ge [sflag:s12], $0x2000  }
0x3a: {  	[sflag:s12] =	ssyncset.done $0x0  }
0x3b: {  	[sflag:s12] =	ssyncadd.s32 $0xFFFFE000  }
0x3c: {  	_ =	swait.ge [sflag:s16], $0x2000  }
0x3d: {  	[sflag:s16] =	ssyncset.done $0x0  }
0x3e: {  	s24 =	sadd.s32 $0x80, s23;
	[sflag:s16] =	ssyncadd.s32 $0xFFFFE000  }
0x3f: {  	[tilespmem:s15], [sflag:$0x1] =	stream.indirect.gather [hbm4b:s0+s14], $0x80, s24, s14, $0xb8;
	[tilespmem:$0x1D000] =	vst v63  }
.Ltmp0:
0x40: {  	_ = 	snop;
	(pc) =	sbr.rel @p0 .LBB2_2-.Ltmp0, $4  }
0x41: {  	s23 =	sadd.s32 $0x2840, s23  }
0x42: {  	[spmem:s4] =	stream.indirect.scatter.add.f32 [tilespmem:s17], [sflag:$0x2], $0x80, s23, s14, $0xb8;
	[tilespmem:$0x1D000] =	vst v63  }
0x43: {  	_ =	swait.ge [sflag:s12], $0x2000  }
0x44: {  	[sflag:s12] =	ssyncset.done $0x0  }
0x45: {  	[sflag:s12] =	ssyncadd.s32 $0xFFFFE000  }
0x46: {  	_ =	swait.ge [sflag:s16], $0x2000  }
0x47: {  	[sflag:s16] =	ssyncset.done $0x0  }
0x48: {  	[sflag:s16] =	ssyncadd.s32 $0xFFFFE000  }
0x49: {  	[tilespmem:s17], [sflag:$0x1] =	stream.indirect.gather [hbm4b:s0+s14], $0x80, s18, s14, $0xb8;
	[tilespmem:$0x1D000] =	vst v63  }
0x4a: {  	_ = 	snop  }
0x4b: {  	[spmem:s4] =	stream.indirect.scatter.add.f32 [tilespmem:s15], [sflag:$0x2], $0x80, s19, s14, $0xb8;
	[tilespmem:$0x1D000] =	vst v63  }
0x4c: {  	_ =	swait.ge [sflag:s12], $0x2000  }
0x4d: {  	[sflag:s12] =	ssyncset.done $0x0  }
0x4e: {  	[sflag:s12] =	ssyncadd.s32 $0xFFFFE000  }
0x4f: {  	_ =	swait.ge [sflag:s16], $0x2000  }
0x50: {  	[sflag:s16] =	ssyncset.done $0x0  }
0x51: {  	[sflag:s16] =	ssyncadd.s32 $0xFFFFE000  }
0x52: {  	[tilespmem:s15], [sflag:$0x1] =	stream.indirect.gather [hbm4b:s0+s14], $0x80, s5, s14, $0xb8;
	[tilespmem:$0x1D000] =	vst v63  }
0x53: {  	_ = 	snop  }
0x54: {  	[spmem:s4] =	stream.indirect.scatter.add.f32 [tilespmem:s17], [sflag:$0x2], $0x80, s20, s14, $0xb8;
	[tilespmem:$0x1D000] =	vst v63  }
0x55: {  	_ =	swait.ge [sflag:s12], $0x2000  }
0x56: {  	[sflag:s12] =	ssyncset.done $0x0  }
0x57: {  	[sflag:s12] =	ssyncadd.s32 $0xFFFFE000  }
0x58: {  	_ =	swait.ge [sflag:s16], $0x2000  }
0x59: {  	s21 =	sadd.s32 $0x1, s21;
	[sflag:s16] =	ssyncset.done $0x0  }
0x5a: {  	p0 =	sne.s32 s21, s10;
	[sflag:s16] =	ssyncadd.s32 $0xFFFFE000  }
.Ltmp1:
0x5b: {  	[bflag:$0x0] =	sbarrier.arrive $0xFFFF;
	(pc) =	sbr.rel @p0 .LBB2_1-.Ltmp1, $4  }
0x5c: {  	[hbm:s9], [sflag:s6] =	dma.local [spmem:s11], $0x2800  }
0x5d: {  	_ =	swait.ge [sflag:s12], $0x2800  }
0x5e: {  	[sflag:s12] =	ssyncset.done $0x0  }
0x5f: {  	[sflag:s12] =	ssyncadd.s32 $0xFFFFD800  }
0x60: {  	_ =	sfence.sel $0x180000  }
0x61: {  	[bflag:$0x0] =	sbarrier.arrive $0xFFFF  }
0x62: {  	p0 =	sne.s32 s2, $0x0;
	_ =	strace $0x90000047  }
0x63: {  	s0 =	sadd.s32 @!p0 $0x100000, s1;
	[bflag:$0x2] =	sbarrier.arrive $0xFFFF  }
0x64: {  	[sflag:s0] =	ssyncadd.tile.s32 @!p0 $0x1;
	_ =	shalt  }
.Lfunc_end2:
_tile_overlayer_lowered:
.L_overlay_start_2:
0x65: {  	(tag) =	ssettag $0x2  }
0x66: {  	s0 =	rddreg [dreg:$0x0];
	s2 =	stileid.u32  }
0x67: {  	s1 =	rddreg [dreg:$0x1];
	p0 =	sne.s32 s2, $0x0  }
0x68: {  	s3 =	rddreg [dreg:$0x2];
	[bflag:$0x3] =	sbarrier.arrive $0xFFFF;
	s2 =	simm.s32 @!p0 $0x1C02  }
0x69: {  	[timem:s3], [sflag:s2] =	dma.local @!p0 [hbm:s0], s1  }
0x6a: {  	s0 =	simm.s32 @!p0 $0x2  }
0x6b: {  	_ =	swait.ge @!p0 [sflag:s0], s1  }
0x6c: {  	s1 =	ssub.s32 @!p0 $0x0, s1;
	[sflag:s0] =	ssyncset.done @!p0 $0x0  }
0x6d: {  	[sflag:s0] =	ssyncadd.s32 @!p0 s1  }
0x6e: {  	[bflag:$0x3] =	sbarrier.arrive $0xFFFF  }
0x6f: {  	_ =	shalt  }

// kernel: kernel.18.cloned.1.call-start
scs
__scs_entry_jumppad:
0x0: {  	(pc) =	sbr.rel $0x88, $3  }
0x1: {  	(tag) =	ssettag $0x0;
	lr =	simm.s32 $0x1  }
0x2: {  	[smem:$0x3F89] =	sst lr;
	_ =	strace $0xD0000000  }
0x3: {  	_ = 	snop  }
0x4: {  	_ = 	snop  }
0x5: {  	_ = 	snop  }
0x6: {  	_ = 	snop  }
0x7: {  	_ = 	snop  }
__scs_overlays_trampoline_lowered:
0x8: {  	[smem:$0x3F98] =	sst s0  }
0x9: {  	[smem:$0x3F99] =	sst s1  }
0xa: {  	[smem:$0x3F9A] =	sst s2  }
0xb: {  	[smem:$0x3F9B] =	sst s3  }
0xc: {  	[smem:$0x3F9C] =	sst s4  }
0xd: {  	[smem:$0x3F9D] =	sst s5  }
0xe: {  	[smem:$0x3F9E] =	sst s6  }
0xf: {  	[smem:$0x3F9F] =	sst s7  }
0x10: {  	[smem:$0x3FA0] =	sst s8  }
0x11: {  	[smem:$0x3FA1] =	sst s9;
	s0 =	simm.s32 @!p0 $0x0  }
0x12: {  	s1 =	sld [smem:$0x3F87];
	s0 =	simm.s32 @p0 $0x1  }
0x13: {  	[smem:$0x3FA2] =	sst s0;
	s0 =	simm.s32 @!p1 $0x0  }
0x14: {  	s2 =	sld [smem:$0x3F86];
	s0 =	simm.s32 @p1 $0x1  }
0x15: {  	[smem:$0x3FA3] =	sst s0;
	s0 =	simm.s32 @!p2 $0x0  }
0x16: {  	s3 =	sld [smem:$0x3FDB];
	s0 =	simm.s32 @p2 $0x1  }
0x17: {  	s4 =	simm.s32 $0x1BF5;
	[smem:$0x3FA5] =	sst s0  }
0x18: {  	s0 =	sld [smem:$0x3F88];
	_ =	swait.ge [sflag:s4], $0x0  }
0x19: {  	s7 =	sld [smem:$0x3F89]  }
0x1a: {  	s8 =	sadd.s32 $0xFFFFE003, lr  }
0x1b: {  	s9 =	sadd.s32 $0xFFFFFEF7, lr;
	s5 =	simm.s32 $0xFFFFFFFF;
	p2 =	slt.u32 s8, $0xFFFFF086  }
0x1c: {  	p1 =	slt.u32 s9, $0xF7A;
	s5 =	simm.s32 @!p2 $0x0  }
0x1d: {  	s5 =	simm.s32 @p1 $0x1;
	p0 =	seq.s32 s7, s2  }
0x1e: {  	s7 =	smul.u32 @!p0 $0xF7A, s2;
	p2 =	seq.s32 @!p0 s5, $0x0  }
0x1f: {  	s9 =	smul.u32 $0xF7A, s1;
	s8 =	simm.s32 @!p0 $0x1BF5;
	p2 =	por !p2, p0  }
0x20: {  	[sflag:s8] =	ssyncset.s32 @!p0 $0xFFFFF086;
	s6 =	sadd.s32 @!p0 s3, s7;
	s7 =	simm.s32 @!p0 $0x108  }
0x21: {  	s3 =	sadd.s32 s3, s9;
	s6 =	sadd.s32 @!p0 $0x88, s6;
	s7 =	simm.s32 @p2 $0x1082  }
0x22: {  	[simem:s7], [sflag:s8] =	dma.local @!p0 [hbm:s6], $0xF7A  }
0x23: {  	s9 =	sor.u32 $0xD0000000, s2;
	s6 =	simm.s32 $0x108;
	_ =	swait.ge @!p0 [sflag:s8], $0x0  }
0x24: {  	s3 =	sadd.s32 $0x88, s3;
	s6 =	simm.s32 @!p1 $0x1082;
	[sflag:s4] =	ssyncset.s32 $0xFFFFF086  }
0x25: {  	[simem:s6], [sflag:s4] =	dma.local [hbm:s3], $0xF7A  }
0x26: {  	[smem:$0x3F89] =	sst s1;
	(tag) =	ssettag s2;
	_ =	strace s9  }
0x27: {  	s1 =	sld [smem:$0x3F99]  }
0x28: {  	s2 =	sld [smem:$0x3F9A]  }
0x29: {  	s4 =	sld [smem:$0x3F9C]  }
0x2a: {  	p0 =	seq.s32 s5, $0x0;
	s5 =	sld [smem:$0x3F9D]  }
0x2b: {  	s6 =	sld [smem:$0x3F9E]  }
0x2c: {  	s7 =	sld [smem:$0x3F9F]  }
0x2d: {  	s3 =	simm.s32 $0x108;
	s8 =	sld [smem:$0x3FA0]  }
0x2e: {  	s3 =	simm.s32 @!p0 $0x1082;
	s9 =	sld [smem:$0x3FA1]  }
0x2f: {  	lr =	sadd.s32 s0, s3;
	s0 =	sld [smem:$0x3F98]  }
0x30: {  	s3 =	sld [smem:$0x3F9B]  }
0x31: {  	[smem:$0x3FA4] =	sst s10  }
0x32: {  	s10 =	sld [smem:$0x3FA2];
	_ =	sdelay $0x3  }
0x33: {  	p0 =	seq.s32 s10, $0x1;
	s10 =	sld [smem:$0x3FA4];
	_ =	sdelay $0x3  }
0x34: {  	[smem:$0x3FA4] =	sst s10  }
0x35: {  	s10 =	sld [smem:$0x3FA3];
	_ =	sdelay $0x3  }
0x36: {  	p1 =	seq.s32 s10, $0x1;
	s10 =	sld [smem:$0x3FA4];
	_ =	sdelay $0x3  }
0x37: {  	[smem:$0x3FA4] =	sst s10  }
0x38: {  	s10 =	sld [smem:$0x3FA5]  }
0x39: {  	_ = 	snop;
	(pc) =	sbr.ind lr, $3  }
0x3a: {  	_ = 	snop  }
0x3b: {  	_ = 	snop  }
0x3c: {  	p2 =	seq.s32 s10, $0x1;
	s10 =	sld [smem:$0x3FA4]  }
0x3d: {  	_ =	shalt  }
0x3e: {  	_ =	shalt  }
0x3f: {  	_ =	shalt  }
0x40: {  	_ =	shalt  }
0x41: {  	_ =	shalt  }
0x42: {  	_ =	shalt  }
0x43: {  	_ =	shalt  }
0x44: {  	_ =	shalt  }
0x45: {  	_ =	shalt  }
0x46: {  	_ =	shalt  }
0x47: {  	_ =	shalt  }
0x48: {  	_ =	shalt  }
0x49: {  	_ =	shalt  }
0x4a: {  	_ =	shalt  }
0x4b: {  	_ =	shalt  }
0x4c: {  	_ =	shalt  }
0x4d: {  	_ =	shalt  }
0x4e: {  	_ =	shalt  }
0x4f: {  	_ =	shalt  }
0x50: {  	_ =	shalt  }
0x51: {  	_ =	shalt  }
0x52: {  	_ =	shalt  }
0x53: {  	_ =	shalt  }
0x54: {  	_ =	shalt  }
0x55: {  	_ =	shalt  }
0x56: {  	_ =	shalt  }
0x57: {  	_ =	shalt  }
0x58: {  	_ =	shalt  }
0x59: {  	_ =	shalt  }
0x5a: {  	_ =	shalt  }
0x5b: {  	_ =	shalt  }
0x5c: {  	_ =	shalt  }
0x5d: {  	_ =	shalt  }
0x5e: {  	_ =	shalt  }
0x5f: {  	_ =	shalt  }
0x60: {  	_ =	shalt  }
0x61: {  	_ =	shalt  }
0x62: {  	_ =	shalt  }
0x63: {  	_ =	shalt  }
0x64: {  	_ =	shalt  }
0x65: {  	_ =	shalt  }
0x66: {  	_ =	shalt  }
0x67: {  	_ =	shalt  }
0x68: {  	_ =	shalt  }
0x69: {  	_ =	shalt  }
0x6a: {  	_ =	shalt  }
0x6b: {  	_ =	shalt  }
0x6c: {  	_ =	shalt  }
0x6d: {  	_ =	shalt  }
0x6e: {  	_ =	shalt  }
0x6f: {  	_ =	shalt  }
0x70: {  	_ =	shalt  }
0x71: {  	_ =	shalt  }
0x72: {  	_ =	shalt  }
0x73: {  	_ =	shalt  }
0x74: {  	_ =	shalt  }
0x75: {  	_ =	shalt  }
0x76: {  	_ =	shalt  }
0x77: {  	_ =	shalt  }
0x78: {  	_ =	shalt  }
0x79: {  	_ =	shalt  }
0x7a: {  	_ =	shalt  }
0x7b: {  	_ =	shalt  }
0x7c: {  	_ =	shalt  }
0x7d: {  	_ =	shalt  }
0x7e: {  	_ =	shalt  }
0x7f: {  	_ =	shalt  }
0x80: {  	_ =	shalt  }
0x81: {  	_ =	shalt  }
0x82: {  	_ =	shalt  }
0x83: {  	_ =	shalt  }
0x84: {  	_ =	shalt  }
0x85: {  	_ =	shalt  }
0x86: {  	_ =	shalt  }
0x87: {  	_ =	shalt  }
.Lfunc_end0:
.L_simem_size_0:
called_computation.2_lowered:
.L_overlay_start_0:
0x88: {  	s2 =	sld [smem:$0x3FD9]  }
0x89: {  	s3 =	sld [smem:$0x3FFE];
	_ =	sdelay $0x1  }
0x8a: {  	s1 =	srdreg.scid  }
0x8b: {  	s0 =	sand.u32 $0x1, s1  }
0x8c: {  	s14 =	sshll.u32 s0, $0xA;
	s2 =	sadd.s32 s3, s2  }
0x8d: {  	s2 =	sadd.s32 s2, s14  }
0x8e: {  	[smem:$0x3FB0] =	sst s2  }
0x8f: {  	_ = 	snop  }
0x90: {  	s2 =	sld [smem:$0x3FD0];
	_ =	sdelay $0x2  }
0x91: {  	s15 =	simm.s32 $0xB;
	s4 =	simm.s32 $0x10  }
0x92: {  	[smem:s4], [sflag:s15] =	dma.local [hbm:s2], $0x1  }
0x93: {  	_ =	swait.eq [sflag:s15], $0x1  }
0x94: {  	[sflag:s15] =	ssyncset.done $0x0  }
0x95: {  	s16 =	sld [smem:$0x10];
	[sflag:s15] =	ssyncadd.s32 $0xFFFFFFFF  }
0x96: {  	s17 =	sld [smem:$0x11];
	(tm) =	ssettm $0x1  }
0x97: {  	s18 =	sld [smem:$0x3FFB];
	_ =	sdelay $0x3  }
0x98: {  	_ =	strace s18  }
0x99: {  	s4 =	sld [smem:$0x3FFC];
	_ =	sdelay $0x3  }
0x9a: {  	_ =	strace s4  }
0x9b: {  	s4 =	sld [smem:$0x3FFD];
	_ =	sdelay $0x3  }
0x9c: {  	_ =	strace s4  }
0x9d: {  	_ =	strace $0x8FFFFFFF  }
0x9e: {  	s19 =	sld [smem:$0x3FDB];
	_ =	sdelay $0x1  }
0x9f: {  	s5 =	simm.s32 $_scs_section_size  }
0xa0: {  	s6 =	simm.s32 $_size__tile_overlayer_lowered;
	s7 =	simm.s32 $_tile_overlayer_lowered  }
0xa1: {  	s22 =	simm.s32 $0x1BFF;
	s21 =	sshll.u32 s7, $0x1;
	s4 =	sadd.s32 s5, s19  }
0xa2: {  	s8 =	simm.s32 $0x0;
	s20 =	sshll.u32 s6, $0x1;
	s6 =	sadd.s32 s21, s4  }
0xa3: {  	[timem:s8], [sflag:s22] =	dma.local [hbm:s6], s20  }
0xa4: {  	_ =	swait.ge [sflag:s22], s20  }
0xa5: {  	s5 =	ssub.s32 $0x0, s20;
	[sflag:s22] =	ssyncset.done $0x0  }
0xa6: {  	[sflag:s22] =	ssyncadd.s32 s5;
	_ =	sdelay $0x1  }
0xa7: {  	s23 =	simm.s32 $0x1B8B  }
0xa8: {  	_ =	swait.ge [sflag:s23], $0x1  }
0xa9: {  	[sflag:s23] =	ssyncset.done $0x0  }
0xaa: {  	s25 =	simm.s32 $0x1B8E;
	s24 =	sld [smem:$0x3FFE];
	[sflag:s23] =	ssyncadd.s32 $0xFFFFFFFF  }
0xab: {  	s26 =	simm.s32 $execute0_lowered;
	[smem:$0x3FD2] =	sst s25  }
0xac: {  	s6 =	sshll.u32 s26, $0x1;
	_ =	strace $0x8000004C;
	[dreg:$0x1] =	wrdreg $0xFFFFFFFF  }
0xad: {  	s28 =	simm.s32 $_size_execute0_lowered;
	s4 =	sadd.s32 s4, s6;
	[dreg:$0x0] =	wrdreg $0x0  }
0xae: {  	s6 =	sshll.u32 s28, $0x1;
	[dreg:$0x2] =	wrdreg s4  }
0xaf: {  	[dreg:$0x3] =	wrdreg s6  }
0xb0: {  	[dreg:$0x4] =	wrdreg $0xC0  }
0xb1: {  	_ =	task [dreg:s8], $0x5FFFF  }
0xb2: {  	[dreg:$0x1] =	wrdreg $0xFFFFFFFF  }
0xb3: {  	[dreg:$0x0] =	wrdreg $0x60  }
0xb4: {  	[dreg:$0x2] =	wrdreg s16  }
0xb5: {  	[dreg:$0x3] =	wrdreg s24  }
0xb6: {  	[dreg:$0x4] =	wrdreg s17  }
0xb7: {  	[dreg:$0x5] =	wrdreg $0x90000  }
0xb8: {  	[dreg:$0x6] =	wrdreg $0x9  }
0xb9: {  	_ =	task.clear_ibuf [dreg:s8], $0x7FFFF;
	_ =	strace $0x9000004C  }
0xba: {  	s29 =	simm.s32 $0x9;
	_ =	strace $0x8000004E  }
0xbb: {  	_ =	swait.ge [sflag:s29], $0x1  }
0xbc: {  	[sflag:s29] =	ssyncadd.s32 $0xFFFFFFFF  }
0xbd: {  	_ =	strace $0x9000004E  }
0xbe: {  	_ =	sfence  }
0xbf: {  	s30 =	sld [smem:$0x0];
	_ =	sdelay $0x2  }
0xc0: {  	s31 =	sshll.u32 s1, $0xD;
	s1 =	sshrl.u32 s1, $0x2  }
0xc1: {  	s3 =	sand.u32 $0x4000, s31;
	s1 =	sadd.s32 s1, s30  }
0xc2: {  	s0 =	sor.u32 s3, s0;
	s1 =	sshll.u32 s1, $0x11  }
0xc3: {  	s0 =	sor.u32 s1, s0  }
0xc4: {  	s0 =	sadd.s32 $0x8F2B, s0  }
0xc5: {  	[sflag:s0] =	ssyncadd.remote.s32 $0x1  }
0xc6: {  	_ =	sfence.sel $0xFFFF  }
0xc7: {  	[dreg:$0x0] =	wrdreg $0xFFFFFFFF;
	(pc) =	sbr.abs _section_cstart, $3  }
0xc8: {  	[dreg:$0x1] =	wrdreg $0xFFFFFFFF  }
0xc9: {  	_ =	task.clear_ibuf [dreg:s8], $0x2FFFF;
	_ =	strace $0x9FFFFFFF  }
0xca: {  	(tm) =	ssettm $0x7FFFFFFF  }
0xcb: {  	_ =	shalt  }
tec
execute0_lowered:
.L_overlay_start_1:
0x0: {  	(tag) =	ssettag $0x1  }
0x1: {  	s0 =	rddreg [dreg:$0x0]  }
0x2: {  	s6 =	rddreg [dreg:$0x1]  }
0x3: {  	s3 =	rddreg [dreg:$0x2];
	s1 =	srdreg.scid  }
0x4: {  	s4 =	rddreg [dreg:$0x3];
	s2 =	stileid.u32  }
0x5: {  	s5 =	simm.s32 $0x0;
	s14 =	simm.s32 $0x40;
	s15 =	simm.s32 $0x5000  }
0x6: {  	s16 =	simm.s32 $0x1;
	s17 =	simm.s32 $0x7000;
	s18 =	simm.s32 $0x2740  }
0x7: {  	s19 =	simm.s32 $0x4F00;
	s20 =	simm.s32 $0x4F40;
	s21 =	simm.s32 $0x0  }
0x8: {  	s7 =	sand.u32 $0x1, s1;
	s1 =	rddreg [dreg:$0x4];
	s9 =	smul.u32 $0x2800, s2  }
0x9: {  	[smem:$0x7FF] =	sst s5;
	s30 =	smul.u32 $0x50000, s2;
	s11 =	sshll.u32 s2, $0x6  }
0xa: {  	s8 =	sshll.u32 s7, $0x4;
	s10 =	smul.u32 $0x28000, s7;
	s31 =	ssub.s32 $0x2, s7  }
0xb: {  	_ =	strace $0x8000004D;
	s8 =	sor.u32 s2, s8;
	s7 =	sshrl.u32 s31, $0x1  }
0xc: {  	s8 =	smul.u32 $0x500, s8;
	s9 =	sadd.s32 s9, s10;
	s10 =	sshrl.u32 s30, $0x2  }
0xd: {  	s12 =	ssub.s32 s31, s7;
	s9 =	sadd.s32 s9, s6;
	s13 =	sadd.s32 s10, s4  }
0xe: {  	s10 =	smax.u32 s12, $0x1;
	s12 =	simm.s32 $0x2;
	s8 =	sadd.s32 s8, s6  }
0xf: {  	s6 =	sor.u32 $0x1C02, s11;
	s9 =	sadd.s32 $0x23000, s9;
	s11 =	sshrl.u32 s13, $0x3  }
0x10: {  	s13 =	simm.s32 $0x2800;
	s7 =	sadd.s32 $0x19000, s8;
	s8 =	sadd.s32 $0x5200, s8  }
.LBB2_1:
0x11: {  	[spmem:s11], [sflag:s6] =	dma.local [hbm:s3], $0x2800  }
0x12: {  	_ =	swait.ge [sflag:s12], $0x2800  }
0x13: {  	[sflag:s12] =	ssyncset.done $0x0  }
0x14: {  	[sflag:s12] =	ssyncadd.s32 $0xFFFFD800  }
0x15: {  	[tilespmem:s5], [sflag:$0x2] =	stream.linear.gather [hbm4b:s7+s5], $0x2780, $0x38;
	[tilespmem:$0x1D000] =	vst v63  }
0x16: {  	_ =	swait.ge [sflag:s12], $0x2780  }
0x17: {  	[sflag:s12] =	ssyncset.done $0x0  }
0x18: {  	[sflag:s12] =	ssyncadd.s32 $0xFFFFD880  }
0x19: {  	[tilespmem:s13], [sflag:$0x2] =	stream.linear.gather [hbm4b:s8+s5], $0x2780, $0x38;
	[tilespmem:$0x1D000] =	vst v63  }
0x1a: {  	_ =	swait.ge [sflag:s12], $0x2780  }
0x1b: {  	[sflag:s12] =	ssyncset.done $0x0  }
0x1c: {  	[sflag:s12] =	ssyncadd.s32 $0xFFFFD880  }
0x1d: {  	[bflag:$0x0] =	sbarrier.arrive $0xFFFF  }
0x1e: {  	[tilespmem:s15], [sflag:$0x1] =	stream.indirect.gather [hbm4b:s0+s14], $0x80, s5, s14, $0xb8;
	[tilespmem:$0x1D000] =	vst v63  }
0x1f: {  	_ =	swait.ge [sflag:s16], $0x2000  }
0x20: {  	[sflag:s16] =	ssyncset.done $0x0  }
0x21: {  	s22 =	simm.s32 $0x40;
	[sflag:s16] =	ssyncadd.s32 $0xFFFFE000  }
0x22: {  	[tilespmem:s17], [sflag:$0x1] =	stream.indirect.gather [hbm4b:s0+s14], $0x80, s22, s14, $0xb8;
	[tilespmem:$0x1D000] =	vst v63  }
0x23: {  	s29 =	simm.s32 $0x2800  }
0x24: {  	[spmem:s4] =	stream.indirect.scatter.add.f32 [tilespmem:s15], [sflag:$0x2], $0x80, s29, s14, $0xb8;
	[tilespmem:$0x1D000] =	vst v63  }
0x25: {  	_ =	swait.ge [sflag:s12], $0x2000  }
0x26: {  	[sflag:s12] =	ssyncset.done $0x0  }
0x27: {  	[sflag:s12] =	ssyncadd.s32 $0xFFFFE000  }
0x28: {  	_ =	swait.ge [sflag:s16], $0x2000  }
0x29: {  	[sflag:s16] =	ssyncset.done $0x0  }
0x2a: {  	s30 =	simm.s32 $0x80;
	[sflag:s16] =	ssyncadd.s32 $0xFFFFE000  }
0x2b: {  	[tilespmem:s15], [sflag:$0x1] =	stream.indirect.gather [hbm4b:s0+s14], $0x80, s30, s14, $0xb8;
	[tilespmem:$0x1D000] =	vst v63  }
0x2c: {  	s31 =	simm.s32 $0x2840  }
0x2d: {  	[spmem:s4] =	stream.indirect.scatter.add.f32 [tilespmem:s17], [sflag:$0x2], $0x80, s31, s14, $0xb8;
	[tilespmem:$0x1D000] =	vst v63  }
0x2e: {  	_ =	swait.ge [sflag:s12], $0x2000  }
0x2f: {  	s22 =	simm.s32 $0x200;
	[sflag:s12] =	ssyncset.done $0x0  }
.LBB2_2:
0x30: {  	p0 =	sne.s32 s22, $0x9A00  }
0x31: {  	[sflag:s12] =	ssyncadd.s32 $0xFFFFE000;
	s23 =	smov.u32 s22;
	s22 =	sadd.s32 $0x200, s22  }
0x32: {  	_ = 	snop  }
0x33: {  	_ =	swait.ge [sflag:s16], $0x2000  }
0x34: {  	s23 =	sshra.s32 s23, $0x2;
	[sflag:s16] =	ssyncset.done $0x0  }
0x35: {  	s24 =	sadd.s32 $0x40, s23;
	[sflag:s16] =	ssyncadd.s32 $0xFFFFE000  }
0x36: {  	[tilespmem:s17], [sflag:$0x1] =	stream.indirect.gather [hbm4b:s0+s14], $0x80, s24, s14, $0xb8;
	[tilespmem:$0x1D000] =	vst v63  }
0x37: {  	s24 =	sadd.s32 $0x2800, s23  }
0x38: {  	[spmem:s4] =	stream.indirect.scatter.add.f32 [tilespmem:s15], [sflag:$0x2], $0x80, s24, s14, $0xb8;
	[tilespmem:$0x1D000] =	vst v63  }
0x39: {  	_ =	swait.ge [sflag:s12], $0x2000  }
0x3a: {  	[sflag:s12] =	ssyncset.done $0x0  }
0x3b: {  	[sflag:s12] =	ssyncadd.s32 $0xFFFFE000  }
0x3c: {  	_ =	swait.ge [sflag:s16], $0x2000  }
0x3d: {  	[sflag:s16] =	ssyncset.done $0x0  }
0x3e: {  	s24 =	sadd.s32 $0x80, s23;
	[sflag:s16] =	ssyncadd.s32 $0xFFFFE000  }
0x3f: {  	[tilespmem:s15], [sflag:$0x1] =	stream.indirect.gather [hbm4b:s0+s14], $0x80, s24, s14, $0xb8;
	[tilespmem:$0x1D000] =	vst v63  }
.Ltmp0:
0x40: {  	_ = 	snop;
	(pc) =	sbr.rel @p0 .LBB2_2-.Ltmp0, $4  }
0x41: {  	s23 =	sadd.s32 $0x2840, s23  }
0x42: {  	[spmem:s4] =	stream.indirect.scatter.add.f32 [tilespmem:s17], [sflag:$0x2], $0x80, s23, s14, $0xb8;
	[tilespmem:$0x1D000] =	vst v63  }
0x43: {  	_ =	swait.ge [sflag:s12], $0x2000  }
0x44: {  	[sflag:s12] =	ssyncset.done $0x0  }
0x45: {  	[sflag:s12] =	ssyncadd.s32 $0xFFFFE000  }
0x46: {  	_ =	swait.ge [sflag:s16], $0x2000  }
0x47: {  	[sflag:s16] =	ssyncset.done $0x0  }
0x48: {  	[sflag:s16] =	ssyncadd.s32 $0xFFFFE000  }
0x49: {  	[tilespmem:s17], [sflag:$0x1] =	stream.indirect.gather [hbm4b:s0+s14], $0x80, s18, s14, $0xb8;
	[tilespmem:$0x1D000] =	vst v63  }
0x4a: {  	_ = 	snop  }
0x4b: {  	[spmem:s4] =	stream.indirect.scatter.add.f32 [tilespmem:s15], [sflag:$0x2], $0x80, s19, s14, $0xb8;
	[tilespmem:$0x1D000] =	vst v63  }
0x4c: {  	_ =	swait.ge [sflag:s12], $0x2000  }
0x4d: {  	[sflag:s12] =	ssyncset.done $0x0  }
0x4e: {  	[sflag:s12] =	ssyncadd.s32 $0xFFFFE000  }
0x4f: {  	_ =	swait.ge [sflag:s16], $0x2000  }
0x50: {  	[sflag:s16] =	ssyncset.done $0x0  }
0x51: {  	[sflag:s16] =	ssyncadd.s32 $0xFFFFE000  }
0x52: {  	[tilespmem:s15], [sflag:$0x1] =	stream.indirect.gather [hbm4b:s0+s14], $0x80, s5, s14, $0xb8;
	[tilespmem:$0x1D000] =	vst v63  }
0x53: {  	_ = 	snop  }
0x54: {  	[spmem:s4] =	stream.indirect.scatter.add.f32 [tilespmem:s17], [sflag:$0x2], $0x80, s20, s14, $0xb8;
	[tilespmem:$0x1D000] =	vst v63  }
0x55: {  	_ =	swait.ge [sflag:s12], $0x2000  }
0x56: {  	[sflag:s12] =	ssyncset.done $0x0  }
0x57: {  	[sflag:s12] =	ssyncadd.s32 $0xFFFFE000  }
0x58: {  	_ =	swait.ge [sflag:s16], $0x2000  }
0x59: {  	s21 =	sadd.s32 $0x1, s21;
	[sflag:s16] =	ssyncset.done $0x0  }
0x5a: {  	p0 =	sne.s32 s21, s10;
	[sflag:s16] =	ssyncadd.s32 $0xFFFFE000  }
.Ltmp1:
0x5b: {  	[bflag:$0x0] =	sbarrier.arrive $0xFFFF;
	(pc) =	sbr.rel @p0 .LBB2_1-.Ltmp1, $4  }
0x5c: {  	[hbm:s9], [sflag:s6] =	dma.local [spmem:s11], $0x2800  }
0x5d: {  	_ =	swait.ge [sflag:s12], $0x2800  }
0x5e: {  	[sflag:s12] =	ssyncset.done $0x0  }
0x5f: {  	[sflag:s12] =	ssyncadd.s32 $0xFFFFD800  }
0x60: {  	_ =	sfence.sel $0x180000  }
0x61: {  	[bflag:$0x0] =	sbarrier.arrive $0xFFFF  }
0x62: {  	p0 =	sne.s32 s2, $0x0;
	_ =	strace $0x9000004D  }
0x63: {  	s0 =	sadd.s32 @!p0 $0x100000, s1;
	[bflag:$0x2] =	sbarrier.arrive $0xFFFF  }
0x64: {  	[sflag:s0] =	ssyncadd.tile.s32 @!p0 $0x1;
	_ =	shalt  }
.Lfunc_end2:
_tile_overlayer_lowered:
.L_overlay_start_2:
0x65: {  	(tag) =	ssettag $0x2  }
0x66: {  	s0 =	rddreg [dreg:$0x0];
	s2 =	stileid.u32  }
0x67: {  	s1 =	rddreg [dreg:$0x1];
	p0 =	sne.s32 s2, $0x0  }
0x68: {  	s3 =	rddreg [dreg:$0x2];
	[bflag:$0x3] =	sbarrier.arrive $0xFFFF;
	s2 =	simm.s32 @!p0 $0x1C02  }
0x69: {  	[timem:s3], [sflag:s2] =	dma.local @!p0 [hbm:s0], s1  }
0x6a: {  	s0 =	simm.s32 @!p0 $0x2  }
0x6b: {  	_ =	swait.ge @!p0 [sflag:s0], s1  }
0x6c: {  	s1 =	ssub.s32 @!p0 $0x0, s1;
	[sflag:s0] =	ssyncset.done @!p0 $0x0  }
0x6d: {  	[sflag:s0] =	ssyncadd.s32 @!p0 s1  }
0x6e: {  	[bflag:$0x3] =	sbarrier.arrive $0xFFFF  }
0x6f: {  	_ =	shalt  }

// kernel: kernel.21.cloned.1.call-start
scs
__scs_entry_jumppad:
0x0: {  	(pc) =	sbr.rel $0x88, $3  }
0x1: {  	(tag) =	ssettag $0x0;
	lr =	simm.s32 $0x1  }
0x2: {  	[smem:$0x3F89] =	sst lr;
	_ =	strace $0xD0000000  }
0x3: {  	_ = 	snop  }
0x4: {  	_ = 	snop  }
0x5: {  	_ = 	snop  }
0x6: {  	_ = 	snop  }
0x7: {  	_ = 	snop  }
__scs_overlays_trampoline_lowered:
0x8: {  	[smem:$0x3F98] =	sst s0  }
0x9: {  	[smem:$0x3F99] =	sst s1  }
0xa: {  	[smem:$0x3F9A] =	sst s2  }
0xb: {  	[smem:$0x3F9B] =	sst s3  }
0xc: {  	[smem:$0x3F9C] =	sst s4  }
0xd: {  	[smem:$0x3F9D] =	sst s5  }
0xe: {  	[smem:$0x3F9E] =	sst s6  }
0xf: {  	[smem:$0x3F9F] =	sst s7  }
0x10: {  	[smem:$0x3FA0] =	sst s8  }
0x11: {  	[smem:$0x3FA1] =	sst s9;
	s0 =	simm.s32 @!p0 $0x0  }
0x12: {  	s1 =	sld [smem:$0x3F87];
	s0 =	simm.s32 @p0 $0x1  }
0x13: {  	[smem:$0x3FA2] =	sst s0;
	s0 =	simm.s32 @!p1 $0x0  }
0x14: {  	s2 =	sld [smem:$0x3F86];
	s0 =	simm.s32 @p1 $0x1  }
0x15: {  	[smem:$0x3FA3] =	sst s0;
	s0 =	simm.s32 @!p2 $0x0  }
0x16: {  	s3 =	sld [smem:$0x3FDB];
	s0 =	simm.s32 @p2 $0x1  }
0x17: {  	s4 =	simm.s32 $0x1BF5;
	[smem:$0x3FA5] =	sst s0  }
0x18: {  	s0 =	sld [smem:$0x3F88];
	_ =	swait.ge [sflag:s4], $0x0  }
0x19: {  	s7 =	sld [smem:$0x3F89]  }
0x1a: {  	s8 =	sadd.s32 $0xFFFFE003, lr  }
0x1b: {  	s9 =	sadd.s32 $0xFFFFFEF7, lr;
	s5 =	simm.s32 $0xFFFFFFFF;
	p2 =	slt.u32 s8, $0xFFFFF086  }
0x1c: {  	p1 =	slt.u32 s9, $0xF7A;
	s5 =	simm.s32 @!p2 $0x0  }
0x1d: {  	s5 =	simm.s32 @p1 $0x1;
	p0 =	seq.s32 s7, s2  }
0x1e: {  	s7 =	smul.u32 @!p0 $0xF7A, s2;
	p2 =	seq.s32 @!p0 s5, $0x0  }
0x1f: {  	s9 =	smul.u32 $0xF7A, s1;
	s8 =	simm.s32 @!p0 $0x1BF5;
	p2 =	por !p2, p0  }
0x20: {  	[sflag:s8] =	ssyncset.s32 @!p0 $0xFFFFF086;
	s6 =	sadd.s32 @!p0 s3, s7;
	s7 =	simm.s32 @!p0 $0x108  }
0x21: {  	s3 =	sadd.s32 s3, s9;
	s6 =	sadd.s32 @!p0 $0x88, s6;
	s7 =	simm.s32 @p2 $0x1082  }
0x22: {  	[simem:s7], [sflag:s8] =	dma.local @!p0 [hbm:s6], $0xF7A  }
0x23: {  	s9 =	sor.u32 $0xD0000000, s2;
	s6 =	simm.s32 $0x108;
	_ =	swait.ge @!p0 [sflag:s8], $0x0  }
0x24: {  	s3 =	sadd.s32 $0x88, s3;
	s6 =	simm.s32 @!p1 $0x1082;
	[sflag:s4] =	ssyncset.s32 $0xFFFFF086  }
0x25: {  	[simem:s6], [sflag:s4] =	dma.local [hbm:s3], $0xF7A  }
0x26: {  	[smem:$0x3F89] =	sst s1;
	(tag) =	ssettag s2;
	_ =	strace s9  }
0x27: {  	s1 =	sld [smem:$0x3F99]  }
0x28: {  	s2 =	sld [smem:$0x3F9A]  }
0x29: {  	s4 =	sld [smem:$0x3F9C]  }
0x2a: {  	p0 =	seq.s32 s5, $0x0;
	s5 =	sld [smem:$0x3F9D]  }
0x2b: {  	s6 =	sld [smem:$0x3F9E]  }
0x2c: {  	s7 =	sld [smem:$0x3F9F]  }
0x2d: {  	s3 =	simm.s32 $0x108;
	s8 =	sld [smem:$0x3FA0]  }
0x2e: {  	s3 =	simm.s32 @!p0 $0x1082;
	s9 =	sld [smem:$0x3FA1]  }
0x2f: {  	lr =	sadd.s32 s0, s3;
	s0 =	sld [smem:$0x3F98]  }
0x30: {  	s3 =	sld [smem:$0x3F9B]  }
0x31: {  	[smem:$0x3FA4] =	sst s10  }
0x32: {  	s10 =	sld [smem:$0x3FA2];
	_ =	sdelay $0x3  }
0x33: {  	p0 =	seq.s32 s10, $0x1;
	s10 =	sld [smem:$0x3FA4];
	_ =	sdelay $0x3  }
0x34: {  	[smem:$0x3FA4] =	sst s10  }
0x35: {  	s10 =	sld [smem:$0x3FA3];
	_ =	sdelay $0x3  }
0x36: {  	p1 =	seq.s32 s10, $0x1;
	s10 =	sld [smem:$0x3FA4];
	_ =	sdelay $0x3  }
0x37: {  	[smem:$0x3FA4] =	sst s10  }
0x38: {  	s10 =	sld [smem:$0x3FA5]  }
0x39: {  	_ = 	snop;
	(pc) =	sbr.ind lr, $3  }
0x3a: {  	_ = 	snop  }
0x3b: {  	_ = 	snop  }
0x3c: {  	p2 =	seq.s32 s10, $0x1;
	s10 =	sld [smem:$0x3FA4]  }
0x3d: {  	_ =	shalt  }
0x3e: {  	_ =	shalt  }
0x3f: {  	_ =	shalt  }
0x40: {  	_ =	shalt  }
0x41: {  	_ =	shalt  }
0x42: {  	_ =	shalt  }
0x43: {  	_ =	shalt  }
0x44: {  	_ =	shalt  }
0x45: {  	_ =	shalt  }
0x46: {  	_ =	shalt  }
0x47: {  	_ =	shalt  }
0x48: {  	_ =	shalt  }
0x49: {  	_ =	shalt  }
0x4a: {  	_ =	shalt  }
0x4b: {  	_ =	shalt  }
0x4c: {  	_ =	shalt  }
0x4d: {  	_ =	shalt  }
0x4e: {  	_ =	shalt  }
0x4f: {  	_ =	shalt  }
0x50: {  	_ =	shalt  }
0x51: {  	_ =	shalt  }
0x52: {  	_ =	shalt  }
0x53: {  	_ =	shalt  }
0x54: {  	_ =	shalt  }
0x55: {  	_ =	shalt  }
0x56: {  	_ =	shalt  }
0x57: {  	_ =	shalt  }
0x58: {  	_ =	shalt  }
0x59: {  	_ =	shalt  }
0x5a: {  	_ =	shalt  }
0x5b: {  	_ =	shalt  }
0x5c: {  	_ =	shalt  }
0x5d: {  	_ =	shalt  }
0x5e: {  	_ =	shalt  }
0x5f: {  	_ =	shalt  }
0x60: {  	_ =	shalt  }
0x61: {  	_ =	shalt  }
0x62: {  	_ =	shalt  }
0x63: {  	_ =	shalt  }
0x64: {  	_ =	shalt  }
0x65: {  	_ =	shalt  }
0x66: {  	_ =	shalt  }
0x67: {  	_ =	shalt  }
0x68: {  	_ =	shalt  }
0x69: {  	_ =	shalt  }
0x6a: {  	_ =	shalt  }
0x6b: {  	_ =	shalt  }
0x6c: {  	_ =	shalt  }
0x6d: {  	_ =	shalt  }
0x6e: {  	_ =	shalt  }
0x6f: {  	_ =	shalt  }
0x70: {  	_ =	shalt  }
0x71: {  	_ =	shalt  }
0x72: {  	_ =	shalt  }
0x73: {  	_ =	shalt  }
0x74: {  	_ =	shalt  }
0x75: {  	_ =	shalt  }
0x76: {  	_ =	shalt  }
0x77: {  	_ =	shalt  }
0x78: {  	_ =	shalt  }
0x79: {  	_ =	shalt  }
0x7a: {  	_ =	shalt  }
0x7b: {  	_ =	shalt  }
0x7c: {  	_ =	shalt  }
0x7d: {  	_ =	shalt  }
0x7e: {  	_ =	shalt  }
0x7f: {  	_ =	shalt  }
0x80: {  	_ =	shalt  }
0x81: {  	_ =	shalt  }
0x82: {  	_ =	shalt  }
0x83: {  	_ =	shalt  }
0x84: {  	_ =	shalt  }
0x85: {  	_ =	shalt  }
0x86: {  	_ =	shalt  }
0x87: {  	_ =	shalt  }
.Lfunc_end0:
.L_simem_size_0:
called_computation.3_lowered:
.L_overlay_start_0:
0x88: {  	s2 =	sld [smem:$0x3FD9]  }
0x89: {  	s3 =	sld [smem:$0x3FFE];
	_ =	sdelay $0x1  }
0x8a: {  	s1 =	srdreg.scid  }
0x8b: {  	s0 =	sand.u32 $0x1, s1  }
0x8c: {  	s14 =	sshll.u32 s0, $0xA;
	s2 =	sadd.s32 s3, s2  }
0x8d: {  	s2 =	sadd.s32 s2, s14  }
0x8e: {  	[smem:$0x3FB0] =	sst s2  }
0x8f: {  	_ = 	snop  }
0x90: {  	s2 =	sld [smem:$0x3FD0];
	_ =	sdelay $0x2  }
0x91: {  	s15 =	simm.s32 $0xB;
	s4 =	simm.s32 $0x10  }
0x92: {  	[smem:s4], [sflag:s15] =	dma.local [hbm:s2], $0x1  }
0x93: {  	_ =	swait.eq [sflag:s15], $0x1  }
0x94: {  	[sflag:s15] =	ssyncset.done $0x0  }
0x95: {  	s16 =	sld [smem:$0x10];
	[sflag:s15] =	ssyncadd.s32 $0xFFFFFFFF  }
0x96: {  	s17 =	sld [smem:$0x11];
	(tm) =	ssettm $0x1  }
0x97: {  	s18 =	sld [smem:$0x3FFB];
	_ =	sdelay $0x3  }
0x98: {  	_ =	strace s18  }
0x99: {  	s4 =	sld [smem:$0x3FFC];
	_ =	sdelay $0x3  }
0x9a: {  	_ =	strace s4  }
0x9b: {  	s4 =	sld [smem:$0x3FFD];
	_ =	sdelay $0x3  }
0x9c: {  	_ =	strace s4  }
0x9d: {  	_ =	strace $0x8FFFFFFF  }
0x9e: {  	s19 =	sld [smem:$0x3FDB];
	_ =	sdelay $0x1  }
0x9f: {  	s5 =	simm.s32 $_scs_section_size  }
0xa0: {  	s6 =	simm.s32 $_size__tile_overlayer_lowered;
	s7 =	simm.s32 $_tile_overlayer_lowered  }
0xa1: {  	s22 =	simm.s32 $0x1BFF;
	s21 =	sshll.u32 s7, $0x1;
	s4 =	sadd.s32 s5, s19  }
0xa2: {  	s8 =	simm.s32 $0x0;
	s20 =	sshll.u32 s6, $0x1;
	s6 =	sadd.s32 s21, s4  }
0xa3: {  	[timem:s8], [sflag:s22] =	dma.local [hbm:s6], s20  }
0xa4: {  	_ =	swait.ge [sflag:s22], s20  }
0xa5: {  	s5 =	ssub.s32 $0x0, s20;
	[sflag:s22] =	ssyncset.done $0x0  }
0xa6: {  	[sflag:s22] =	ssyncadd.s32 s5;
	_ =	sdelay $0x1  }
0xa7: {  	s23 =	simm.s32 $0x1B8B  }
0xa8: {  	_ =	swait.ge [sflag:s23], $0x1  }
0xa9: {  	[sflag:s23] =	ssyncset.done $0x0  }
0xaa: {  	s25 =	simm.s32 $0x1B8E;
	s24 =	sld [smem:$0x3FFE];
	[sflag:s23] =	ssyncadd.s32 $0xFFFFFFFF  }
0xab: {  	s26 =	simm.s32 $execute0_lowered;
	[smem:$0x3FD2] =	sst s25  }
0xac: {  	s6 =	sshll.u32 s26, $0x1;
	_ =	strace $0x8000004F;
	[dreg:$0x1] =	wrdreg $0xFFFFFFFF  }
0xad: {  	s28 =	simm.s32 $_size_execute0_lowered;
	s4 =	sadd.s32 s4, s6;
	[dreg:$0x0] =	wrdreg $0x0  }
0xae: {  	s6 =	sshll.u32 s28, $0x1;
	[dreg:$0x2] =	wrdreg s4  }
0xaf: {  	[dreg:$0x3] =	wrdreg s6  }
0xb0: {  	[dreg:$0x4] =	wrdreg $0xC0  }
0xb1: {  	_ =	task [dreg:s8], $0x5FFFF  }
0xb2: {  	[dreg:$0x1] =	wrdreg $0xFFFFFFFF  }
0xb3: {  	[dreg:$0x0] =	wrdreg $0x60  }
0xb4: {  	[dreg:$0x2] =	wrdreg s16  }
0xb5: {  	[dreg:$0x3] =	wrdreg s24  }
0xb6: {  	[dreg:$0x4] =	wrdreg s17  }
0xb7: {  	[dreg:$0x5] =	wrdreg $0x90000  }
0xb8: {  	[dreg:$0x6] =	wrdreg $0x9  }
0xb9: {  	_ =	task.clear_ibuf [dreg:s8], $0x7FFFF;
	_ =	strace $0x9000004F  }
0xba: {  	s29 =	simm.s32 $0x9;
	_ =	strace $0x80000051  }
0xbb: {  	_ =	swait.ge [sflag:s29], $0x1  }
0xbc: {  	[sflag:s29] =	ssyncadd.s32 $0xFFFFFFFF  }
0xbd: {  	_ =	strace $0x90000051  }
0xbe: {  	_ =	sfence  }
0xbf: {  	s30 =	sld [smem:$0x0];
	_ =	sdelay $0x2  }
0xc0: {  	s31 =	sshll.u32 s1, $0xD;
	s1 =	sshrl.u32 s1, $0x2  }
0xc1: {  	s3 =	sand.u32 $0x4000, s31;
	s1 =	sadd.s32 s1, s30  }
0xc2: {  	s0 =	sor.u32 s3, s0;
	s1 =	sshll.u32 s1, $0x11  }
0xc3: {  	s0 =	sor.u32 s1, s0  }
0xc4: {  	s0 =	sadd.s32 $0x8F2B, s0  }
0xc5: {  	[sflag:s0] =	ssyncadd.remote.s32 $0x1  }
0xc6: {  	_ =	sfence.sel $0xFFFF  }
0xc7: {  	[dreg:$0x0] =	wrdreg $0xFFFFFFFF;
	(pc) =	sbr.abs _section_cstart, $3  }
0xc8: {  	[dreg:$0x1] =	wrdreg $0xFFFFFFFF  }
0xc9: {  	_ =	task.clear_ibuf [dreg:s8], $0x2FFFF;
	_ =	strace $0x9FFFFFFF  }
0xca: {  	(tm) =	ssettm $0x7FFFFFFF  }
0xcb: {  	_ =	shalt  }
tec
execute0_lowered:
.L_overlay_start_1:
0x0: {  	(tag) =	ssettag $0x1  }
0x1: {  	s0 =	rddreg [dreg:$0x0]  }
0x2: {  	s6 =	rddreg [dreg:$0x1]  }
0x3: {  	s3 =	rddreg [dreg:$0x2];
	s1 =	srdreg.scid  }
0x4: {  	s4 =	rddreg [dreg:$0x3];
	s2 =	stileid.u32  }
0x5: {  	s5 =	simm.s32 $0x0;
	s14 =	simm.s32 $0x40;
	s15 =	simm.s32 $0x5000  }
0x6: {  	s16 =	simm.s32 $0x1;
	s17 =	simm.s32 $0x7000;
	s18 =	simm.s32 $0x2740  }
0x7: {  	s19 =	simm.s32 $0x4F00;
	s20 =	simm.s32 $0x4F40;
	s21 =	simm.s32 $0x0  }
0x8: {  	s7 =	sand.u32 $0x1, s1;
	s1 =	rddreg [dreg:$0x4];
	s9 =	smul.u32 $0x2800, s2  }
0x9: {  	[smem:$0x7FF] =	sst s5;
	s30 =	smul.u32 $0x50000, s2;
	s11 =	sshll.u32 s2, $0x6  }
0xa: {  	s8 =	sshll.u32 s7, $0x4;
	s10 =	smul.u32 $0x28000, s7;
	s31 =	ssub.s32 $0x2, s7  }
0xb: {  	_ =	strace $0x80000050;
	s8 =	sor.u32 s2, s8;
	s7 =	sshrl.u32 s31, $0x1  }
0xc: {  	s8 =	smul.u32 $0x500, s8;
	s9 =	sadd.s32 s9, s10;
	s10 =	sshrl.u32 s30, $0x2  }
0xd: {  	s12 =	ssub.s32 s31, s7;
	s9 =	sadd.s32 s9, s6;
	s13 =	sadd.s32 s10, s4  }
0xe: {  	s10 =	smax.u32 s12, $0x1;
	s12 =	simm.s32 $0x2;
	s8 =	sadd.s32 s8, s6  }
0xf: {  	s6 =	sor.u32 $0x1C02, s11;
	s9 =	sadd.s32 $0x23000, s9;
	s11 =	sshrl.u32 s13, $0x3  }
0x10: {  	s13 =	simm.s32 $0x2800;
	s7 =	sadd.s32 $0x19000, s8;
	s8 =	sadd.s32 $0x5200, s8  }
.LBB2_1:
0x11: {  	[spmem:s11], [sflag:s6] =	dma.local [hbm:s3], $0x2800  }
0x12: {  	_ =	swait.ge [sflag:s12], $0x2800  }
0x13: {  	[sflag:s12] =	ssyncset.done $0x0  }
0x14: {  	[sflag:s12] =	ssyncadd.s32 $0xFFFFD800  }
0x15: {  	[tilespmem:s5], [sflag:$0x2] =	stream.linear.gather [hbm4b:s7+s5], $0x2780, $0x38;
	[tilespmem:$0x1D000] =	vst v63  }
0x16: {  	_ =	swait.ge [sflag:s12], $0x2780  }
0x17: {  	[sflag:s12] =	ssyncset.done $0x0  }
0x18: {  	[sflag:s12] =	ssyncadd.s32 $0xFFFFD880  }
0x19: {  	[tilespmem:s13], [sflag:$0x2] =	stream.linear.gather [hbm4b:s8+s5], $0x2780, $0x38;
	[tilespmem:$0x1D000] =	vst v63  }
0x1a: {  	_ =	swait.ge [sflag:s12], $0x2780  }
0x1b: {  	[sflag:s12] =	ssyncset.done $0x0  }
0x1c: {  	[sflag:s12] =	ssyncadd.s32 $0xFFFFD880  }
0x1d: {  	[bflag:$0x0] =	sbarrier.arrive $0xFFFF  }
0x1e: {  	[tilespmem:s15], [sflag:$0x1] =	stream.indirect.gather [hbm4b:s0+s14], $0x80, s5, s14, $0xb8;
	[tilespmem:$0x1D000] =	vst v63  }
0x1f: {  	_ =	swait.ge [sflag:s16], $0x2000  }
0x20: {  	[sflag:s16] =	ssyncset.done $0x0  }
0x21: {  	s22 =	simm.s32 $0x40;
	[sflag:s16] =	ssyncadd.s32 $0xFFFFE000  }
0x22: {  	[tilespmem:s17], [sflag:$0x1] =	stream.indirect.gather [hbm4b:s0+s14], $0x80, s22, s14, $0xb8;
	[tilespmem:$0x1D000] =	vst v63  }
0x23: {  	s29 =	simm.s32 $0x2800  }
0x24: {  	[spmem:s4] =	stream.indirect.scatter.add.f32 [tilespmem:s15], [sflag:$0x2], $0x80, s29, s14, $0xb8;
	[tilespmem:$0x1D000] =	vst v63  }
0x25: {  	_ =	swait.ge [sflag:s12], $0x2000  }
0x26: {  	[sflag:s12] =	ssyncset.done $0x0  }
0x27: {  	[sflag:s12] =	ssyncadd.s32 $0xFFFFE000  }
0x28: {  	_ =	swait.ge [sflag:s16], $0x2000  }
0x29: {  	[sflag:s16] =	ssyncset.done $0x0  }
0x2a: {  	s30 =	simm.s32 $0x80;
	[sflag:s16] =	ssyncadd.s32 $0xFFFFE000  }
0x2b: {  	[tilespmem:s15], [sflag:$0x1] =	stream.indirect.gather [hbm4b:s0+s14], $0x80, s30, s14, $0xb8;
	[tilespmem:$0x1D000] =	vst v63  }
0x2c: {  	s31 =	simm.s32 $0x2840  }
0x2d: {  	[spmem:s4] =	stream.indirect.scatter.add.f32 [tilespmem:s17], [sflag:$0x2], $0x80, s31, s14, $0xb8;
	[tilespmem:$0x1D000] =	vst v63  }
0x2e: {  	_ =	swait.ge [sflag:s12], $0x2000  }
0x2f: {  	s22 =	simm.s32 $0x200;
	[sflag:s12] =	ssyncset.done $0x0  }
.LBB2_2:
0x30: {  	p0 =	sne.s32 s22, $0x9A00  }
0x31: {  	[sflag:s12] =	ssyncadd.s32 $0xFFFFE000;
	s23 =	smov.u32 s22;
	s22 =	sadd.s32 $0x200, s22  }
0x32: {  	_ = 	snop  }
0x33: {  	_ =	swait.ge [sflag:s16], $0x2000  }
0x34: {  	s23 =	sshra.s32 s23, $0x2;
	[sflag:s16] =	ssyncset.done $0x0  }
0x35: {  	s24 =	sadd.s32 $0x40, s23;
	[sflag:s16] =	ssyncadd.s32 $0xFFFFE000  }
0x36: {  	[tilespmem:s17], [sflag:$0x1] =	stream.indirect.gather [hbm4b:s0+s14], $0x80, s24, s14, $0xb8;
	[tilespmem:$0x1D000] =	vst v63  }
0x37: {  	s24 =	sadd.s32 $0x2800, s23  }
0x38: {  	[spmem:s4] =	stream.indirect.scatter.add.f32 [tilespmem:s15], [sflag:$0x2], $0x80, s24, s14, $0xb8;
	[tilespmem:$0x1D000] =	vst v63  }
0x39: {  	_ =	swait.ge [sflag:s12], $0x2000  }
0x3a: {  	[sflag:s12] =	ssyncset.done $0x0  }
0x3b: {  	[sflag:s12] =	ssyncadd.s32 $0xFFFFE000  }
0x3c: {  	_ =	swait.ge [sflag:s16], $0x2000  }
0x3d: {  	[sflag:s16] =	ssyncset.done $0x0  }
0x3e: {  	s24 =	sadd.s32 $0x80, s23;
	[sflag:s16] =	ssyncadd.s32 $0xFFFFE000  }
0x3f: {  	[tilespmem:s15], [sflag:$0x1] =	stream.indirect.gather [hbm4b:s0+s14], $0x80, s24, s14, $0xb8;
	[tilespmem:$0x1D000] =	vst v63  }
.Ltmp0:
0x40: {  	_ = 	snop;
	(pc) =	sbr.rel @p0 .LBB2_2-.Ltmp0, $4  }
0x41: {  	s23 =	sadd.s32 $0x2840, s23  }
0x42: {  	[spmem:s4] =	stream.indirect.scatter.add.f32 [tilespmem:s17], [sflag:$0x2], $0x80, s23, s14, $0xb8;
	[tilespmem:$0x1D000] =	vst v63  }
0x43: {  	_ =	swait.ge [sflag:s12], $0x2000  }
0x44: {  	[sflag:s12] =	ssyncset.done $0x0  }
0x45: {  	[sflag:s12] =	ssyncadd.s32 $0xFFFFE000  }
0x46: {  	_ =	swait.ge [sflag:s16], $0x2000  }
0x47: {  	[sflag:s16] =	ssyncset.done $0x0  }
0x48: {  	[sflag:s16] =	ssyncadd.s32 $0xFFFFE000  }
0x49: {  	[tilespmem:s17], [sflag:$0x1] =	stream.indirect.gather [hbm4b:s0+s14], $0x80, s18, s14, $0xb8;
	[tilespmem:$0x1D000] =	vst v63  }
0x4a: {  	_ = 	snop  }
0x4b: {  	[spmem:s4] =	stream.indirect.scatter.add.f32 [tilespmem:s15], [sflag:$0x2], $0x80, s19, s14, $0xb8;
	[tilespmem:$0x1D000] =	vst v63  }
0x4c: {  	_ =	swait.ge [sflag:s12], $0x2000  }
0x4d: {  	[sflag:s12] =	ssyncset.done $0x0  }
0x4e: {  	[sflag:s12] =	ssyncadd.s32 $0xFFFFE000  }
0x4f: {  	_ =	swait.ge [sflag:s16], $0x2000  }
0x50: {  	[sflag:s16] =	ssyncset.done $0x0  }
0x51: {  	[sflag:s16] =	ssyncadd.s32 $0xFFFFE000  }
0x52: {  	[tilespmem:s15], [sflag:$0x1] =	stream.indirect.gather [hbm4b:s0+s14], $0x80, s5, s14, $0xb8;
	[tilespmem:$0x1D000] =	vst v63  }
0x53: {  	_ = 	snop  }
0x54: {  	[spmem:s4] =	stream.indirect.scatter.add.f32 [tilespmem:s17], [sflag:$0x2], $0x80, s20, s14, $0xb8;
	[tilespmem:$0x1D000] =	vst v63  }
0x55: {  	_ =	swait.ge [sflag:s12], $0x2000  }
0x56: {  	[sflag:s12] =	ssyncset.done $0x0  }
0x57: {  	[sflag:s12] =	ssyncadd.s32 $0xFFFFE000  }
0x58: {  	_ =	swait.ge [sflag:s16], $0x2000  }
0x59: {  	s21 =	sadd.s32 $0x1, s21;
	[sflag:s16] =	ssyncset.done $0x0  }
0x5a: {  	p0 =	sne.s32 s21, s10;
	[sflag:s16] =	ssyncadd.s32 $0xFFFFE000  }
.Ltmp1:
0x5b: {  	[bflag:$0x0] =	sbarrier.arrive $0xFFFF;
	(pc) =	sbr.rel @p0 .LBB2_1-.Ltmp1, $4  }
0x5c: {  	[hbm:s9], [sflag:s6] =	dma.local [spmem:s11], $0x2800  }
0x5d: {  	_ =	swait.ge [sflag:s12], $0x2800  }
0x5e: {  	[sflag:s12] =	ssyncset.done $0x0  }
0x5f: {  	[sflag:s12] =	ssyncadd.s32 $0xFFFFD800  }
0x60: {  	_ =	sfence.sel $0x180000  }
0x61: {  	[bflag:$0x0] =	sbarrier.arrive $0xFFFF  }
0x62: {  	p0 =	sne.s32 s2, $0x0;
	_ =	strace $0x90000050  }
0x63: {  	s0 =	sadd.s32 @!p0 $0x100000, s1;
	[bflag:$0x2] =	sbarrier.arrive $0xFFFF  }
0x64: {  	[sflag:s0] =	ssyncadd.tile.s32 @!p0 $0x1;
	_ =	shalt  }
.Lfunc_end2:
_tile_overlayer_lowered:
.L_overlay_start_2:
0x65: {  	(tag) =	ssettag $0x2  }
0x66: {  	s0 =	rddreg [dreg:$0x0];
	s2 =	stileid.u32  }
0x67: {  	s1 =	rddreg [dreg:$0x1];
	p0 =	sne.s32 s2, $0x0  }
0x68: {  	s3 =	rddreg [dreg:$0x2];
	[bflag:$0x3] =	sbarrier.arrive $0xFFFF;
	s2 =	simm.s32 @!p0 $0x1C02  }
0x69: {  	[timem:s3], [sflag:s2] =	dma.local @!p0 [hbm:s0], s1  }
0x6a: {  	s0 =	simm.s32 @!p0 $0x2  }
0x6b: {  	_ =	swait.ge @!p0 [sflag:s0], s1  }
0x6c: {  	s1 =	ssub.s32 @!p0 $0x0, s1;
	[sflag:s0] =	ssyncset.done @!p0 $0x0  }
0x6d: {  	[sflag:s0] =	ssyncadd.s32 @!p0 s1  }
0x6e: {  	[bflag:$0x3] =	sbarrier.arrive $0xFFFF  }
0x6f: {  	_ =	shalt  }

// kernel: kernel.24.cloned.1.call-start
scs
__scs_entry_jumppad:
0x0: {  	(pc) =	sbr.rel $0x88, $3  }
0x1: {  	(tag) =	ssettag $0x0;
	lr =	simm.s32 $0x1  }
0x2: {  	[smem:$0x3F89] =	sst lr;
	_ =	strace $0xD0000000  }
0x3: {  	_ = 	snop  }
0x4: {  	_ = 	snop  }
0x5: {  	_ = 	snop  }
0x6: {  	_ = 	snop  }
0x7: {  	_ = 	snop  }
__scs_overlays_trampoline_lowered:
0x8: {  	[smem:$0x3F98] =	sst s0  }
0x9: {  	[smem:$0x3F99] =	sst s1  }
0xa: {  	[smem:$0x3F9A] =	sst s2  }
0xb: {  	[smem:$0x3F9B] =	sst s3  }
0xc: {  	[smem:$0x3F9C] =	sst s4  }
0xd: {  	[smem:$0x3F9D] =	sst s5  }
0xe: {  	[smem:$0x3F9E] =	sst s6  }
0xf: {  	[smem:$0x3F9F] =	sst s7  }
0x10: {  	[smem:$0x3FA0] =	sst s8  }
0x11: {  	[smem:$0x3FA1] =	sst s9;
	s0 =	simm.s32 @!p0 $0x0  }
0x12: {  	s1 =	sld [smem:$0x3F87];
	s0 =	simm.s32 @p0 $0x1  }
0x13: {  	[smem:$0x3FA2] =	sst s0;
	s0 =	simm.s32 @!p1 $0x0  }
0x14: {  	s2 =	sld [smem:$0x3F86];
	s0 =	simm.s32 @p1 $0x1  }
0x15: {  	[smem:$0x3FA3] =	sst s0;
	s0 =	simm.s32 @!p2 $0x0  }
0x16: {  	s3 =	sld [smem:$0x3FDB];
	s0 =	simm.s32 @p2 $0x1  }
0x17: {  	s4 =	simm.s32 $0x1BF5;
	[smem:$0x3FA5] =	sst s0  }
0x18: {  	s0 =	sld [smem:$0x3F88];
	_ =	swait.ge [sflag:s4], $0x0  }
0x19: {  	s7 =	sld [smem:$0x3F89]  }
0x1a: {  	s8 =	sadd.s32 $0xFFFFE003, lr  }
0x1b: {  	s9 =	sadd.s32 $0xFFFFFEF7, lr;
	s5 =	simm.s32 $0xFFFFFFFF;
	p2 =	slt.u32 s8, $0xFFFFF086  }
0x1c: {  	p1 =	slt.u32 s9, $0xF7A;
	s5 =	simm.s32 @!p2 $0x0  }
0x1d: {  	s5 =	simm.s32 @p1 $0x1;
	p0 =	seq.s32 s7, s2  }
0x1e: {  	s7 =	smul.u32 @!p0 $0xF7A, s2;
	p2 =	seq.s32 @!p0 s5, $0x0  }
0x1f: {  	s9 =	smul.u32 $0xF7A, s1;
	s8 =	simm.s32 @!p0 $0x1BF5;
	p2 =	por !p2, p0  }
0x20: {  	[sflag:s8] =	ssyncset.s32 @!p0 $0xFFFFF086;
	s6 =	sadd.s32 @!p0 s3, s7;
	s7 =	simm.s32 @!p0 $0x108  }
0x21: {  	s3 =	sadd.s32 s3, s9;
	s6 =	sadd.s32 @!p0 $0x88, s6;
	s7 =	simm.s32 @p2 $0x1082  }
0x22: {  	[simem:s7], [sflag:s8] =	dma.local @!p0 [hbm:s6], $0xF7A  }
0x23: {  	s9 =	sor.u32 $0xD0000000, s2;
	s6 =	simm.s32 $0x108;
	_ =	swait.ge @!p0 [sflag:s8], $0x0  }
0x24: {  	s3 =	sadd.s32 $0x88, s3;
	s6 =	simm.s32 @!p1 $0x1082;
	[sflag:s4] =	ssyncset.s32 $0xFFFFF086  }
0x25: {  	[simem:s6], [sflag:s4] =	dma.local [hbm:s3], $0xF7A  }
0x26: {  	[smem:$0x3F89] =	sst s1;
	(tag) =	ssettag s2;
	_ =	strace s9  }
0x27: {  	s1 =	sld [smem:$0x3F99]  }
0x28: {  	s2 =	sld [smem:$0x3F9A]  }
0x29: {  	s4 =	sld [smem:$0x3F9C]  }
0x2a: {  	p0 =	seq.s32 s5, $0x0;
	s5 =	sld [smem:$0x3F9D]  }
0x2b: {  	s6 =	sld [smem:$0x3F9E]  }
0x2c: {  	s7 =	sld [smem:$0x3F9F]  }
0x2d: {  	s3 =	simm.s32 $0x108;
	s8 =	sld [smem:$0x3FA0]  }
0x2e: {  	s3 =	simm.s32 @!p0 $0x1082;
	s9 =	sld [smem:$0x3FA1]  }
0x2f: {  	lr =	sadd.s32 s0, s3;
	s0 =	sld [smem:$0x3F98]  }
0x30: {  	s3 =	sld [smem:$0x3F9B]  }
0x31: {  	[smem:$0x3FA4] =	sst s10  }
0x32: {  	s10 =	sld [smem:$0x3FA2];
	_ =	sdelay $0x3  }
0x33: {  	p0 =	seq.s32 s10, $0x1;
	s10 =	sld [smem:$0x3FA4];
	_ =	sdelay $0x3  }
0x34: {  	[smem:$0x3FA4] =	sst s10  }
0x35: {  	s10 =	sld [smem:$0x3FA3];
	_ =	sdelay $0x3  }
0x36: {  	p1 =	seq.s32 s10, $0x1;
	s10 =	sld [smem:$0x3FA4];
	_ =	sdelay $0x3  }
0x37: {  	[smem:$0x3FA4] =	sst s10  }
0x38: {  	s10 =	sld [smem:$0x3FA5]  }
0x39: {  	_ = 	snop;
	(pc) =	sbr.ind lr, $3  }
0x3a: {  	_ = 	snop  }
0x3b: {  	_ = 	snop  }
0x3c: {  	p2 =	seq.s32 s10, $0x1;
	s10 =	sld [smem:$0x3FA4]  }
0x3d: {  	_ =	shalt  }
0x3e: {  	_ =	shalt  }
0x3f: {  	_ =	shalt  }
0x40: {  	_ =	shalt  }
0x41: {  	_ =	shalt  }
0x42: {  	_ =	shalt  }
0x43: {  	_ =	shalt  }
0x44: {  	_ =	shalt  }
0x45: {  	_ =	shalt  }
0x46: {  	_ =	shalt  }
0x47: {  	_ =	shalt  }
0x48: {  	_ =	shalt  }
0x49: {  	_ =	shalt  }
0x4a: {  	_ =	shalt  }
0x4b: {  	_ =	shalt  }
0x4c: {  	_ =	shalt  }
0x4d: {  	_ =	shalt  }
0x4e: {  	_ =	shalt  }
0x4f: {  	_ =	shalt  }
0x50: {  	_ =	shalt  }
0x51: {  	_ =	shalt  }
0x52: {  	_ =	shalt  }
0x53: {  	_ =	shalt  }
0x54: {  	_ =	shalt  }
0x55: {  	_ =	shalt  }
0x56: {  	_ =	shalt  }
0x57: {  	_ =	shalt  }
0x58: {  	_ =	shalt  }
0x59: {  	_ =	shalt  }
0x5a: {  	_ =	shalt  }
0x5b: {  	_ =	shalt  }
0x5c: {  	_ =	shalt  }
0x5d: {  	_ =	shalt  }
0x5e: {  	_ =	shalt  }
0x5f: {  	_ =	shalt  }
0x60: {  	_ =	shalt  }
0x61: {  	_ =	shalt  }
0x62: {  	_ =	shalt  }
0x63: {  	_ =	shalt  }
0x64: {  	_ =	shalt  }
0x65: {  	_ =	shalt  }
0x66: {  	_ =	shalt  }
0x67: {  	_ =	shalt  }
0x68: {  	_ =	shalt  }
0x69: {  	_ =	shalt  }
0x6a: {  	_ =	shalt  }
0x6b: {  	_ =	shalt  }
0x6c: {  	_ =	shalt  }
0x6d: {  	_ =	shalt  }
0x6e: {  	_ =	shalt  }
0x6f: {  	_ =	shalt  }
0x70: {  	_ =	shalt  }
0x71: {  	_ =	shalt  }
0x72: {  	_ =	shalt  }
0x73: {  	_ =	shalt  }
0x74: {  	_ =	shalt  }
0x75: {  	_ =	shalt  }
0x76: {  	_ =	shalt  }
0x77: {  	_ =	shalt  }
0x78: {  	_ =	shalt  }
0x79: {  	_ =	shalt  }
0x7a: {  	_ =	shalt  }
0x7b: {  	_ =	shalt  }
0x7c: {  	_ =	shalt  }
0x7d: {  	_ =	shalt  }
0x7e: {  	_ =	shalt  }
0x7f: {  	_ =	shalt  }
0x80: {  	_ =	shalt  }
0x81: {  	_ =	shalt  }
0x82: {  	_ =	shalt  }
0x83: {  	_ =	shalt  }
0x84: {  	_ =	shalt  }
0x85: {  	_ =	shalt  }
0x86: {  	_ =	shalt  }
0x87: {  	_ =	shalt  }
.Lfunc_end0:
.L_simem_size_0:
called_computation.4_lowered:
.L_overlay_start_0:
0x88: {  	s2 =	sld [smem:$0x3FD9]  }
0x89: {  	s3 =	sld [smem:$0x3FFE];
	_ =	sdelay $0x1  }
0x8a: {  	s1 =	srdreg.scid  }
0x8b: {  	s0 =	sand.u32 $0x1, s1  }
0x8c: {  	s16 =	sshll.u32 s0, $0xA;
	s2 =	sadd.s32 s3, s2  }
0x8d: {  	s2 =	sadd.s32 s2, s16  }
0x8e: {  	[smem:$0x3FB0] =	sst s2  }
0x8f: {  	_ = 	snop  }
0x90: {  	(tm) =	ssettm $0x1  }
0x91: {  	s17 =	sld [smem:$0x3FFB];
	_ =	sdelay $0x3  }
0x92: {  	_ =	strace s17  }
0x93: {  	s2 =	sld [smem:$0x3FFC];
	_ =	sdelay $0x3  }
0x94: {  	_ =	strace s2  }
0x95: {  	s2 =	sld [smem:$0x3FFD];
	_ =	sdelay $0x3  }
0x96: {  	_ =	strace s2  }
0x97: {  	_ =	strace $0x8FFFFFFF  }
0x98: {  	s18 =	sld [smem:$0x3FDB];
	_ =	sdelay $0x1  }
0x99: {  	s19 =	simm.s32 $_scs_section_size  }
0x9a: {  	s4 =	simm.s32 $_size__tile_overlayer_lowered;
	s5 =	simm.s32 $_tile_overlayer_lowered  }
0x9b: {  	s22 =	simm.s32 $0x1BFF;
	s21 =	sshll.u32 s5, $0x1;
	s2 =	sadd.s32 s19, s18  }
0x9c: {  	s6 =	simm.s32 $0x0;
	s20 =	sshll.u32 s4, $0x1;
	s4 =	sadd.s32 s21, s2  }
0x9d: {  	[timem:s6], [sflag:s22] =	dma.local [hbm:s4], s20  }
0x9e: {  	_ =	swait.ge [sflag:s22], s20  }
0x9f: {  	s3 =	ssub.s32 $0x0, s20;
	[sflag:s22] =	ssyncset.done $0x0  }
0xa0: {  	[sflag:s22] =	ssyncadd.s32 s3;
	_ =	sdelay $0x1  }
0xa1: {  	s23 =	simm.s32 $0x1B8B  }
0xa2: {  	_ =	swait.ge [sflag:s23], $0x1  }
0xa3: {  	[sflag:s23] =	ssyncset.done $0x0  }
0xa4: {  	s25 =	simm.s32 $0x1B8E;
	s24 =	sld [smem:$0x3FFE];
	[sflag:s23] =	ssyncadd.s32 $0xFFFFFFFF  }
0xa5: {  	s26 =	simm.s32 $execute0_lowered;
	[smem:$0x3FD2] =	sst s25  }
0xa6: {  	s4 =	sshll.u32 s26, $0x1;
	_ =	strace $0x80000052;
	[dreg:$0x1] =	wrdreg $0xFFFFFFFF  }
0xa7: {  	s28 =	simm.s32 $_size_execute0_lowered;
	s2 =	sadd.s32 s2, s4;
	[dreg:$0x0] =	wrdreg $0x0  }
0xa8: {  	s4 =	sshll.u32 s28, $0x1;
	[dreg:$0x2] =	wrdreg s2  }
0xa9: {  	[dreg:$0x3] =	wrdreg s4  }
0xaa: {  	[dreg:$0x4] =	wrdreg $0xC0  }
0xab: {  	_ =	task [dreg:s6], $0x5FFFF  }
0xac: {  	[dreg:$0x1] =	wrdreg $0xFFFFFFFF  }
0xad: {  	[dreg:$0x0] =	wrdreg $0x60  }
0xae: {  	[dreg:$0x2] =	wrdreg s24  }
0xaf: {  	[dreg:$0x3] =	wrdreg $0x9  }
0xb0: {  	_ =	task.clear_ibuf [dreg:s6], $0x4FFFF;
	_ =	strace $0x90000052  }
0xb1: {  	s29 =	simm.s32 $0x9;
	_ =	strace $0x80000054  }
0xb2: {  	_ =	swait.ge [sflag:s29], $0x1  }
0xb3: {  	[sflag:s29] =	ssyncadd.s32 $0xFFFFFFFF  }
0xb4: {  	_ =	strace $0x90000054  }
0xb5: {  	_ =	sfence  }
0xb6: {  	s30 =	sld [smem:$0x0];
	_ =	sdelay $0x2  }
0xb7: {  	s31 =	sshll.u32 s1, $0xD;
	s1 =	sshrl.u32 s1, $0x2  }
0xb8: {  	s3 =	sand.u32 $0x4000, s31;
	s1 =	sadd.s32 s1, s30  }
0xb9: {  	s0 =	sor.u32 s3, s0;
	s1 =	sshll.u32 s1, $0x11  }
0xba: {  	s0 =	sor.u32 s1, s0  }
0xbb: {  	s0 =	sadd.s32 $0x8F2B, s0  }
0xbc: {  	[sflag:s0] =	ssyncadd.remote.s32 $0x1  }
0xbd: {  	_ =	sfence.sel $0xFFFF  }
0xbe: {  	[dreg:$0x0] =	wrdreg $0xFFFFFFFF;
	(pc) =	sbr.abs _section_cstart, $3  }
0xbf: {  	[dreg:$0x1] =	wrdreg $0xFFFFFFFF  }
0xc0: {  	_ =	task.clear_ibuf [dreg:s6], $0x2FFFF;
	_ =	strace $0x9FFFFFFF  }
0xc1: {  	(tm) =	ssettm $0x7FFFFFFF  }
tec
execute0_lowered:
.L_overlay_start_1:
0x0: {  	(tag) =	ssettag $0x1  }
0x1: {  	s5 =	rddreg [dreg:$0x0];
	s1 =	srdreg.scid  }
0x2: {  	s0 =	rddreg [dreg:$0x1];
	s2 =	simm.s32 $0x0;
	s14 =	simm.s32 $0x5000  }
0x3: {  	s15 =	simm.s32 $0x1;
	s16 =	simm.s32 $0x9000;
	s17 =	simm.s32 $0x2  }
0x4: {  	s18 =	simm.s32 $0x4F00;
	s6 =	sand.u32 $0x1, s1;
	s1 =	stileid.u32  }
0x5: {  	s19 =	simm.s32 $0x0;
	[smem:$0x7FF] =	sst s2;
	s10 =	smul.u32 $0x13C0000, s6  }
0x6: {  	s4 =	sadd.s32 $0x2C400, s5;
	s11 =	sadd.s32 $0xD7200, s5;
	s12 =	smul.u32 $0x13C000, s1  }
0x7: {  	s3 =	sshll.u32 s6, $0x4;
	_ =	strace $0x80000053;
	s13 =	smul.u32 $0x278000, s6  }
0x8: {  	s9 =	ssub.s32 $0x2, s6;
	s30 =	smul.u32 $0x27800, s1;
	s7 =	sor.u32 s1, s3  }
0x9: {  	s3 =	sadd.s32 $0x5200, s5;
	s29 =	sshrl.u32 s9, $0x1;
	s8 =	smul.u32 $0x500, s7  }
0xa: {  	s7 =	smul.u32 $0x13C000, s7;
	s9 =	ssub.s32 s9, s29;
	s10 =	sadd.s32 s12, s10  }
0xb: {  	s31 =	sadd.s32 s13, s11;
	s13 =	simm.s32 $0x80;
	s10 =	sshrl.u32 s10, $0x3  }
0xc: {  	s12 =	sadd.s32 s30, s31;
	s8 =	sadd.s32 s8, s5;
	s7 =	sshrl.u32 s7, $0x3  }
0xd: {  	s5 =	sadd.s32 $0xC3200, s8;
	s6 =	sadd.s32 $0xCD200, s8;
	s7 =	sadd.s32 s11, s7  }
0xe: {  	s8 =	smax.u32 s9, $0x1;
	s9 =	sadd.s32 s10, s11;
	s10 =	sadd.s32 $0x800, s12  }
0xf: {  	s11 =	simm.s32 $0x3;
	s12 =	simm.s32 $0x2800;
	s7 =	sadd.s32 $0x27000, s7  }
.LBB2_1:
0x10: {  	[tilespmem:s2], [sflag:$0x3] =	stream.linear.gather [hbm4b:s5+s2], $0x2780, $0x38;
	[tilespmem:$0xD000] =	vst v63  }
0x11: {  	_ =	swait.ge [sflag:s11], $0x2780  }
0x12: {  	[sflag:s11] =	ssyncset.done $0x0  }
0x13: {  	[sflag:s11] =	ssyncadd.s32 $0xFFFFD880  }
0x14: {  	[tilespmem:s12], [sflag:$0x3] =	stream.linear.gather [hbm4b:s6+s2], $0x2780, $0x38;
	[tilespmem:$0xD000] =	vst v63  }
0x15: {  	_ =	swait.ge [sflag:s11], $0x2780  }
0x16: {  	[sflag:s11] =	ssyncset.done $0x0  }
0x17: {  	[sflag:s11] =	ssyncadd.s32 $0xFFFFD880  }
0x18: {  	[tilespmem:s14], [sflag:$0x1] =	stream.indirect.gather [hbm4b:s3+s13], $0x80, s2, s13, $0xb8;
	[tilespmem:$0xD000] =	vst v63  }
0x19: {  	_ =	swait.ge [sflag:s15], $0x4000  }
0x1a: {  	[sflag:s15] =	ssyncset.done $0x0  }
0x1b: {  	s20 =	simm.s32 $0x80;
	[sflag:s15] =	ssyncadd.s32 $0xFFFFC000  }
0x1c: {  	[tilespmem:s16], [sflag:$0x1] =	stream.indirect.gather [hbm4b:s3+s13], $0x80, s20, s13, $0xb8;
	[tilespmem:$0xD000] =	vst v63  }
0x1d: {  	s29 =	simm.s32 $0x2800  }
0x1e: {  	[tilespmem:s14], [sflag:$0x3] =	stream.indirect.gather.add.f32 [hbm:s4], $0x80, s29, s13, $0xb8;
	[tilespmem:$0xD000] =	vst v63  }
0x1f: {  	_ =	swait.ge [sflag:s11], $0x4000  }
0x20: {  	[sflag:s11] =	ssyncset.done $0x0  }
0x21: {  	[sflag:s11] =	ssyncadd.s32 $0xFFFFC000  }
0x22: {  	[hbm4b:s9+s2] =	stream.linear.scatter [tilespmem:s14], [sflag:$0x2], $0x4000, $0x38;
	[tilespmem:$0xD000] =	vst v63  }
0x23: {  	_ =	swait.ge [sflag:s17], $0x4000  }
0x24: {  	[sflag:s17] =	ssyncset.done $0x0  }
0x25: {  	[sflag:s17] =	ssyncadd.s32 $0xFFFFC000  }
0x26: {  	_ =	swait.ge [sflag:s15], $0x4000  }
0x27: {  	[sflag:s15] =	ssyncset.done $0x0  }
0x28: {  	s30 =	simm.s32 $0x100;
	[sflag:s15] =	ssyncadd.s32 $0xFFFFC000  }
0x29: {  	[tilespmem:s14], [sflag:$0x1] =	stream.indirect.gather [hbm4b:s3+s13], $0x80, s30, s13, $0xb8;
	[tilespmem:$0xD000] =	vst v63  }
0x2a: {  	s31 =	simm.s32 $0x2880  }
0x2b: {  	[tilespmem:s16], [sflag:$0x3] =	stream.indirect.gather.add.f32 [hbm:s4], $0x80, s31, s13, $0xb8;
	[tilespmem:$0xD000] =	vst v63  }
0x2c: {  	_ =	swait.ge [sflag:s11], $0x4000  }
0x2d: {  	[sflag:s11] =	ssyncset.done $0x0  }
0x2e: {  	[sflag:s11] =	ssyncadd.s32 $0xFFFFC000  }
0x2f: {  	[hbm4b:s10+s2] =	stream.linear.scatter [tilespmem:s16], [sflag:$0x2], $0x4000, $0x38;
	[tilespmem:$0xD000] =	vst v63  }
0x30: {  	s21 =	smov.u32 s9;
	_ =	swait.ge [sflag:s17], $0x4000  }
0x31: {  	s22 =	smov.u32 s10;
	s20 =	simm.s32 $0x400;
	[sflag:s17] =	ssyncset.done $0x0  }
.LBB2_2:
0x32: {  	[sflag:s17] =	ssyncadd.s32 $0xFFFFC000  }
0x33: {  	s21 =	sadd.s32 $0x1000, s21;
	s22 =	sadd.s32 $0x1000, s22;
	s23 =	smov.u32 s20  }
0x34: {  	p0 =	sne.s32 s20, $0x9800;
	s20 =	sadd.s32 $0x400, s20;
	_ =	swait.ge [sflag:s15], $0x4000  }
0x35: {  	s23 =	sshra.s32 s23, $0x2;
	[sflag:s15] =	ssyncset.done $0x0  }
0x36: {  	s24 =	sadd.s32 $0x80, s23;
	[sflag:s15] =	ssyncadd.s32 $0xFFFFC000  }
0x37: {  	[tilespmem:s16], [sflag:$0x1] =	stream.indirect.gather [hbm4b:s3+s13], $0x80, s24, s13, $0xb8;
	[tilespmem:$0xD000] =	vst v63  }
0x38: {  	s24 =	sadd.s32 $0x2800, s23  }
0x39: {  	[tilespmem:s14], [sflag:$0x3] =	stream.indirect.gather.add.f32 [hbm:s4], $0x80, s24, s13, $0xb8;
	[tilespmem:$0xD000] =	vst v63  }
0x3a: {  	_ =	swait.ge [sflag:s11], $0x4000  }
0x3b: {  	[sflag:s11] =	ssyncset.done $0x0  }
0x3c: {  	[sflag:s11] =	ssyncadd.s32 $0xFFFFC000  }
0x3d: {  	[hbm4b:s21+s2] =	stream.linear.scatter [tilespmem:s14], [sflag:$0x2], $0x4000, $0x38;
	[tilespmem:$0xD000] =	vst v63  }
0x3e: {  	_ =	swait.ge [sflag:s17], $0x4000  }
0x3f: {  	[sflag:s17] =	ssyncset.done $0x0  }
0x40: {  	[sflag:s17] =	ssyncadd.s32 $0xFFFFC000  }
0x41: {  	_ =	swait.ge [sflag:s15], $0x4000  }
0x42: {  	[sflag:s15] =	ssyncset.done $0x0  }
0x43: {  	s24 =	sadd.s32 $0x100, s23;
	[sflag:s15] =	ssyncadd.s32 $0xFFFFC000  }
0x44: {  	[tilespmem:s14], [sflag:$0x1] =	stream.indirect.gather [hbm4b:s3+s13], $0x80, s24, s13, $0xb8;
	[tilespmem:$0xD000] =	vst v63  }
0x45: {  	s23 =	sadd.s32 $0x2880, s23  }
0x46: {  	[tilespmem:s16], [sflag:$0x3] =	stream.indirect.gather.add.f32 [hbm:s4], $0x80, s23, s13, $0xb8;
	[tilespmem:$0xD000] =	vst v63  }
0x47: {  	_ =	swait.ge [sflag:s11], $0x4000  }
.Ltmp0:
0x48: {  	[sflag:s11] =	ssyncset.done $0x0;
	(pc) =	sbr.rel @p0 .LBB2_2-.Ltmp0, $4  }
0x49: {  	[sflag:s11] =	ssyncadd.s32 $0xFFFFC000  }
0x4a: {  	[hbm4b:s22+s2] =	stream.linear.scatter [tilespmem:s16], [sflag:$0x2], $0x4000, $0x38;
	[tilespmem:$0xD000] =	vst v63  }
0x4b: {  	_ =	swait.ge [sflag:s17], $0x4000  }
0x4c: {  	[sflag:s17] =	ssyncset.done $0x0  }
0x4d: {  	[sflag:s17] =	ssyncadd.s32 $0xFFFFC000  }
0x4e: {  	_ =	swait.ge [sflag:s15], $0x4000  }
0x4f: {  	[sflag:s15] =	ssyncset.done $0x0  }
0x50: {  	[sflag:s15] =	ssyncadd.s32 $0xFFFFC000  }
0x51: {  	[tilespmem:s14], [sflag:$0x3] =	stream.indirect.gather.add.f32 [hbm:s4], $0x80, s18, s13, $0xb8;
	[tilespmem:$0xD000] =	vst v63  }
0x52: {  	s19 =	sadd.s32 $0x1, s19;
	_ =	swait.ge [sflag:s11], $0x4000  }
0x53: {  	p0 =	sne.s32 s19, s8;
	[sflag:s11] =	ssyncset.done $0x0  }
.Ltmp1:
0x54: {  	[sflag:s11] =	ssyncadd.s32 $0xFFFFC000;
	(pc) =	sbr.rel @p0 .LBB2_1-.Ltmp1, $4  }
0x55: {  	[hbm4b:s7+s2] =	stream.linear.scatter [tilespmem:s14], [sflag:$0x2], $0x4000, $0x38;
	[tilespmem:$0xD000] =	vst v63  }
0x56: {  	_ =	swait.ge [sflag:s17], $0x4000  }
0x57: {  	[sflag:s17] =	ssyncset.done $0x0  }
0x58: {  	[sflag:s17] =	ssyncadd.s32 $0xFFFFC000  }
0x59: {  	_ =	sfence.sel $0x180000  }
0x5a: {  	[bflag:$0x0] =	sbarrier.arrive $0xFFFF  }
0x5b: {  	p0 =	sne.s32 s1, $0x0;
	_ =	strace $0x90000053  }
0x5c: {  	s0 =	sadd.s32 @!p0 $0x100000, s0;
	[bflag:$0x2] =	sbarrier.arrive $0xFFFF  }
0x5d: {  	[sflag:s0] =	ssyncadd.tile.s32 @!p0 $0x1;
	_ =	shalt  }
.Lfunc_end2:
_tile_overlayer_lowered:
.L_overlay_start_2:
0x5e: {  	(tag) =	ssettag $0x2  }
0x5f: {  	s0 =	rddreg [dreg:$0x0];
	s2 =	stileid.u32  }
0x60: {  	s1 =	rddreg [dreg:$0x1];
	p0 =	sne.s32 s2, $0x0  }
0x61: {  	s3 =	rddreg [dreg:$0x2];
	[bflag:$0x3] =	sbarrier.arrive $0xFFFF;
	s2 =	simm.s32 @!p0 $0x1C03  }
0x62: {  	[timem:s3], [sflag:s2] =	dma.local @!p0 [hbm:s0], s1  }
0x63: {  	s0 =	simm.s32 @!p0 $0x3  }
0x64: {  	_ =	swait.ge @!p0 [sflag:s0], s1  }
0x65: {  	s1 =	ssub.s32 @!p0 $0x0, s1;
	[sflag:s0] =	ssyncset.done @!p0 $0x0  }
0x66: {  	[sflag:s0] =	ssyncadd.s32 @!p0 s1  }
0x67: {  	[bflag:$0x3] =	sbarrier.arrive $0xFFFF  }
0x68: {  	_ =	shalt  }

</sc_bundles>
